<compile_context>
chip_gen: v7x
topology: tpu7x:2x2x1
jax: 0.10.2.dev20260603
libtpu: 0.0.44.dev20260713+nightly
codegen_flags: <defaults>
</compile_context>

<pallas_src>
import functools

import jax
import jax.numpy as jnp
from jax import lax
from jax.experimental import pallas as pl
from jax.experimental.pallas import tpu as pltpu
from jax.experimental.pallas import tpu_sc as plsc

_TABLE_SIZE = 1000000
_K = 8
_BATCH = 16384

_NC = 2
_NS = 16
_NW = _NC * _NS
_BPW = _BATCH // _NW
_SUB = 16
_NSUB = _BPW // _SUB
_TW = 128


@functools.partial(
    pl.kernel,
    out_type=(
        jax.ShapeDtypeStruct((_K, _BATCH), jnp.int32),
        jax.ShapeDtypeStruct((_K, _BATCH), jnp.float32),
    ),
    mesh=plsc.VectorSubcoreMesh(core_axis_name="c", subcore_axis_name="s"),
    scratch_types=[
        pltpu.VMEM((_BPW,), jnp.int32),
        pltpu.VMEM((_K, _SUB * _TW), jnp.int32),
        pltpu.VMEM((_K, _SUB * _TW), jnp.int32),
        pltpu.VMEM((_K, _SUB * _TW), jnp.float32),
        pltpu.VMEM((_K, _SUB * _TW), jnp.float32),
        pltpu.VMEM((_K, _TW), jnp.int32),
        pltpu.VMEM((_K, _TW), jnp.float32),
        pltpu.SemaphoreType.DMA,
        pltpu.SemaphoreType.DMA,
        pltpu.SemaphoreType.DMA,
        pltpu.SemaphoreType.DMA,
    ],
    compiler_params=pltpu.CompilerParams(
        disable_bounds_checks=True, needs_layout_passes=False),
)
def _gather_kernel(idx_hbm, cand_hbm, prob_hbm, cand_out, prob_out,
                   idx_v, blk_c0, blk_c1, blk_p0, blk_p1, stg_c, stg_p,
                   sem_c0, sem_c1, sem_p0, sem_p1):
    wid = lax.axis_index("s") * _NC + lax.axis_index("c")
    base = wid * _BPW
    pltpu.sync_copy(idx_hbm.at[pl.ds(base, _BPW)], idx_v)
    lanes = lax.iota(jnp.int32, 16)
    blks = ((blk_c0, blk_p0, sem_c0, sem_p0), (blk_c1, blk_p1, sem_c1, sem_p1))

    def fire(s, bc, bp, sc_, sp_):
        v = idx_v[pl.ds(s * _SUB, 16)]
        t = lax.shift_right_logical(v, 7)
        for j in range(16):
            col = t[j] * _TW
            d = j * _TW
            pltpu.async_copy(cand_hbm.at[:, pl.ds(col, _TW)],
                             bc.at[:, pl.ds(d, _TW)], sc_)
            pltpu.async_copy(prob_hbm.at[:, pl.ds(col, _TW)],
                             bp.at[:, pl.ds(d, _TW)], sp_)

    def drain(bc, bp, sc_, sp_):
        pltpu.make_async_copy(cand_hbm.at[:, pl.ds(0, _SUB * _TW)], bc,
                              sc_).wait()
        pltpu.make_async_copy(prob_hbm.at[:, pl.ds(0, _SUB * _TW)], bp,
                              sp_).wait()

    def extract(s, bc, bp):
        v = idx_v[pl.ds(s * _SUB, 16)]
        col = lanes * _TW + (v & jnp.int32(_TW - 1))
        off = (s % 8) * _SUB
        for k in range(_K):
            row = jnp.full((16,), k, jnp.int32)
            stg_c[k, pl.ds(off, 16)] = plsc.load_gather(bc, [row, col])
            stg_p[k, pl.ds(off, 16)] = plsc.load_gather(bp, [row, col])

    def flush(s):
        @pl.when(s % 8 == 7)
        def _():
            out_base = base + (s // 8) * _TW
            pltpu.sync_copy(stg_c, cand_out.at[:, pl.ds(out_base, _TW)])
            pltpu.sync_copy(stg_p, prob_out.at[:, pl.ds(out_base, _TW)])

    fire(0, *blks[0])

    def pair_body(i, _):
        s0 = 2 * i
        fire(s0 + 1, *blks[1])
        drain(*blks[0])
        extract(s0, blks[0][0], blks[0][1])
        flush(s0)

        @pl.when(s0 + 2 < _NSUB)
        def _():
            fire(s0 + 2, *blks[0])
        drain(*blks[1])
        extract(s0 + 1, blks[1][0], blks[1][1])
        flush(s0 + 1)
        return 0

    lax.fori_loop(0, _NSUB // 2, pair_body, 0)


def kernel(indices, candidates, probs):
    cand_t, prob_t = _gather_kernel(indices, candidates.T, probs.T)
    return cand_t.T, prob_t.T

# --- scband reference (transcript-rebuilt; emitter-appended) ---
"""Pipeline reference for scband-jax-ngram-speculator-91302414779027 (READ-ONLY COPY).

The authoritative reference and input builder live on the scoring server;
editing this copy changes nothing except your own understanding.
"""

import jax, jax.numpy as jnp
import numpy as np

TABLE_SIZE = 1000000
K = 8
BATCH = 16384
VOCAB = 32000


def setup_inputs(seed: int = 0) -> dict:
    key = jax.random.key(seed)
    k1, k2, k3 = jax.random.split(key, 3)
    # hashed n-gram bucket ids for each query position
    indices = jax.random.randint(k1, (BATCH,), 0, TABLE_SIZE, dtype=jnp.int32)
    # learned/statistics tables sized per init_kwargs
    candidates = jax.random.randint(k2, (TABLE_SIZE, K), 0, VOCAB, dtype=jnp.int32)
    probs = jax.random.uniform(k3, (TABLE_SIZE, K), dtype=jnp.float32)
    return {"indices": indices, "candidates": candidates, "probs": probs}


def reference(indices, candidates, probs):
    # NGramSpeculator lookup: hash-bucket gather of candidate token ids and
    # their associated probabilities (rows of the hash table).
    cand_out = jnp.take(candidates, indices, axis=0)   # [B, K] int32
    prob_out = jnp.take(probs, indices, axis=0)        # [B, K] float32
    return cand_out, prob_out

if __name__ == "__main__":
    import jax
    _d = setup_inputs()
    print(jax.jit(kernel)(*tuple(_d.values())))

</pallas_src>

<mosaic_0001>
#map = affine_map<(d0, d1) -> (0)>
#map1 = affine_map<(d0, d1) -> (0, 0)>
module attributes {stable_mosaic.version = 14 : i64} {
  func.func @_gather_kernel(%arg0: i32, %arg1: i32, %arg2: memref<16384xi32, #tpu.memory_space<hbm>>, %arg3: memref<8x1000000xi32, #tpu.memory_space<hbm>>, %arg4: memref<8x1000000xf32, #tpu.memory_space<hbm>>, %arg5: memref<8x16384xi32, #tpu.memory_space<hbm>>, %arg6: memref<8x16384xf32, #tpu.memory_space<hbm>>, %arg7: memref<512xi32, #tpu.memory_space<vmem>>, %arg8: memref<8x2048xi32, #tpu.memory_space<vmem>>, %arg9: memref<8x2048xi32, #tpu.memory_space<vmem>>, %arg10: memref<8x2048xf32, #tpu.memory_space<vmem>>, %arg11: memref<8x2048xf32, #tpu.memory_space<vmem>>, %arg12: memref<8x128xi32, #tpu.memory_space<vmem>>, %arg13: memref<8x128xf32, #tpu.memory_space<vmem>>, %arg14: memref<!tpu.dma_semaphore, #tpu.memory_space<semaphore_mem>>, %arg15: memref<!tpu.dma_semaphore, #tpu.memory_space<semaphore_mem>>, %arg16: memref<!tpu.dma_semaphore, #tpu.memory_space<semaphore_mem>>, %arg17: memref<!tpu.dma_semaphore, #tpu.memory_space<semaphore_mem>>) attributes {dimension_semantics = [#tpu.dimension_semantics<core_parallel>, #tpu.dimension_semantics<subcore_parallel>], iteration_bounds = array<i64: 2, 16>, scalar_prefetch = 0 : i64, scratch_operands = 11 : i64, tpu.core_type = #tpu.core_type<sc_vector_subcore>, window_params = [{transform_indices = #map}, {transform_indices = #map1}, {transform_indices = #map1}, {transform_indices = #map1}, {transform_indices = #map1}]} {
    %mul3A = arith.constant 2 : i32
    %mul3A_0 = arith.muli %arg1, %mul3A : i32
    %add3A = arith.addi %mul3A_0, %arg0 : i32
    %mul3A_1 = arith.constant 512 : i32
    %mul3A_2 = arith.muli %add3A, %mul3A_1 : i32
    "tpu.region"() ({
      %run_scoped3A = tpu.sem_alloc : memref<!tpu.dma_semaphore, #tpu.memory_space<semaphore_mem>>
      %dma_start3A_393 = tpu.memref_slice %arg2[%mul3A_2] : memref<16384xi32, #tpu.memory_space<hbm>> -> memref<512xi32, #tpu.memory_space<hbm>>
      %dma_start3A_394 = tpu.memref_slice %arg2[%mul3A_2] : memref<16384xi32, #tpu.memory_space<hbm>> -> memref<512xi32, #tpu.memory_space<hbm>>
      tpu.enqueue_dma source(%dma_start3A_394 : memref<512xi32, #tpu.memory_space<hbm>>) target(%arg7 : memref<512xi32, #tpu.memory_space<vmem>>) target_semaphore(%run_scoped3A : memref<!tpu.dma_semaphore, #tpu.memory_space<semaphore_mem>>)
      %dma_wait3A = tpu.memref_slice %arg2[%mul3A_2] : memref<16384xi32, #tpu.memory_space<hbm>> -> memref<512xi32, #tpu.memory_space<hbm>>
      %dma_wait3A_395 = tpu.memref_slice %arg2[%mul3A_2] : memref<16384xi32, #tpu.memory_space<hbm>> -> memref<512xi32, #tpu.memory_space<hbm>>
      tpu.wait_dma2 semaphore(%run_scoped3A : memref<!tpu.dma_semaphore, #tpu.memory_space<semaphore_mem>>) src(%dma_wait3A_395 : memref<512xi32, #tpu.memory_space<hbm>>) dst(%arg7 : memref<512xi32, #tpu.memory_space<vmem>>)
      tpu.yield
    }) : () -> ()
    %iota3A = tpu.iota {dimensions = array<i32: 0>} : vector<16xi32>
    %get3A = arith.constant 0 : index
    %get3A_3 = tpu.vector_load %arg7[%get3A] {strides = array<i32>} : memref<512xi32, #tpu.memory_space<vmem>>, vector<16xi32>,
    %shift_right_logical3A = arith.constant 7 : i32
    %shift_right_logical3A_4 = vector.broadcast %shift_right_logical3A : i32 to vector<16xi32>
    %shift_right_logical3A_5 = arith.shrui %get3A_3, %shift_right_logical3A_4 : vector<16xi32>
    %slice3A = vector.extract_strided_slice %shift_right_logical3A_5 {offsets = [0], sizes = [1], strides = [1]} : vector<16xi32> to vector<1xi32>
    %squeeze3A = vector.extract %slice3A[0] : i32 from vector<1xi32>
    %mul3A_6 = arith.constant 128 : i32
    %mul3A_7 = arith.muli %squeeze3A, %mul3A_6 : i32
    %dma_start3A = arith.constant 0 : i32
    %dma_start3A_8 = arith.constant 0 : i32
    %dma_start3A_9 = tpu.memref_slice %arg8[%dma_start3A, %dma_start3A_8] : memref<8x2048xi32, #tpu.memory_space<vmem>> -> memref<8x128xi32, #tpu.memory_space<vmem>>
    %dma_start3A_10 = arith.constant 0 : i32
    %dma_start3A_11 = tpu.memref_slice %arg3[%dma_start3A_10, %mul3A_7] : memref<8x1000000xi32, #tpu.memory_space<hbm>> -> memref<8x128xi32, #tpu.memory_space<hbm>>
    %dma_start3A_12 = arith.constant 0 : i32
    %dma_start3A_13 = arith.constant 0 : i32
    %dma_start3A_14 = tpu.memref_slice %arg8[%dma_start3A_12, %dma_start3A_13] : memref<8x2048xi32, #tpu.memory_space<vmem>> -> memref<8x128xi32, #tpu.memory_space<vmem>>
    %dma_start3A_15 = arith.constant 0 : i32
    %dma_start3A_16 = tpu.memref_slice %arg3[%dma_start3A_15, %mul3A_7] : memref<8x1000000xi32, #tpu.memory_space<hbm>> -> memref<8x128xi32, #tpu.memory_space<hbm>>
    tpu.enqueue_dma source(%dma_start3A_16 : memref<8x128xi32, #tpu.memory_space<hbm>>) target(%dma_start3A_14 : memref<8x128xi32, #tpu.memory_space<vmem>>) target_semaphore(%arg14 : memref<!tpu.dma_semaphore, #tpu.memory_space<semaphore_mem>>)
    %dma_start3A_17 = arith.constant 0 : i32
    %dma_start3A_18 = arith.constant 0 : i32
    %dma_start3A_19 = tpu.memref_slice %arg10[%dma_start3A_17, %dma_start3A_18] : memref<8x2048xf32, #tpu.memory_space<vmem>> -> memref<8x128xf32, #tpu.memory_space<vmem>>
    %dma_start3A_20 = arith.constant 0 : i32
    %dma_start3A_21 = tpu.memref_slice %arg4[%dma_start3A_20, %mul3A_7] : memref<8x1000000xf32, #tpu.memory_space<hbm>> -> memref<8x128xf32, #tpu.memory_space<hbm>>
    %dma_start3A_22 = arith.constant 0 : i32
    %dma_start3A_23 = arith.constant 0 : i32
    %dma_start3A_24 = tpu.memref_slice %arg10[%dma_start3A_22, %dma_start3A_23] : memref<8x2048xf32, #tpu.memory_space<vmem>> -> memref<8x128xf32, #tpu.memory_space<vmem>>
    %dma_start3A_25 = arith.constant 0 : i32
    %dma_start3A_26 = tpu.memref_slice %arg4[%dma_start3A_25, %mul3A_7] : memref<8x1000000xf32, #tpu.memory_space<hbm>> -> memref<8x128xf32, #tpu.memory_space<hbm>>
    tpu.enqueue_dma source(%dma_start3A_26 : memref<8x128xf32, #tpu.memory_space<hbm>>) target(%dma_start3A_24 : memref<8x128xf32, #tpu.memory_space<vmem>>) target_semaphore(%arg16 : memref<!tpu.dma_semaphore, #tpu.memory_space<semaphore_mem>>)
    %slice3A_27 = vector.extract_strided_slice %shift_right_logical3A_5 {offsets = [1], sizes = [1], strides = [1]} : vector<16xi32> to vector<1xi32>
    %squeeze3A_28 = vector.extract %slice3A_27[0] : i32 from vector<1xi32>
    %mul3A_29 = arith.constant 128 : i32
    %mul3A_30 = arith.muli %squeeze3A_28, %mul3A_29 : i32
    %dma_start3A_31 = arith.constant 0 : i32
    %dma_start3A_32 = arith.constant 128 : i32
    %dma_start3A_33 = tpu.memref_slice %arg8[%dma_start3A_31, %dma_start3A_32] : memref<8x2048xi32, #tpu.memory_space<vmem>> -> memref<8x128xi32, #tpu.memory_space<vmem>>
    %dma_start3A_34 = arith.constant 0 : i32
    %dma_start3A_35 = tpu.memref_slice %arg3[%dma_start3A_34, %mul3A_30] : memref<8x1000000xi32, #tpu.memory_space<hbm>> -> memref<8x128xi32, #tpu.memory_space<hbm>>
    %dma_start3A_36 = arith.constant 0 : i32
    %dma_start3A_37 = arith.constant 128 : i32
    %dma_start3A_38 = tpu.memref_slice %arg8[%dma_start3A_36, %dma_start3A_37] : memref<8x2048xi32, #tpu.memory_space<vmem>> -> memref<8x128xi32, #tpu.memory_space<vmem>>
    %dma_start3A_39 = arith.constant 0 : i32
    %dma_start3A_40 = tpu.memref_slice %arg3[%dma_start3A_39, %mul3A_30] : memref<8x1000000xi32, #tpu.memory_space<hbm>> -> memref<8x128xi32, #tpu.memory_space<hbm>>
    tpu.enqueue_dma source(%dma_start3A_40 : memref<8x128xi32, #tpu.memory_space<hbm>>) target(%dma_start3A_38 : memref<8x128xi32, #tpu.memory_space<vmem>>) target_semaphore(%arg14 : memref<!tpu.dma_semaphore, #tpu.memory_space<semaphore_mem>>)
    %dma_start3A_41 = arith.constant 0 : i32
    %dma_start3A_42 = arith.constant 128 : i32
    %dma_start3A_43 = tpu.memref_slice %arg10[%dma_start3A_41, %dma_start3A_42] : memref<8x2048xf32, #tpu.memory_space<vmem>> -> memref<8x128xf32, #tpu.memory_space<vmem>>
    %dma_start3A_44 = arith.constant 0 : i32
    %dma_start3A_45 = tpu.memref_slice %arg4[%dma_start3A_44, %mul3A_30] : memref<8x1000000xf32, #tpu.memory_space<hbm>> -> memref<8x128xf32, #tpu.memory_space<hbm>>
    %dma_start3A_46 = arith.constant 0 : i32
    %dma_start3A_47 = arith.constant 128 : i32
    %dma_start3A_48 = tpu.memref_slice %arg10[%dma_start3A_46, %dma_start3A_47] : memref<8x2048xf32, #tpu.memory_space<vmem>> -> memref<8x128xf32, #tpu.memory_space<vmem>>
    %dma_start3A_49 = arith.constant 0 : i32
    %dma_start3A_50 = tpu.memref_slice %arg4[%dma_start3A_49, %mul3A_30] : memref<8x1000000xf32, #tpu.memory_space<hbm>> -> memref<8x128xf32, #tpu.memory_space<hbm>>
    tpu.enqueue_dma source(%dma_start3A_50 : memref<8x128xf32, #tpu.memory_space<hbm>>) target(%dma_start3A_48 : memref<8x128xf32, #tpu.memory_space<vmem>>) target_semaphore(%arg16 : memref<!tpu.dma_semaphore, #tpu.memory_space<semaphore_mem>>)
    %slice3A_51 = vector.extract_strided_slice %shift_right_logical3A_5 {offsets = [2], sizes = [1], strides = [1]} : vector<16xi32> to vector<1xi32>
    %squeeze3A_52 = vector.extract %slice3A_51[0] : i32 from vector<1xi32>
    %mul3A_53 = arith.constant 128 : i32
    %mul3A_54 = arith.muli %squeeze3A_52, %mul3A_53 : i32
    %dma_start3A_55 = arith.constant 0 : i32
    %dma_start3A_56 = arith.constant 256 : i32
    %dma_start3A_57 = tpu.memref_slice %arg8[%dma_start3A_55, %dma_start3A_56] : memref<8x2048xi32, #tpu.memory_space<vmem>> -> memref<8x128xi32, #tpu.memory_space<vmem>>
    %dma_start3A_58 = arith.constant 0 : i32
    %dma_start3A_59 = tpu.memref_slice %arg3[%dma_start3A_58, %mul3A_54] : memref<8x1000000xi32, #tpu.memory_space<hbm>> -> memref<8x128xi32, #tpu.memory_space<hbm>>
    %dma_start3A_60 = arith.constant 0 : i32
    %dma_start3A_61 = arith.constant 256 : i32
    %dma_start3A_62 = tpu.memref_slice %arg8[%dma_start3A_60, %dma_start3A_61] : memref<8x2048xi32, #tpu.memory_space<vmem>> -> memref<8x128xi32, #tpu.memory_space<vmem>>
    %dma_start3A_63 = arith.constant 0 : i32
    %dma_start3A_64 = tpu.memref_slice %arg3[%dma_start3A_63, %mul3A_54] : memref<8x1000000xi32, #tpu.memory_space<hbm>> -> memref<8x128xi32, #tpu.memory_space<hbm>>
    tpu.enqueue_dma source(%dma_start3A_64 : memref<8x128xi32, #tpu.memory_space<hbm>>) target(%dma_start3A_62 : memref<8x128xi32, #tpu.memory_space<vmem>>) target_semaphore(%arg14 : memref<!tpu.dma_semaphore, #tpu.memory_space<semaphore_mem>>)
    %dma_start3A_65 = arith.constant 0 : i32
    %dma_start3A_66 = arith.constant 256 : i32
    %dma_start3A_67 = tpu.memref_slice %arg10[%dma_start3A_65, %dma_start3A_66] : memref<8x2048xf32, #tpu.memory_space<vmem>> -> memref<8x128xf32, #tpu.memory_space<vmem>>
    %dma_start3A_68 = arith.constant 0 : i32
    %dma_start3A_69 = tpu.memref_slice %arg4[%dma_start3A_68, %mul3A_54] : memref<8x1000000xf32, #tpu.memory_space<hbm>> -> memref<8x128xf32, #tpu.memory_space<hbm>>
    %dma_start3A_70 = arith.constant 0 : i32
    %dma_start3A_71 = arith.constant 256 : i32
    %dma_start3A_72 = tpu.memref_slice %arg10[%dma_start3A_70, %dma_start3A_71] : memref<8x2048xf32, #tpu.memory_space<vmem>> -> memref<8x128xf32, #tpu.memory_space<vmem>>
    %dma_start3A_73 = arith.constant 0 : i32
    %dma_start3A_74 = tpu.memref_slice %arg4[%dma_start3A_73, %mul3A_54] : memref<8x1000000xf32, #tpu.memory_space<hbm>> -> memref<8x128xf32, #tpu.memory_space<hbm>>
    tpu.enqueue_dma source(%dma_start3A_74 : memref<8x128xf32, #tpu.memory_space<hbm>>) target(%dma_start3A_72 : memref<8x128xf32, #tpu.memory_space<vmem>>) target_semaphore(%arg16 : memref<!tpu.dma_semaphore, #tpu.memory_space<semaphore_mem>>)
    %slice3A_75 = vector.extract_strided_slice %shift_right_logical3A_5 {offsets = [3], sizes = [1], strides = [1]} : vector<16xi32> to vector<1xi32>
    %squeeze3A_76 = vector.extract %slice3A_75[0] : i32 from vector<1xi32>
    %mul3A_77 = arith.constant 128 : i32
    %mul3A_78 = arith.muli %squeeze3A_76, %mul3A_77 : i32
    %dma_start3A_79 = arith.constant 0 : i32
    %dma_start3A_80 = arith.constant 384 : i32
    %dma_start3A_81 = tpu.memref_slice %arg8[%dma_start3A_79, %dma_start3A_80] : memref<8x2048xi32, #tpu.memory_space<vmem>> -> memref<8x128xi32, #tpu.memory_space<vmem>>
    %dma_start3A_82 = arith.constant 0 : i32
    %dma_start3A_83 = tpu.memref_slice %arg3[%dma_start3A_82, %mul3A_78] : memref<8x1000000xi32, #tpu.memory_space<hbm>> -> memref<8x128xi32, #tpu.memory_space<hbm>>
    %dma_start3A_84 = arith.constant 0 : i32
    %dma_start3A_85 = arith.constant 384 : i32
    %dma_start3A_86 = tpu.memref_slice %arg8[%dma_start3A_84, %dma_start3A_85] : memref<8x2048xi32, #tpu.memory_space<vmem>> -> memref<8x128xi32, #tpu.memory_space<vmem>>
    %dma_start3A_87 = arith.constant 0 : i32
    %dma_start3A_88 = tpu.memref_slice %arg3[%dma_start3A_87, %mul3A_78] : memref<8x1000000xi32, #tpu.memory_space<hbm>> -> memref<8x128xi32, #tpu.memory_space<hbm>>
    tpu.enqueue_dma source(%dma_start3A_88 : memref<8x128xi32, #tpu.memory_space<hbm>>) target(%dma_start3A_86 : memref<8x128xi32, #tpu.memory_space<vmem>>) target_semaphore(%arg14 : memref<!tpu.dma_semaphore, #tpu.memory_space<semaphore_mem>>)
    %dma_start3A_89 = arith.constant 0 : i32
    %dma_start3A_90 = arith.constant 384 : i32
    %dma_start3A_91 = tpu.memref_slice %arg10[%dma_start3A_89, %dma_start3A_90] : memref<8x2048xf32, #tpu.memory_space<vmem>> -> memref<8x128xf32, #tpu.memory_space<vmem>>
    %dma_start3A_92 = arith.constant 0 : i32
    %dma_start3A_93 = tpu.memref_slice %arg4[%dma_start3A_92, %mul3A_78] : memref<8x1000000xf32, #tpu.memory_space<hbm>> -> memref<8x128xf32, #tpu.memory_space<hbm>>
    %dma_start3A_94 = arith.constant 0 : i32
    %dma_start3A_95 = arith.constant 384 : i32
    %dma_start3A_96 = tpu.memref_slice %arg10[%dma_start3A_94, %dma_start3A_95] : memref<8x2048xf32, #tpu.memory_space<vmem>> -> memref<8x128xf32, #tpu.memory_space<vmem>>
    %dma_start3A_97 = arith.constant 0 : i32
    %dma_start3A_98 = tpu.memref_slice %arg4[%dma_start3A_97, %mul3A_78] : memref<8x1000000xf32, #tpu.memory_space<hbm>> -> memref<8x128xf32, #tpu.memory_space<hbm>>
    tpu.enqueue_dma source(%dma_start3A_98 : memref<8x128xf32, #tpu.memory_space<hbm>>) target(%dma_start3A_96 : memref<8x128xf32, #tpu.memory_space<vmem>>) target_semaphore(%arg16 : memref<!tpu.dma_semaphore, #tpu.memory_space<semaphore_mem>>)
    %slice3A_99 = vector.extract_strided_slice %shift_right_logical3A_5 {offsets = [4], sizes = [1], strides = [1]} : vector<16xi32> to vector<1xi32>
    %squeeze3A_100 = vector.extract %slice3A_99[0] : i32 from vector<1xi32>
    %mul3A_101 = arith.constant 128 : i32
    %mul3A_102 = arith.muli %squeeze3A_100, %mul3A_101 : i32
    %dma_start3A_103 = arith.constant 0 : i32
    %dma_start3A_104 = arith.constant 512 : i32
    %dma_start3A_105 = tpu.memref_slice %arg8[%dma_start3A_103, %dma_start3A_104] : memref<8x2048xi32, #tpu.memory_space<vmem>> -> memref<8x128xi32, #tpu.memory_space<vmem>>
    %dma_start3A_106 = arith.constant 0 : i32
    %dma_start3A_107 = tpu.memref_slice %arg3[%dma_start3A_106, %mul3A_102] : memref<8x1000000xi32, #tpu.memory_space<hbm>> -> memref<8x128xi32, #tpu.memory_space<hbm>>
    %dma_start3A_108 = arith.constant 0 : i32
    %dma_start3A_109 = arith.constant 512 : i32
    %dma_start3A_110 = tpu.memref_slice %arg8[%dma_start3A_108, %dma_start3A_109] : memref<8x2048xi32, #tpu.memory_space<vmem>> -> memref<8x128xi32, #tpu.memory_space<vmem>>
    %dma_start3A_111 = arith.constant 0 : i32
    %dma_start3A_112 = tpu.memref_slice %arg3[%dma_start3A_111, %mul3A_102] : memref<8x1000000xi32, #tpu.memory_space<hbm>> -> memref<8x128xi32, #tpu.memory_space<hbm>>
    tpu.enqueue_dma source(%dma_start3A_112 : memref<8x128xi32, #tpu.memory_space<hbm>>) target(%dma_start3A_110 : memref<8x128xi32, #tpu.memory_space<vmem>>) target_semaphore(%arg14 : memref<!tpu.dma_semaphore, #tpu.memory_space<semaphore_mem>>)
    %dma_start3A_113 = arith.constant 0 : i32
    %dma_start3A_114 = arith.constant 512 : i32
    %dma_start3A_115 = tpu.memref_slice %arg10[%dma_start3A_113, %dma_start3A_114] : memref<8x2048xf32, #tpu.memory_space<vmem>> -> memref<8x128xf32, #tpu.memory_space<vmem>>
    %dma_start3A_116 = arith.constant 0 : i32
    %dma_start3A_117 = tpu.memref_slice %arg4[%dma_start3A_116, %mul3A_102] : memref<8x1000000xf32, #tpu.memory_space<hbm>> -> memref<8x128xf32, #tpu.memory_space<hbm>>
    %dma_start3A_118 = arith.constant 0 : i32
    %dma_start3A_119 = arith.constant 512 : i32
    %dma_start3A_120 = tpu.memref_slice %arg10[%dma_start3A_118, %dma_start3A_119] : memref<8x2048xf32, #tpu.memory_space<vmem>> -> memref<8x128xf32, #tpu.memory_space<vmem>>
    %dma_start3A_121 = arith.constant 0 : i32
    %dma_start3A_122 = tpu.memref_slice %arg4[%dma_start3A_121, %mul3A_102] : memref<8x1000000xf32, #tpu.memory_space<hbm>> -> memref<8x128xf32, #tpu.memory_space<hbm>>
    tpu.enqueue_dma source(%dma_start3A_122 : memref<8x128xf32, #tpu.memory_space<hbm>>) target(%dma_start3A_120 : memref<8x128xf32, #tpu.memory_space<vmem>>) target_semaphore(%arg16 : memref<!tpu.dma_semaphore, #tpu.memory_space<semaphore_mem>>)
    %slice3A_123 = vector.extract_strided_slice %shift_right_logical3A_5 {offsets = [5], sizes = [1], strides = [1]} : vector<16xi32> to vector<1xi32>
    %squeeze3A_124 = vector.extract %slice3A_123[0] : i32 from vector<1xi32>
    %mul3A_125 = arith.constant 128 : i32
    %mul3A_126 = arith.muli %squeeze3A_124, %mul3A_125 : i32
    %dma_start3A_127 = arith.constant 0 : i32
    %dma_start3A_128 = arith.constant 640 : i32
    %dma_start3A_129 = tpu.memref_slice %arg8[%dma_start3A_127, %dma_start3A_128] : memref<8x2048xi32, #tpu.memory_space<vmem>> -> memref<8x128xi32, #tpu.memory_space<vmem>>
    %dma_start3A_130 = arith.constant 0 : i32
    %dma_start3A_131 = tpu.memref_slice %arg3[%dma_start3A_130, %mul3A_126] : memref<8x1000000xi32, #tpu.memory_space<hbm>> -> memref<8x128xi32, #tpu.memory_space<hbm>>
    %dma_start3A_132 = arith.constant 0 : i32
    %dma_start3A_133 = arith.constant 640 : i32
    %dma_start3A_134 = tpu.memref_slice %arg8[%dma_start3A_132, %dma_start3A_133] : memref<8x2048xi32, #tpu.memory_space<vmem>> -> memref<8x128xi32, #tpu.memory_space<vmem>>
    %dma_start3A_135 = arith.constant 0 : i32
    %dma_start3A_136 = tpu.memref_slice %arg3[%dma_start3A_135, %mul3A_126] : memref<8x1000000xi32, #tpu.memory_space<hbm>> -> memref<8x128xi32, #tpu.memory_space<hbm>>
    tpu.enqueue_dma source(%dma_start3A_136 : memref<8x128xi32, #tpu.memory_space<hbm>>) target(%dma_start3A_134 : memref<8x128xi32, #tpu.memory_space<vmem>>) target_semaphore(%arg14 : memref<!tpu.dma_semaphore, #tpu.memory_space<semaphore_mem>>)
    %dma_start3A_137 = arith.constant 0 : i32
    %dma_start3A_138 = arith.constant 640 : i32
    %dma_start3A_139 = tpu.memref_slice %arg10[%dma_start3A_137, %dma_start3A_138] : memref<8x2048xf32, #tpu.memory_space<vmem>> -> memref<8x128xf32, #tpu.memory_space<vmem>>
    %dma_start3A_140 = arith.constant 0 : i32
    %dma_start3A_141 = tpu.memref_slice %arg4[%dma_start3A_140, %mul3A_126] : memref<8x1000000xf32, #tpu.memory_space<hbm>> -> memref<8x128xf32, #tpu.memory_space<hbm>>
    %dma_start3A_142 = arith.constant 0 : i32
    %dma_start3A_143 = arith.constant 640 : i32
    %dma_start3A_144 = tpu.memref_slice %arg10[%dma_start3A_142, %dma_start3A_143] : memref<8x2048xf32, #tpu.memory_space<vmem>> -> memref<8x128xf32, #tpu.memory_space<vmem>>
    %dma_start3A_145 = arith.constant 0 : i32
    %dma_start3A_146 = tpu.memref_slice %arg4[%dma_start3A_145, %mul3A_126] : memref<8x1000000xf32, #tpu.memory_space<hbm>> -> memref<8x128xf32, #tpu.memory_space<hbm>>
    tpu.enqueue_dma source(%dma_start3A_146 : memref<8x128xf32, #tpu.memory_space<hbm>>) target(%dma_start3A_144 : memref<8x128xf32, #tpu.memory_space<vmem>>) target_semaphore(%arg16 : memref<!tpu.dma_semaphore, #tpu.memory_space<semaphore_mem>>)
    %slice3A_147 = vector.extract_strided_slice %shift_right_logical3A_5 {offsets = [6], sizes = [1], strides = [1]} : vector<16xi32> to vector<1xi32>
    %squeeze3A_148 = vector.extract %slice3A_147[0] : i32 from vector<1xi32>
    %mul3A_149 = arith.constant 128 : i32
    %mul3A_150 = arith.muli %squeeze3A_148, %mul3A_149 : i32
    %dma_start3A_151 = arith.constant 0 : i32
    %dma_start3A_152 = arith.constant 768 : i32
    %dma_start3A_153 = tpu.memref_slice %arg8[%dma_start3A_151, %dma_start3A_152] : memref<8x2048xi32, #tpu.memory_space<vmem>> -> memref<8x128xi32, #tpu.memory_space<vmem>>
    %dma_start3A_154 = arith.constant 0 : i32
    %dma_start3A_155 = tpu.memref_slice %arg3[%dma_start3A_154, %mul3A_150] : memref<8x1000000xi32, #tpu.memory_space<hbm>> -> memref<8x128xi32, #tpu.memory_space<hbm>>
    %dma_start3A_156 = arith.constant 0 : i32
    %dma_start3A_157 = arith.constant 768 : i32
    %dma_start3A_158 = tpu.memref_slice %arg8[%dma_start3A_156, %dma_start3A_157] : memref<8x2048xi32, #tpu.memory_space<vmem>> -> memref<8x128xi32, #tpu.memory_space<vmem>>
    %dma_start3A_159 = arith.constant 0 : i32
    %dma_start3A_160 = tpu.memref_slice %arg3[%dma_start3A_159, %mul3A_150] : memref<8x1000000xi32, #tpu.memory_space<hbm>> -> memref<8x128xi32, #tpu.memory_space<hbm>>
    tpu.enqueue_dma source(%dma_start3A_160 : memref<8x128xi32, #tpu.memory_space<hbm>>) target(%dma_start3A_158 : memref<8x128xi32, #tpu.memory_space<vmem>>) target_semaphore(%arg14 : memref<!tpu.dma_semaphore, #tpu.memory_space<semaphore_mem>>)
    %dma_start3A_161 = arith.constant 0 : i32
    %dma_start3A_162 = arith.constant 768 : i32
    %dma_start3A_163 = tpu.memref_slice %arg10[%dma_start3A_161, %dma_start3A_162] : memref<8x2048xf32, #tpu.memory_space<vmem>> -> memref<8x128xf32, #tpu.memory_space<vmem>>
    %dma_start3A_164 = arith.constant 0 : i32
    %dma_start3A_165 = tpu.memref_slice %arg4[%dma_start3A_164, %mul3A_150] : memref<8x1000000xf32, #tpu.memory_space<hbm>> -> memref<8x128xf32, #tpu.memory_space<hbm>>
    %dma_start3A_166 = arith.constant 0 : i32
    %dma_start3A_167 = arith.constant 768 : i32
    %dma_start3A_168 = tpu.memref_slice %arg10[%dma_start3A_166, %dma_start3A_167] : memref<8x2048xf32, #tpu.memory_space<vmem>> -> memref<8x128xf32, #tpu.memory_space<vmem>>
    %dma_start3A_169 = arith.constant 0 : i32
    %dma_start3A_170 = tpu.memref_slice %arg4[%dma_start3A_169, %mul3A_150] : memref<8x1000000xf32, #tpu.memory_space<hbm>> -> memref<8x128xf32, #tpu.memory_space<hbm>>
    tpu.enqueue_dma source(%dma_start3A_170 : memref<8x128xf32, #tpu.memory_space<hbm>>) target(%dma_start3A_168 : memref<8x128xf32, #tpu.memory_space<vmem>>) target_semaphore(%arg16 : memref<!tpu.dma_semaphore, #tpu.memory_space<semaphore_mem>>)
    %slice3A_171 = vector.extract_strided_slice %shift_right_logical3A_5 {offsets = [7], sizes = [1], strides = [1]} : vector<16xi32> to vector<1xi32>
    %squeeze3A_172 = vector.extract %slice3A_171[0] : i32 from vector<1xi32>
    %mul3A_173 = arith.constant 128 : i32
    %mul3A_174 = arith.muli %squeeze3A_172, %mul3A_173 : i32
    %dma_start3A_175 = arith.constant 0 : i32
    %dma_start3A_176 = arith.constant 896 : i32
    %dma_start3A_177 = tpu.memref_slice %arg8[%dma_start3A_175, %dma_start3A_176] : memref<8x2048xi32, #tpu.memory_space<vmem>> -> memref<8x128xi32, #tpu.memory_space<vmem>>
    %dma_start3A_178 = arith.constant 0 : i32
    %dma_start3A_179 = tpu.memref_slice %arg3[%dma_start3A_178, %mul3A_174] : memref<8x1000000xi32, #tpu.memory_space<hbm>> -> memref<8x128xi32, #tpu.memory_space<hbm>>
    %dma_start3A_180 = arith.constant 0 : i32
    %dma_start3A_181 = arith.constant 896 : i32
    %dma_start3A_182 = tpu.memref_slice %arg8[%dma_start3A_180, %dma_start3A_181] : memref<8x2048xi32, #tpu.memory_space<vmem>> -> memref<8x128xi32, #tpu.memory_space<vmem>>
    %dma_start3A_183 = arith.constant 0 : i32
    %dma_start3A_184 = tpu.memref_slice %arg3[%dma_start3A_183, %mul3A_174] : memref<8x1000000xi32, #tpu.memory_space<hbm>> -> memref<8x128xi32, #tpu.memory_space<hbm>>
    tpu.enqueue_dma source(%dma_start3A_184 : memref<8x128xi32, #tpu.memory_space<hbm>>) target(%dma_start3A_182 : memref<8x128xi32, #tpu.memory_space<vmem>>) target_semaphore(%arg14 : memref<!tpu.dma_semaphore, #tpu.memory_space<semaphore_mem>>)
    %dma_start3A_185 = arith.constant 0 : i32
    %dma_start3A_186 = arith.constant 896 : i32
    %dma_start3A_187 = tpu.memref_slice %arg10[%dma_start3A_185, %dma_start3A_186] : memref<8x2048xf32, #tpu.memory_space<vmem>> -> memref<8x128xf32, #tpu.memory_space<vmem>>
    %dma_start3A_188 = arith.constant 0 : i32
    %dma_start3A_189 = tpu.memref_slice %arg4[%dma_start3A_188, %mul3A_174] : memref<8x1000000xf32, #tpu.memory_space<hbm>> -> memref<8x128xf32, #tpu.memory_space<hbm>>
    %dma_start3A_190 = arith.constant 0 : i32
    %dma_start3A_191 = arith.constant 896 : i32
    %dma_start3A_192 = tpu.memref_slice %arg10[%dma_start3A_190, %dma_start3A_191] : memref<8x2048xf32, #tpu.memory_space<vmem>> -> memref<8x128xf32, #tpu.memory_space<vmem>>
    %dma_start3A_193 = arith.constant 0 : i32
    %dma_start3A_194 = tpu.memref_slice %arg4[%dma_start3A_193, %mul3A_174] : memref<8x1000000xf32, #tpu.memory_space<hbm>> -> memref<8x128xf32, #tpu.memory_space<hbm>>
    tpu.enqueue_dma source(%dma_start3A_194 : memref<8x128xf32, #tpu.memory_space<hbm>>) target(%dma_start3A_192 : memref<8x128xf32, #tpu.memory_space<vmem>>) target_semaphore(%arg16 : memref<!tpu.dma_semaphore, #tpu.memory_space<semaphore_mem>>)
    %slice3A_195 = vector.extract_strided_slice %shift_right_logical3A_5 {offsets = [8], sizes = [1], strides = [1]} : vector<16xi32> to vector<1xi32>
    %squeeze3A_196 = vector.extract %slice3A_195[0] : i32 from vector<1xi32>
    %mul3A_197 = arith.constant 128 : i32
    %mul3A_198 = arith.muli %squeeze3A_196, %mul3A_197 : i32
    %dma_start3A_199 = arith.constant 0 : i32
    %dma_start3A_200 = arith.constant 1024 : i32
    %dma_start3A_201 = tpu.memref_slice %arg8[%dma_start3A_199, %dma_start3A_200] : memref<8x2048xi32, #tpu.memory_space<vmem>> -> memref<8x128xi32, #tpu.memory_space<vmem>>
    %dma_start3A_202 = arith.constant 0 : i32
    %dma_start3A_203 = tpu.memref_slice %arg3[%dma_start3A_202, %mul3A_198] : memref<8x1000000xi32, #tpu.memory_space<hbm>> -> memref<8x128xi32, #tpu.memory_space<hbm>>
    %dma_start3A_204 = arith.constant 0 : i32
    %dma_start3A_205 = arith.constant 1024 : i32
    %dma_start3A_206 = tpu.memref_slice %arg8[%dma_start3A_204, %dma_start3A_205] : memref<8x2048xi32, #tpu.memory_space<vmem>> -> memref<8x128xi32, #tpu.memory_space<vmem>>
    %dma_start3A_207 = arith.constant 0 : i32
    %dma_start3A_208 = tpu.memref_slice %arg3[%dma_start3A_207, %mul3A_198] : memref<8x1000000xi32, #tpu.memory_space<hbm>> -> memref<8x128xi32, #tpu.memory_space<hbm>>
    tpu.enqueue_dma source(%dma_start3A_208 : memref<8x128xi32, #tpu.memory_space<hbm>>) target(%dma_start3A_206 : memref<8x128xi32, #tpu.memory_space<vmem>>) target_semaphore(%arg14 : memref<!tpu.dma_semaphore, #tpu.memory_space<semaphore_mem>>)
    %dma_start3A_209 = arith.constant 0 : i32
    %dma_start3A_210 = arith.constant 1024 : i32
    %dma_start3A_211 = tpu.memref_slice %arg10[%dma_start3A_209, %dma_start3A_210] : memref<8x2048xf32, #tpu.memory_space<vmem>> -> memref<8x128xf32, #tpu.memory_space<vmem>>
    %dma_start3A_212 = arith.constant 0 : i32
    %dma_start3A_213 = tpu.memref_slice %arg4[%dma_start3A_212, %mul3A_198] : memref<8x1000000xf32, #tpu.memory_space<hbm>> -> memref<8x128xf32, #tpu.memory_space<hbm>>
    %dma_start3A_214 = arith.constant 0 : i32
    %dma_start3A_215 = arith.constant 1024 : i32
    %dma_start3A_216 = tpu.memref_slice %arg10[%dma_start3A_214, %dma_start3A_215] : memref<8x2048xf32, #tpu.memory_space<vmem>> -> memref<8x128xf32, #tpu.memory_space<vmem>>
    %dma_start3A_217 = arith.constant 0 : i32
    %dma_start3A_218 = tpu.memref_slice %arg4[%dma_start3A_217, %mul3A_198] : memref<8x1000000xf32, #tpu.memory_space<hbm>> -> memref<8x128xf32, #tpu.memory_space<hbm>>
    tpu.enqueue_dma source(%dma_start3A_218 : memref<8x128xf32, #tpu.memory_space<hbm>>) target(%dma_start3A_216 : memref<8x128xf32, #tpu.memory_space<vmem>>) target_semaphore(%arg16 : memref<!tpu.dma_semaphore, #tpu.memory_space<semaphore_mem>>)
    %slice3A_219 = vector.extract_strided_slice %shift_right_logical3A_5 {offsets = [9], sizes = [1], strides = [1]} : vector<16xi32> to vector<1xi32>
    %squeeze3A_220 = vector.extract %slice3A_219[0] : i32 from vector<1xi32>
    %mul3A_221 = arith.constant 128 : i32
    %mul3A_222 = arith.muli %squeeze3A_220, %mul3A_221 : i32
    %dma_start3A_223 = arith.constant 0 : i32
    %dma_start3A_224 = arith.constant 1152 : i32
    %dma_start3A_225 = tpu.memref_slice %arg8[%dma_start3A_223, %dma_start3A_224] : memref<8x2048xi32, #tpu.memory_space<vmem>> -> memref<8x128xi32, #tpu.memory_space<vmem>>
    %dma_start3A_226 = arith.constant 0 : i32
    %dma_start3A_227 = tpu.memref_slice %arg3[%dma_start3A_226, %mul3A_222] : memref<8x1000000xi32, #tpu.memory_space<hbm>> -> memref<8x128xi32, #tpu.memory_space<hbm>>
    %dma_start3A_228 = arith.constant 0 : i32
    %dma_start3A_229 = arith.constant 1152 : i32
    %dma_start3A_230 = tpu.memref_slice %arg8[%dma_start3A_228, %dma_start3A_229] : memref<8x2048xi32, #tpu.memory_space<vmem>> -> memref<8x128xi32, #tpu.memory_space<vmem>>
    %dma_start3A_231 = arith.constant 0 : i32
    %dma_start3A_232 = tpu.memref_slice %arg3[%dma_start3A_231, %mul3A_222] : memref<8x1000000xi32, #tpu.memory_space<hbm>> -> memref<8x128xi32, #tpu.memory_space<hbm>>
    tpu.enqueue_dma source(%dma_start3A_232 : memref<8x128xi32, #tpu.memory_space<hbm>>) target(%dma_start3A_230 : memref<8x128xi32, #tpu.memory_space<vmem>>) target_semaphore(%arg14 : memref<!tpu.dma_semaphore, #tpu.memory_space<semaphore_mem>>)
    %dma_start3A_233 = arith.constant 0 : i32
    %dma_start3A_234 = arith.constant 1152 : i32
    %dma_start3A_235 = tpu.memref_slice %arg10[%dma_start3A_233, %dma_start3A_234] : memref<8x2048xf32, #tpu.memory_space<vmem>> -> memref<8x128xf32, #tpu.memory_space<vmem>>
    %dma_start3A_236 = arith.constant 0 : i32
    %dma_start3A_237 = tpu.memref_slice %arg4[%dma_start3A_236, %mul3A_222] : memref<8x1000000xf32, #tpu.memory_space<hbm>> -> memref<8x128xf32, #tpu.memory_space<hbm>>
    %dma_start3A_238 = arith.constant 0 : i32
    %dma_start3A_239 = arith.constant 1152 : i32
    %dma_start3A_240 = tpu.memref_slice %arg10[%dma_start3A_238, %dma_start3A_239] : memref<8x2048xf32, #tpu.memory_space<vmem>> -> memref<8x128xf32, #tpu.memory_space<vmem>>
    %dma_start3A_241 = arith.constant 0 : i32
    %dma_start3A_242 = tpu.memref_slice %arg4[%dma_start3A_241, %mul3A_222] : memref<8x1000000xf32, #tpu.memory_space<hbm>> -> memref<8x128xf32, #tpu.memory_space<hbm>>
    tpu.enqueue_dma source(%dma_start3A_242 : memref<8x128xf32, #tpu.memory_space<hbm>>) target(%dma_start3A_240 : memref<8x128xf32, #tpu.memory_space<vmem>>) target_semaphore(%arg16 : memref<!tpu.dma_semaphore, #tpu.memory_space<semaphore_mem>>)
    %slice3A_243 = vector.extract_strided_slice %shift_right_logical3A_5 {offsets = [10], sizes = [1], strides = [1]} : vector<16xi32> to vector<1xi32>
    %squeeze3A_244 = vector.extract %slice3A_243[0] : i32 from vector<1xi32>
    %mul3A_245 = arith.constant 128 : i32
    %mul3A_246 = arith.muli %squeeze3A_244, %mul3A_245 : i32
    %dma_start3A_247 = arith.constant 0 : i32
    %dma_start3A_248 = arith.constant 1280 : i32
    %dma_start3A_249 = tpu.memref_slice %arg8[%dma_start3A_247, %dma_start3A_248] : memref<8x2048xi32, #tpu.memory_space<vmem>> -> memref<8x128xi32, #tpu.memory_space<vmem>>
    %dma_start3A_250 = arith.constant 0 : i32
    %dma_start3A_251 = tpu.memref_slice %arg3[%dma_start3A_250, %mul3A_246] : memref<8x1000000xi32, #tpu.memory_space<hbm>> -> memref<8x128xi32, #tpu.memory_space<hbm>>
    %dma_start3A_252 = arith.constant 0 : i32
    %dma_start3A_253 = arith.constant 1280 : i32
    %dma_start3A_254 = tpu.memref_slice %arg8[%dma_start3A_252, %dma_start3A_253] : memref<8x2048xi32, #tpu.memory_space<vmem>> -> memref<8x128xi32, #tpu.memory_space<vmem>>
    %dma_start3A_255 = arith.constant 0 : i32
    %dma_start3A_256 = tpu.memref_slice %arg3[%dma_start3A_255, %mul3A_246] : memref<8x1000000xi32, #tpu.memory_space<hbm>> -> memref<8x128xi32, #tpu.memory_space<hbm>>
    tpu.enqueue_dma source(%dma_start3A_256 : memref<8x128xi32, #tpu.memory_space<hbm>>) target(%dma_start3A_254 : memref<8x128xi32, #tpu.memory_space<vmem>>) target_semaphore(%arg14 : memref<!tpu.dma_semaphore, #tpu.memory_space<semaphore_mem>>)
    %dma_start3A_257 = arith.constant 0 : i32
    %dma_start3A_258 = arith.constant 1280 : i32
    %dma_start3A_259 = tpu.memref_slice %arg10[%dma_start3A_257, %dma_start3A_258] : memref<8x2048xf32, #tpu.memory_space<vmem>> -> memref<8x128xf32, #tpu.memory_space<vmem>>
    %dma_start3A_260 = arith.constant 0 : i32
    %dma_start3A_261 = tpu.memref_slice %arg4[%dma_start3A_260, %mul3A_246] : memref<8x1000000xf32, #tpu.memory_space<hbm>> -> memref<8x128xf32, #tpu.memory_space<hbm>>
    %dma_start3A_262 = arith.constant 0 : i32
    %dma_start3A_263 = arith.constant 1280 : i32
    %dma_start3A_264 = tpu.memref_slice %arg10[%dma_start3A_262, %dma_start3A_263] : memref<8x2048xf32, #tpu.memory_space<vmem>> -> memref<8x128xf32, #tpu.memory_space<vmem>>
    %dma_start3A_265 = arith.constant 0 : i32
    %dma_start3A_266 = tpu.memref_slice %arg4[%dma_start3A_265, %mul3A_246] : memref<8x1000000xf32, #tpu.memory_space<hbm>> -> memref<8x128xf32, #tpu.memory_space<hbm>>
    tpu.enqueue_dma source(%dma_start3A_266 : memref<8x128xf32, #tpu.memory_space<hbm>>) target(%dma_start3A_264 : memref<8x128xf32, #tpu.memory_space<vmem>>) target_semaphore(%arg16 : memref<!tpu.dma_semaphore, #tpu.memory_space<semaphore_mem>>)
    %slice3A_267 = vector.extract_strided_slice %shift_right_logical3A_5 {offsets = [11], sizes = [1], strides = [1]} : vector<16xi32> to vector<1xi32>
    %squeeze3A_268 = vector.extract %slice3A_267[0] : i32 from vector<1xi32>
    %mul3A_269 = arith.constant 128 : i32
    %mul3A_270 = arith.muli %squeeze3A_268, %mul3A_269 : i32
    %dma_start3A_271 = arith.constant 0 : i32
    %dma_start3A_272 = arith.constant 1408 : i32
    %dma_start3A_273 = tpu.memref_slice %arg8[%dma_start3A_271, %dma_start3A_272] : memref<8x2048xi32, #tpu.memory_space<vmem>> -> memref<8x128xi32, #tpu.memory_space<vmem>>
    %dma_start3A_274 = arith.constant 0 : i32
    %dma_start3A_275 = tpu.memref_slice %arg3[%dma_start3A_274, %mul3A_270] : memref<8x1000000xi32, #tpu.memory_space<hbm>> -> memref<8x128xi32, #tpu.memory_space<hbm>>
    %dma_start3A_276 = arith.constant 0 : i32
    %dma_start3A_277 = arith.constant 1408 : i32
    %dma_start3A_278 = tpu.memref_slice %arg8[%dma_start3A_276, %dma_start3A_277] : memref<8x2048xi32, #tpu.memory_space<vmem>> -> memref<8x128xi32, #tpu.memory_space<vmem>>
    %dma_start3A_279 = arith.constant 0 : i32
    %dma_start3A_280 = tpu.memref_slice %arg3[%dma_start3A_279, %mul3A_270] : memref<8x1000000xi32, #tpu.memory_space<hbm>> -> memref<8x128xi32, #tpu.memory_space<hbm>>
    tpu.enqueue_dma source(%dma_start3A_280 : memref<8x128xi32, #tpu.memory_space<hbm>>) target(%dma_start3A_278 : memref<8x128xi32, #tpu.memory_space<vmem>>) target_semaphore(%arg14 : memref<!tpu.dma_semaphore, #tpu.memory_space<semaphore_mem>>)
    %dma_start3A_281 = arith.constant 0 : i32
    %dma_start3A_282 = arith.constant 1408 : i32
    %dma_start3A_283 = tpu.memref_slice %arg10[%dma_start3A_281, %dma_start3A_282] : memref<8x2048xf32, #tpu.memory_space<vmem>> -> memref<8x128xf32, #tpu.memory_space<vmem>>
    %dma_start3A_284 = arith.constant 0 : i32
    %dma_start3A_285 = tpu.memref_slice %arg4[%dma_start3A_284, %mul3A_270] : memref<8x1000000xf32, #tpu.memory_space<hbm>> -> memref<8x128xf32, #tpu.memory_space<hbm>>
    %dma_start3A_286 = arith.constant 0 : i32
    %dma_start3A_287 = arith.constant 1408 : i32
    %dma_start3A_288 = tpu.memref_slice %arg10[%dma_start3A_286, %dma_start3A_287] : memref<8x2048xf32, #tpu.memory_space<vmem>> -> memref<8x128xf32, #tpu.memory_space<vmem>>
    %dma_start3A_289 = arith.constant 0 : i32
    %dma_start3A_290 = tpu.memref_slice %arg4[%dma_start3A_289, %mul3A_270] : memref<8x1000000xf32, #tpu.memory_space<hbm>> -> memref<8x128xf32, #tpu.memory_space<hbm>>
    tpu.enqueue_dma source(%dma_start3A_290 : memref<8x128xf32, #tpu.memory_space<hbm>>) target(%dma_start3A_288 : memref<8x128xf32, #tpu.memory_space<vmem>>) target_semaphore(%arg16 : memref<!tpu.dma_semaphore, #tpu.memory_space<semaphore_mem>>)
    %slice3A_291 = vector.extract_strided_slice %shift_right_logical3A_5 {offsets = [12], sizes = [1], strides = [1]} : vector<16xi32> to vector<1xi32>
    %squeeze3A_292 = vector.extract %slice3A_291[0] : i32 from vector<1xi32>
    %mul3A_293 = arith.constant 128 : i32
    %mul3A_294 = arith.muli %squeeze3A_292, %mul3A_293 : i32
    %dma_start3A_295 = arith.constant 0 : i32
    %dma_start3A_296 = arith.constant 1536 : i32
    %dma_start3A_297 = tpu.memref_slice %arg8[%dma_start3A_295, %dma_start3A_296] : memref<8x2048xi32, #tpu.memory_space<vmem>> -> memref<8x128xi32, #tpu.memory_space<vmem>>
    %dma_start3A_298 = arith.constant 0 : i32
    %dma_start3A_299 = tpu.memref_slice %arg3[%dma_start3A_298, %mul3A_294] : memref<8x1000000xi32, #tpu.memory_space<hbm>> -> memref<8x128xi32, #tpu.memory_space<hbm>>
    %dma_start3A_300 = arith.constant 0 : i32
    %dma_start3A_301 = arith.constant 1536 : i32
    %dma_start3A_302 = tpu.memref_slice %arg8[%dma_start3A_300, %dma_start3A_301] : memref<8x2048xi32, #tpu.memory_space<vmem>> -> memref<8x128xi32, #tpu.memory_space<vmem>>
    %dma_start3A_303 = arith.constant 0 : i32
    %dma_start3A_304 = tpu.memref_slice %arg3[%dma_start3A_303, %mul3A_294] : memref<8x1000000xi32, #tpu.memory_space<hbm>> -> memref<8x128xi32, #tpu.memory_space<hbm>>
    tpu.enqueue_dma source(%dma_start3A_304 : memref<8x128xi32, #tpu.memory_space<hbm>>) target(%dma_start3A_302 : memref<8x128xi32, #tpu.memory_space<vmem>>) target_semaphore(%arg14 : memref<!tpu.dma_semaphore, #tpu.memory_space<semaphore_mem>>)
    %dma_start3A_305 = arith.constant 0 : i32
    %dma_start3A_306 = arith.constant 1536 : i32
    %dma_start3A_307 = tpu.memref_slice %arg10[%dma_start3A_305, %dma_start3A_306] : memref<8x2048xf32, #tpu.memory_space<vmem>> -> memref<8x128xf32, #tpu.memory_space<vmem>>
    %dma_start3A_308 = arith.constant 0 : i32
    %dma_start3A_309 = tpu.memref_slice %arg4[%dma_start3A_308, %mul3A_294] : memref<8x1000000xf32, #tpu.memory_space<hbm>> -> memref<8x128xf32, #tpu.memory_space<hbm>>
    %dma_start3A_310 = arith.constant 0 : i32
    %dma_start3A_311 = arith.constant 1536 : i32
    %dma_start3A_312 = tpu.memref_slice %arg10[%dma_start3A_310, %dma_start3A_311] : memref<8x2048xf32, #tpu.memory_space<vmem>> -> memref<8x128xf32, #tpu.memory_space<vmem>>
    %dma_start3A_313 = arith.constant 0 : i32
    %dma_start3A_314 = tpu.memref_slice %arg4[%dma_start3A_313, %mul3A_294] : memref<8x1000000xf32, #tpu.memory_space<hbm>> -> memref<8x128xf32, #tpu.memory_space<hbm>>
    tpu.enqueue_dma source(%dma_start3A_314 : memref<8x128xf32, #tpu.memory_space<hbm>>) target(%dma_start3A_312 : memref<8x128xf32, #tpu.memory_space<vmem>>) target_semaphore(%arg16 : memref<!tpu.dma_semaphore, #tpu.memory_space<semaphore_mem>>)
    %slice3A_315 = vector.extract_strided_slice %shift_right_logical3A_5 {offsets = [13], sizes = [1], strides = [1]} : vector<16xi32> to vector<1xi32>
    %squeeze3A_316 = vector.extract %slice3A_315[0] : i32 from vector<1xi32>
    %mul3A_317 = arith.constant 128 : i32
    %mul3A_318 = arith.muli %squeeze3A_316, %mul3A_317 : i32
    %dma_start3A_319 = arith.constant 0 : i32
    %dma_start3A_320 = arith.constant 1664 : i32
    %dma_start3A_321 = tpu.memref_slice %arg8[%dma_start3A_319, %dma_start3A_320] : memref<8x2048xi32, #tpu.memory_space<vmem>> -> memref<8x128xi32, #tpu.memory_space<vmem>>
    %dma_start3A_322 = arith.constant 0 : i32
    %dma_start3A_323 = tpu.memref_slice %arg3[%dma_start3A_322, %mul3A_318] : memref<8x1000000xi32, #tpu.memory_space<hbm>> -> memref<8x128xi32, #tpu.memory_space<hbm>>
    %dma_start3A_324 = arith.constant 0 : i32
    %dma_start3A_325 = arith.constant 1664 : i32
    %dma_start3A_326 = tpu.memref_slice %arg8[%dma_start3A_324, %dma_start3A_325] : memref<8x2048xi32, #tpu.memory_space<vmem>> -> memref<8x128xi32, #tpu.memory_space<vmem>>
    %dma_start3A_327 = arith.constant 0 : i32
    %dma_start3A_328 = tpu.memref_slice %arg3[%dma_start3A_327, %mul3A_318] : memref<8x1000000xi32, #tpu.memory_space<hbm>> -> memref<8x128xi32, #tpu.memory_space<hbm>>
    tpu.enqueue_dma source(%dma_start3A_328 : memref<8x128xi32, #tpu.memory_space<hbm>>) target(%dma_start3A_326 : memref<8x128xi32, #tpu.memory_space<vmem>>) target_semaphore(%arg14 : memref<!tpu.dma_semaphore, #tpu.memory_space<semaphore_mem>>)
    %dma_start3A_329 = arith.constant 0 : i32
    %dma_start3A_330 = arith.constant 1664 : i32
    %dma_start3A_331 = tpu.memref_slice %arg10[%dma_start3A_329, %dma_start3A_330] : memref<8x2048xf32, #tpu.memory_space<vmem>> -> memref<8x128xf32, #tpu.memory_space<vmem>>
    %dma_start3A_332 = arith.constant 0 : i32
    %dma_start3A_333 = tpu.memref_slice %arg4[%dma_start3A_332, %mul3A_318] : memref<8x1000000xf32, #tpu.memory_space<hbm>> -> memref<8x128xf32, #tpu.memory_space<hbm>>
    %dma_start3A_334 = arith.constant 0 : i32
    %dma_start3A_335 = arith.constant 1664 : i32
    %dma_start3A_336 = tpu.memref_slice %arg10[%dma_start3A_334, %dma_start3A_335] : memref<8x2048xf32, #tpu.memory_space<vmem>> -> memref<8x128xf32, #tpu.memory_space<vmem>>
    %dma_start3A_337 = arith.constant 0 : i32
    %dma_start3A_338 = tpu.memref_slice %arg4[%dma_start3A_337, %mul3A_318] : memref<8x1000000xf32, #tpu.memory_space<hbm>> -> memref<8x128xf32, #tpu.memory_space<hbm>>
    tpu.enqueue_dma source(%dma_start3A_338 : memref<8x128xf32, #tpu.memory_space<hbm>>) target(%dma_start3A_336 : memref<8x128xf32, #tpu.memory_space<vmem>>) target_semaphore(%arg16 : memref<!tpu.dma_semaphore, #tpu.memory_space<semaphore_mem>>)
    %slice3A_339 = vector.extract_strided_slice %shift_right_logical3A_5 {offsets = [14], sizes = [1], strides = [1]} : vector<16xi32> to vector<1xi32>
    %squeeze3A_340 = vector.extract %slice3A_339[0] : i32 from vector<1xi32>
    %mul3A_341 = arith.constant 128 : i32
    %mul3A_342 = arith.muli %squeeze3A_340, %mul3A_341 : i32
    %dma_start3A_343 = arith.constant 0 : i32
    %dma_start3A_344 = arith.constant 1792 : i32
    %dma_start3A_345 = tpu.memref_slice %arg8[%dma_start3A_343, %dma_start3A_344] : memref<8x2048xi32, #tpu.memory_space<vmem>> -> memref<8x128xi32, #tpu.memory_space<vmem>>
    %dma_start3A_346 = arith.constant 0 : i32
    %dma_start3A_347 = tpu.memref_slice %arg3[%dma_start3A_346, %mul3A_342] : memref<8x1000000xi32, #tpu.memory_space<hbm>> -> memref<8x128xi32, #tpu.memory_space<hbm>>
    %dma_start3A_348 = arith.constant 0 : i32
    %dma_start3A_349 = arith.constant 1792 : i32
    %dma_start3A_350 = tpu.memref_slice %arg8[%dma_start3A_348, %dma_start3A_349] : memref<8x2048xi32, #tpu.memory_space<vmem>> -> memref<8x128xi32, #tpu.memory_space<vmem>>
    %dma_start3A_351 = arith.constant 0 : i32
    %dma_start3A_352 = tpu.memref_slice %arg3[%dma_start3A_351, %mul3A_342] : memref<8x1000000xi32, #tpu.memory_space<hbm>> -> memref<8x128xi32, #tpu.memory_space<hbm>>
    tpu.enqueue_dma source(%dma_start3A_352 : memref<8x128xi32, #tpu.memory_space<hbm>>) target(%dma_start3A_350 : memref<8x128xi32, #tpu.memory_space<vmem>>) target_semaphore(%arg14 : memref<!tpu.dma_semaphore, #tpu.memory_space<semaphore_mem>>)
    %dma_start3A_353 = arith.constant 0 : i32
    %dma_start3A_354 = arith.constant 1792 : i32
    %dma_start3A_355 = tpu.memref_slice %arg10[%dma_start3A_353, %dma_start3A_354] : memref<8x2048xf32, #tpu.memory_space<vmem>> -> memref<8x128xf32, #tpu.memory_space<vmem>>
    %dma_start3A_356 = arith.constant 0 : i32
    %dma_start3A_357 = tpu.memref_slice %arg4[%dma_start3A_356, %mul3A_342] : memref<8x1000000xf32, #tpu.memory_space<hbm>> -> memref<8x128xf32, #tpu.memory_space<hbm>>
    %dma_start3A_358 = arith.constant 0 : i32
    %dma_start3A_359 = arith.constant 1792 : i32
    %dma_start3A_360 = tpu.memref_slice %arg10[%dma_start3A_358, %dma_start3A_359] : memref<8x2048xf32, #tpu.memory_space<vmem>> -> memref<8x128xf32, #tpu.memory_space<vmem>>
    %dma_start3A_361 = arith.constant 0 : i32
    %dma_start3A_362 = tpu.memref_slice %arg4[%dma_start3A_361, %mul3A_342] : memref<8x1000000xf32, #tpu.memory_space<hbm>> -> memref<8x128xf32, #tpu.memory_space<hbm>>
    tpu.enqueue_dma source(%dma_start3A_362 : memref<8x128xf32, #tpu.memory_space<hbm>>) target(%dma_start3A_360 : memref<8x128xf32, #tpu.memory_space<vmem>>) target_semaphore(%arg16 : memref<!tpu.dma_semaphore, #tpu.memory_space<semaphore_mem>>)
    %slice3A_363 = vector.extract_strided_slice %shift_right_logical3A_5 {offsets = [15], sizes = [1], strides = [1]} : vector<16xi32> to vector<1xi32>
    %squeeze3A_364 = vector.extract %slice3A_363[0] : i32 from vector<1xi32>
    %mul3A_365 = arith.constant 128 : i32
    %mul3A_366 = arith.muli %squeeze3A_364, %mul3A_365 : i32
    %dma_start3A_367 = arith.constant 0 : i32
    %dma_start3A_368 = arith.constant 1920 : i32
    %dma_start3A_369 = tpu.memref_slice %arg8[%dma_start3A_367, %dma_start3A_368] : memref<8x2048xi32, #tpu.memory_space<vmem>> -> memref<8x128xi32, #tpu.memory_space<vmem>>
    %dma_start3A_370 = arith.constant 0 : i32
    %dma_start3A_371 = tpu.memref_slice %arg3[%dma_start3A_370, %mul3A_366] : memref<8x1000000xi32, #tpu.memory_space<hbm>> -> memref<8x128xi32, #tpu.memory_space<hbm>>
    %dma_start3A_372 = arith.constant 0 : i32
    %dma_start3A_373 = arith.constant 1920 : i32
    %dma_start3A_374 = tpu.memref_slice %arg8[%dma_start3A_372, %dma_start3A_373] : memref<8x2048xi32, #tpu.memory_space<vmem>> -> memref<8x128xi32, #tpu.memory_space<vmem>>
    %dma_start3A_375 = arith.constant 0 : i32
    %dma_start3A_376 = tpu.memref_slice %arg3[%dma_start3A_375, %mul3A_366] : memref<8x1000000xi32, #tpu.memory_space<hbm>> -> memref<8x128xi32, #tpu.memory_space<hbm>>
    tpu.enqueue_dma source(%dma_start3A_376 : memref<8x128xi32, #tpu.memory_space<hbm>>) target(%dma_start3A_374 : memref<8x128xi32, #tpu.memory_space<vmem>>) target_semaphore(%arg14 : memref<!tpu.dma_semaphore, #tpu.memory_space<semaphore_mem>>)
    %dma_start3A_377 = arith.constant 0 : i32
    %dma_start3A_378 = arith.constant 1920 : i32
    %dma_start3A_379 = tpu.memref_slice %arg10[%dma_start3A_377, %dma_start3A_378] : memref<8x2048xf32, #tpu.memory_space<vmem>> -> memref<8x128xf32, #tpu.memory_space<vmem>>
    %dma_start3A_380 = arith.constant 0 : i32
    %dma_start3A_381 = tpu.memref_slice %arg4[%dma_start3A_380, %mul3A_366] : memref<8x1000000xf32, #tpu.memory_space<hbm>> -> memref<8x128xf32, #tpu.memory_space<hbm>>
    %dma_start3A_382 = arith.constant 0 : i32
    %dma_start3A_383 = arith.constant 1920 : i32
    %dma_start3A_384 = tpu.memref_slice %arg10[%dma_start3A_382, %dma_start3A_383] : memref<8x2048xf32, #tpu.memory_space<vmem>> -> memref<8x128xf32, #tpu.memory_space<vmem>>
    %dma_start3A_385 = arith.constant 0 : i32
    %dma_start3A_386 = tpu.memref_slice %arg4[%dma_start3A_385, %mul3A_366] : memref<8x1000000xf32, #tpu.memory_space<hbm>> -> memref<8x128xf32, #tpu.memory_space<hbm>>
    tpu.enqueue_dma source(%dma_start3A_386 : memref<8x128xf32, #tpu.memory_space<hbm>>) target(%dma_start3A_384 : memref<8x128xf32, #tpu.memory_space<vmem>>) target_semaphore(%arg16 : memref<!tpu.dma_semaphore, #tpu.memory_space<semaphore_mem>>)
    %scan3A = arith.constant 0 : i32
    %scan3A_387 = arith.constant 0 : i32
    %scan3A_388 = arith.constant 16 : i32
    %scan3A_389 = arith.addi %scan3A_387, %scan3A_388 : i32
    %scan3A_390 = arith.constant 1 : i32
    %scan3A_391 = scf.for %scan3A_393 = %scan3A_387 to %scan3A_389 step %scan3A_390 iter_args(%scan3A_394 = %scan3A) -> (i32)  : i32 {
      %mul3A_395 = arith.constant 2 : i32
      %mul3A_396 = arith.muli %mul3A_395, %scan3A_393 : i32
      %add3A_397 = arith.constant 1 : i32
      %add3A_398 = arith.addi %mul3A_396, %add3A_397 : i32
      %mul3A_399 = arith.constant 16 : i32
      %mul3A_400 = arith.muli %add3A_398, %mul3A_399 : i32
      %get3A_401 = arith.index_cast %mul3A_400 : i32 to index
      %get3A_402 = tpu.vector_load %arg7[%get3A_401] {strides = array<i32>} : memref<512xi32, #tpu.memory_space<vmem>>, vector<16xi32>,
      %shift_right_logical3A_403 = arith.constant 7 : i32
      %shift_right_logical3A_404 = vector.broadcast %shift_right_logical3A_403 : i32 to vector<16xi32>
      %shift_right_logical3A_405 = arith.shrui %get3A_402, %shift_right_logical3A_404 : vector<16xi32>
      %slice3A_406 = vector.extract_strided_slice %shift_right_logical3A_405 {offsets = [0], sizes = [1], strides = [1]} : vector<16xi32> to vector<1xi32>
      %squeeze3A_407 = vector.extract %slice3A_406[0] : i32 from vector<1xi32>
      %mul3A_408 = arith.constant 128 : i32
      %mul3A_409 = arith.muli %squeeze3A_407, %mul3A_408 : i32
      %dma_start3A_410 = arith.constant 0 : i32
      %dma_start3A_411 = arith.constant 0 : i32
      %dma_start3A_412 = tpu.memref_slice %arg9[%dma_start3A_410, %dma_start3A_411] : memref<8x2048xi32, #tpu.memory_space<vmem>> -> memref<8x128xi32, #tpu.memory_space<vmem>>
      %dma_start3A_413 = arith.constant 0 : i32
      %dma_start3A_414 = tpu.memref_slice %arg3[%dma_start3A_413, %mul3A_409] : memref<8x1000000xi32, #tpu.memory_space<hbm>> -> memref<8x128xi32, #tpu.memory_space<hbm>>
      %dma_start3A_415 = arith.constant 0 : i32
      %dma_start3A_416 = arith.constant 0 : i32
      %dma_start3A_417 = tpu.memref_slice %arg9[%dma_start3A_415, %dma_start3A_416] : memref<8x2048xi32, #tpu.memory_space<vmem>> -> memref<8x128xi32, #tpu.memory_space<vmem>>
      %dma_start3A_418 = arith.constant 0 : i32
      %dma_start3A_419 = tpu.memref_slice %arg3[%dma_start3A_418, %mul3A_409] : memref<8x1000000xi32, #tpu.memory_space<hbm>> -> memref<8x128xi32, #tpu.memory_space<hbm>>
      tpu.enqueue_dma source(%dma_start3A_419 : memref<8x128xi32, #tpu.memory_space<hbm>>) target(%dma_start3A_417 : memref<8x128xi32, #tpu.memory_space<vmem>>) target_semaphore(%arg15 : memref<!tpu.dma_semaphore, #tpu.memory_space<semaphore_mem>>)
      %dma_start3A_420 = arith.constant 0 : i32
      %dma_start3A_421 = arith.constant 0 : i32
      %dma_start3A_422 = tpu.memref_slice %arg11[%dma_start3A_420, %dma_start3A_421] : memref<8x2048xf32, #tpu.memory_space<vmem>> -> memref<8x128xf32, #tpu.memory_space<vmem>>
      %dma_start3A_423 = arith.constant 0 : i32
      %dma_start3A_424 = tpu.memref_slice %arg4[%dma_start3A_423, %mul3A_409] : memref<8x1000000xf32, #tpu.memory_space<hbm>> -> memref<8x128xf32, #tpu.memory_space<hbm>>
      %dma_start3A_425 = arith.constant 0 : i32
      %dma_start3A_426 = arith.constant 0 : i32
      %dma_start3A_427 = tpu.memref_slice %arg11[%dma_start3A_425, %dma_start3A_426] : memref<8x2048xf32, #tpu.memory_space<vmem>> -> memref<8x128xf32, #tpu.memory_space<vmem>>
      %dma_start3A_428 = arith.constant 0 : i32
      %dma_start3A_429 = tpu.memref_slice %arg4[%dma_start3A_428, %mul3A_409] : memref<8x1000000xf32, #tpu.memory_space<hbm>> -> memref<8x128xf32, #tpu.memory_space<hbm>>
      tpu.enqueue_dma source(%dma_start3A_429 : memref<8x128xf32, #tpu.memory_space<hbm>>) target(%dma_start3A_427 : memref<8x128xf32, #tpu.memory_space<vmem>>) target_semaphore(%arg17 : memref<!tpu.dma_semaphore, #tpu.memory_space<semaphore_mem>>)
      %slice3A_430 = vector.extract_strided_slice %shift_right_logical3A_405 {offsets = [1], sizes = [1], strides = [1]} : vector<16xi32> to vector<1xi32>
      %squeeze3A_431 = vector.extract %slice3A_430[0] : i32 from vector<1xi32>
      %mul3A_432 = arith.constant 128 : i32
      %mul3A_433 = arith.muli %squeeze3A_431, %mul3A_432 : i32
      %dma_start3A_434 = arith.constant 0 : i32
      %dma_start3A_435 = arith.constant 128 : i32
      %dma_start3A_436 = tpu.memref_slice %arg9[%dma_start3A_434, %dma_start3A_435] : memref<8x2048xi32, #tpu.memory_space<vmem>> -> memref<8x128xi32, #tpu.memory_space<vmem>>
      %dma_start3A_437 = arith.constant 0 : i32
      %dma_start3A_438 = tpu.memref_slice %arg3[%dma_start3A_437, %mul3A_433] : memref<8x1000000xi32, #tpu.memory_space<hbm>> -> memref<8x128xi32, #tpu.memory_space<hbm>>
      %dma_start3A_439 = arith.constant 0 : i32
      %dma_start3A_440 = arith.constant 128 : i32
      %dma_start3A_441 = tpu.memref_slice %arg9[%dma_start3A_439, %dma_start3A_440] : memref<8x2048xi32, #tpu.memory_space<vmem>> -> memref<8x128xi32, #tpu.memory_space<vmem>>
      %dma_start3A_442 = arith.constant 0 : i32
      %dma_start3A_443 = tpu.memref_slice %arg3[%dma_start3A_442, %mul3A_433] : memref<8x1000000xi32, #tpu.memory_space<hbm>> -> memref<8x128xi32, #tpu.memory_space<hbm>>
      tpu.enqueue_dma source(%dma_start3A_443 : memref<8x128xi32, #tpu.memory_space<hbm>>) target(%dma_start3A_441 : memref<8x128xi32, #tpu.memory_space<vmem>>) target_semaphore(%arg15 : memref<!tpu.dma_semaphore, #tpu.memory_space<semaphore_mem>>)
      %dma_start3A_444 = arith.constant 0 : i32
      %dma_start3A_445 = arith.constant 128 : i32
      %dma_start3A_446 = tpu.memref_slice %arg11[%dma_start3A_444, %dma_start3A_445] : memref<8x2048xf32, #tpu.memory_space<vmem>> -> memref<8x128xf32, #tpu.memory_space<vmem>>
      %dma_start3A_447 = arith.constant 0 : i32
      %dma_start3A_448 = tpu.memref_slice %arg4[%dma_start3A_447, %mul3A_433] : memref<8x1000000xf32, #tpu.memory_space<hbm>> -> memref<8x128xf32, #tpu.memory_space<hbm>>
      %dma_start3A_449 = arith.constant 0 : i32
      %dma_start3A_450 = arith.constant 128 : i32
      %dma_start3A_451 = tpu.memref_slice %arg11[%dma_start3A_449, %dma_start3A_450] : memref<8x2048xf32, #tpu.memory_space<vmem>> -> memref<8x128xf32, #tpu.memory_space<vmem>>
      %dma_start3A_452 = arith.constant 0 : i32
      %dma_start3A_453 = tpu.memref_slice %arg4[%dma_start3A_452, %mul3A_433] : memref<8x1000000xf32, #tpu.memory_space<hbm>> -> memref<8x128xf32, #tpu.memory_space<hbm>>
      tpu.enqueue_dma source(%dma_start3A_453 : memref<8x128xf32, #tpu.memory_space<hbm>>) target(%dma_start3A_451 : memref<8x128xf32, #tpu.memory_space<vmem>>) target_semaphore(%arg17 : memref<!tpu.dma_semaphore, #tpu.memory_space<semaphore_mem>>)
      %slice3A_454 = vector.extract_strided_slice %shift_right_logical3A_405 {offsets = [2], sizes = [1], strides = [1]} : vector<16xi32> to vector<1xi32>
      %squeeze3A_455 = vector.extract %slice3A_454[0] : i32 from vector<1xi32>
      %mul3A_456 = arith.constant 128 : i32
      %mul3A_457 = arith.muli %squeeze3A_455, %mul3A_456 : i32
      %dma_start3A_458 = arith.constant 0 : i32
      %dma_start3A_459 = arith.constant 256 : i32
      %dma_start3A_460 = tpu.memref_slice %arg9[%dma_start3A_458, %dma_start3A_459] : memref<8x2048xi32, #tpu.memory_space<vmem>> -> memref<8x128xi32, #tpu.memory_space<vmem>>
      %dma_start3A_461 = arith.constant 0 : i32
      %dma_start3A_462 = tpu.memref_slice %arg3[%dma_start3A_461, %mul3A_457] : memref<8x1000000xi32, #tpu.memory_space<hbm>> -> memref<8x128xi32, #tpu.memory_space<hbm>>
      %dma_start3A_463 = arith.constant 0 : i32
      %dma_start3A_464 = arith.constant 256 : i32
      %dma_start3A_465 = tpu.memref_slice %arg9[%dma_start3A_463, %dma_start3A_464] : memref<8x2048xi32, #tpu.memory_space<vmem>> -> memref<8x128xi32, #tpu.memory_space<vmem>>
      %dma_start3A_466 = arith.constant 0 : i32
      %dma_start3A_467 = tpu.memref_slice %arg3[%dma_start3A_466, %mul3A_457] : memref<8x1000000xi32, #tpu.memory_space<hbm>> -> memref<8x128xi32, #tpu.memory_space<hbm>>
      tpu.enqueue_dma source(%dma_start3A_467 : memref<8x128xi32, #tpu.memory_space<hbm>>) target(%dma_start3A_465 : memref<8x128xi32, #tpu.memory_space<vmem>>) target_semaphore(%arg15 : memref<!tpu.dma_semaphore, #tpu.memory_space<semaphore_mem>>)
      %dma_start3A_468 = arith.constant 0 : i32
      %dma_start3A_469 = arith.constant 256 : i32
      %dma_start3A_470 = tpu.memref_slice %arg11[%dma_start3A_468, %dma_start3A_469] : memref<8x2048xf32, #tpu.memory_space<vmem>> -> memref<8x128xf32, #tpu.memory_space<vmem>>
      %dma_start3A_471 = arith.constant 0 : i32
      %dma_start3A_472 = tpu.memref_slice %arg4[%dma_start3A_471, %mul3A_457] : memref<8x1000000xf32, #tpu.memory_space<hbm>> -> memref<8x128xf32, #tpu.memory_space<hbm>>
      %dma_start3A_473 = arith.constant 0 : i32
      %dma_start3A_474 = arith.constant 256 : i32
      %dma_start3A_475 = tpu.memref_slice %arg11[%dma_start3A_473, %dma_start3A_474] : memref<8x2048xf32, #tpu.memory_space<vmem>> -> memref<8x128xf32, #tpu.memory_space<vmem>>
      %dma_start3A_476 = arith.constant 0 : i32
      %dma_start3A_477 = tpu.memref_slice %arg4[%dma_start3A_476, %mul3A_457] : memref<8x1000000xf32, #tpu.memory_space<hbm>> -> memref<8x128xf32, #tpu.memory_space<hbm>>
      tpu.enqueue_dma source(%dma_start3A_477 : memref<8x128xf32, #tpu.memory_space<hbm>>) target(%dma_start3A_475 : memref<8x128xf32, #tpu.memory_space<vmem>>) target_semaphore(%arg17 : memref<!tpu.dma_semaphore, #tpu.memory_space<semaphore_mem>>)
      %slice3A_478 = vector.extract_strided_slice %shift_right_logical3A_405 {offsets = [3], sizes = [1], strides = [1]} : vector<16xi32> to vector<1xi32>
      %squeeze3A_479 = vector.extract %slice3A_478[0] : i32 from vector<1xi32>
      %mul3A_480 = arith.constant 128 : i32
      %mul3A_481 = arith.muli %squeeze3A_479, %mul3A_480 : i32
      %dma_start3A_482 = arith.constant 0 : i32
      %dma_start3A_483 = arith.constant 384 : i32
      %dma_start3A_484 = tpu.memref_slice %arg9[%dma_start3A_482, %dma_start3A_483] : memref<8x2048xi32, #tpu.memory_space<vmem>> -> memref<8x128xi32, #tpu.memory_space<vmem>>
      %dma_start3A_485 = arith.constant 0 : i32
      %dma_start3A_486 = tpu.memref_slice %arg3[%dma_start3A_485, %mul3A_481] : memref<8x1000000xi32, #tpu.memory_space<hbm>> -> memref<8x128xi32, #tpu.memory_space<hbm>>
      %dma_start3A_487 = arith.constant 0 : i32
      %dma_start3A_488 = arith.constant 384 : i32
      %dma_start3A_489 = tpu.memref_slice %arg9[%dma_start3A_487, %dma_start3A_488] : memref<8x2048xi32, #tpu.memory_space<vmem>> -> memref<8x128xi32, #tpu.memory_space<vmem>>
      %dma_start3A_490 = arith.constant 0 : i32
      %dma_start3A_491 = tpu.memref_slice %arg3[%dma_start3A_490, %mul3A_481] : memref<8x1000000xi32, #tpu.memory_space<hbm>> -> memref<8x128xi32, #tpu.memory_space<hbm>>
      tpu.enqueue_dma source(%dma_start3A_491 : memref<8x128xi32, #tpu.memory_space<hbm>>) target(%dma_start3A_489 : memref<8x128xi32, #tpu.memory_space<vmem>>) target_semaphore(%arg15 : memref<!tpu.dma_semaphore, #tpu.memory_space<semaphore_mem>>)
      %dma_start3A_492 = arith.constant 0 : i32
      %dma_start3A_493 = arith.constant 384 : i32
      %dma_start3A_494 = tpu.memref_slice %arg11[%dma_start3A_492, %dma_start3A_493] : memref<8x2048xf32, #tpu.memory_space<vmem>> -> memref<8x128xf32, #tpu.memory_space<vmem>>
      %dma_start3A_495 = arith.constant 0 : i32
      %dma_start3A_496 = tpu.memref_slice %arg4[%dma_start3A_495, %mul3A_481] : memref<8x1000000xf32, #tpu.memory_space<hbm>> -> memref<8x128xf32, #tpu.memory_space<hbm>>
      %dma_start3A_497 = arith.constant 0 : i32
      %dma_start3A_498 = arith.constant 384 : i32
      %dma_start3A_499 = tpu.memref_slice %arg11[%dma_start3A_497, %dma_start3A_498] : memref<8x2048xf32, #tpu.memory_space<vmem>> -> memref<8x128xf32, #tpu.memory_space<vmem>>
      %dma_start3A_500 = arith.constant 0 : i32
      %dma_start3A_501 = tpu.memref_slice %arg4[%dma_start3A_500, %mul3A_481] : memref<8x1000000xf32, #tpu.memory_space<hbm>> -> memref<8x128xf32, #tpu.memory_space<hbm>>
      tpu.enqueue_dma source(%dma_start3A_501 : memref<8x128xf32, #tpu.memory_space<hbm>>) target(%dma_start3A_499 : memref<8x128xf32, #tpu.memory_space<vmem>>) target_semaphore(%arg17 : memref<!tpu.dma_semaphore, #tpu.memory_space<semaphore_mem>>)
      %slice3A_502 = vector.extract_strided_slice %shift_right_logical3A_405 {offsets = [4], sizes = [1], strides = [1]} : vector<16xi32> to vector<1xi32>
      %squeeze3A_503 = vector.extract %slice3A_502[0] : i32 from vector<1xi32>
      %mul3A_504 = arith.constant 128 : i32
      %mul3A_505 = arith.muli %squeeze3A_503, %mul3A_504 : i32
      %dma_start3A_506 = arith.constant 0 : i32
      %dma_start3A_507 = arith.constant 512 : i32
      %dma_start3A_508 = tpu.memref_slice %arg9[%dma_start3A_506, %dma_start3A_507] : memref<8x2048xi32, #tpu.memory_space<vmem>> -> memref<8x128xi32, #tpu.memory_space<vmem>>
      %dma_start3A_509 = arith.constant 0 : i32
      %dma_start3A_510 = tpu.memref_slice %arg3[%dma_start3A_509, %mul3A_505] : memref<8x1000000xi32, #tpu.memory_space<hbm>> -> memref<8x128xi32, #tpu.memory_space<hbm>>
      %dma_start3A_511 = arith.constant 0 : i32
      %dma_start3A_512 = arith.constant 512 : i32
      %dma_start3A_513 = tpu.memref_slice %arg9[%dma_start3A_511, %dma_start3A_512] : memref<8x2048xi32, #tpu.memory_space<vmem>> -> memref<8x128xi32, #tpu.memory_space<vmem>>
      %dma_start3A_514 = arith.constant 0 : i32
      %dma_start3A_515 = tpu.memref_slice %arg3[%dma_start3A_514, %mul3A_505] : memref<8x1000000xi32, #tpu.memory_space<hbm>> -> memref<8x128xi32, #tpu.memory_space<hbm>>
      tpu.enqueue_dma source(%dma_start3A_515 : memref<8x128xi32, #tpu.memory_space<hbm>>) target(%dma_start3A_513 : memref<8x128xi32, #tpu.memory_space<vmem>>) target_semaphore(%arg15 : memref<!tpu.dma_semaphore, #tpu.memory_space<semaphore_mem>>)
      %dma_start3A_516 = arith.constant 0 : i32
      %dma_start3A_517 = arith.constant 512 : i32
      %dma_start3A_518 = tpu.memref_slice %arg11[%dma_start3A_516, %dma_start3A_517] : memref<8x2048xf32, #tpu.memory_space<vmem>> -> memref<8x128xf32, #tpu.memory_space<vmem>>
      %dma_start3A_519 = arith.constant 0 : i32
      %dma_start3A_520 = tpu.memref_slice %arg4[%dma_start3A_519, %mul3A_505] : memref<8x1000000xf32, #tpu.memory_space<hbm>> -> memref<8x128xf32, #tpu.memory_space<hbm>>
      %dma_start3A_521 = arith.constant 0 : i32
      %dma_start3A_522 = arith.constant 512 : i32
      %dma_start3A_523 = tpu.memref_slice %arg11[%dma_start3A_521, %dma_start3A_522] : memref<8x2048xf32, #tpu.memory_space<vmem>> -> memref<8x128xf32, #tpu.memory_space<vmem>>
      %dma_start3A_524 = arith.constant 0 : i32
      %dma_start3A_525 = tpu.memref_slice %arg4[%dma_start3A_524, %mul3A_505] : memref<8x1000000xf32, #tpu.memory_space<hbm>> -> memref<8x128xf32, #tpu.memory_space<hbm>>
      tpu.enqueue_dma source(%dma_start3A_525 : memref<8x128xf32, #tpu.memory_space<hbm>>) target(%dma_start3A_523 : memref<8x128xf32, #tpu.memory_space<vmem>>) target_semaphore(%arg17 : memref<!tpu.dma_semaphore, #tpu.memory_space<semaphore_mem>>)
      %slice3A_526 = vector.extract_strided_slice %shift_right_logical3A_405 {offsets = [5], sizes = [1], strides = [1]} : vector<16xi32> to vector<1xi32>
      %squeeze3A_527 = vector.extract %slice3A_526[0] : i32 from vector<1xi32>
      %mul3A_528 = arith.constant 128 : i32
      %mul3A_529 = arith.muli %squeeze3A_527, %mul3A_528 : i32
      %dma_start3A_530 = arith.constant 0 : i32
      %dma_start3A_531 = arith.constant 640 : i32
      %dma_start3A_532 = tpu.memref_slice %arg9[%dma_start3A_530, %dma_start3A_531] : memref<8x2048xi32, #tpu.memory_space<vmem>> -> memref<8x128xi32, #tpu.memory_space<vmem>>
      %dma_start3A_533 = arith.constant 0 : i32
      %dma_start3A_534 = tpu.memref_slice %arg3[%dma_start3A_533, %mul3A_529] : memref<8x1000000xi32, #tpu.memory_space<hbm>> -> memref<8x128xi32, #tpu.memory_space<hbm>>
      %dma_start3A_535 = arith.constant 0 : i32
      %dma_start3A_536 = arith.constant 640 : i32
      %dma_start3A_537 = tpu.memref_slice %arg9[%dma_start3A_535, %dma_start3A_536] : memref<8x2048xi32, #tpu.memory_space<vmem>> -> memref<8x128xi32, #tpu.memory_space<vmem>>
      %dma_start3A_538 = arith.constant 0 : i32
      %dma_start3A_539 = tpu.memref_slice %arg3[%dma_start3A_538, %mul3A_529] : memref<8x1000000xi32, #tpu.memory_space<hbm>> -> memref<8x128xi32, #tpu.memory_space<hbm>>
      tpu.enqueue_dma source(%dma_start3A_539 : memref<8x128xi32, #tpu.memory_space<hbm>>) target(%dma_start3A_537 : memref<8x128xi32, #tpu.memory_space<vmem>>) target_semaphore(%arg15 : memref<!tpu.dma_semaphore, #tpu.memory_space<semaphore_mem>>)
      %dma_start3A_540 = arith.constant 0 : i32
      %dma_start3A_541 = arith.constant 640 : i32
      %dma_start3A_542 = tpu.memref_slice %arg11[%dma_start3A_540, %dma_start3A_541] : memref<8x2048xf32, #tpu.memory_space<vmem>> -> memref<8x128xf32, #tpu.memory_space<vmem>>
      %dma_start3A_543 = arith.constant 0 : i32
      %dma_start3A_544 = tpu.memref_slice %arg4[%dma_start3A_543, %mul3A_529] : memref<8x1000000xf32, #tpu.memory_space<hbm>> -> memref<8x128xf32, #tpu.memory_space<hbm>>
      %dma_start3A_545 = arith.constant 0 : i32
      %dma_start3A_546 = arith.constant 640 : i32
      %dma_start3A_547 = tpu.memref_slice %arg11[%dma_start3A_545, %dma_start3A_546] : memref<8x2048xf32, #tpu.memory_space<vmem>> -> memref<8x128xf32, #tpu.memory_space<vmem>>
      %dma_start3A_548 = arith.constant 0 : i32
      %dma_start3A_549 = tpu.memref_slice %arg4[%dma_start3A_548, %mul3A_529] : memref<8x1000000xf32, #tpu.memory_space<hbm>> -> memref<8x128xf32, #tpu.memory_space<hbm>>
      tpu.enqueue_dma source(%dma_start3A_549 : memref<8x128xf32, #tpu.memory_space<hbm>>) target(%dma_start3A_547 : memref<8x128xf32, #tpu.memory_space<vmem>>) target_semaphore(%arg17 : memref<!tpu.dma_semaphore, #tpu.memory_space<semaphore_mem>>)
      %slice3A_550 = vector.extract_strided_slice %shift_right_logical3A_405 {offsets = [6], sizes = [1], strides = [1]} : vector<16xi32> to vector<1xi32>
      %squeeze3A_551 = vector.extract %slice3A_550[0] : i32 from vector<1xi32>
      %mul3A_552 = arith.constant 128 : i32
      %mul3A_553 = arith.muli %squeeze3A_551, %mul3A_552 : i32
      %dma_start3A_554 = arith.constant 0 : i32
      %dma_start3A_555 = arith.constant 768 : i32
      %dma_start3A_556 = tpu.memref_slice %arg9[%dma_start3A_554, %dma_start3A_555] : memref<8x2048xi32, #tpu.memory_space<vmem>> -> memref<8x128xi32, #tpu.memory_space<vmem>>
      %dma_start3A_557 = arith.constant 0 : i32
      %dma_start3A_558 = tpu.memref_slice %arg3[%dma_start3A_557, %mul3A_553] : memref<8x1000000xi32, #tpu.memory_space<hbm>> -> memref<8x128xi32, #tpu.memory_space<hbm>>
      %dma_start3A_559 = arith.constant 0 : i32
      %dma_start3A_560 = arith.constant 768 : i32
      %dma_start3A_561 = tpu.memref_slice %arg9[%dma_start3A_559, %dma_start3A_560] : memref<8x2048xi32, #tpu.memory_space<vmem>> -> memref<8x128xi32, #tpu.memory_space<vmem>>
      %dma_start3A_562 = arith.constant 0 : i32
      %dma_start3A_563 = tpu.memref_slice %arg3[%dma_start3A_562, %mul3A_553] : memref<8x1000000xi32, #tpu.memory_space<hbm>> -> memref<8x128xi32, #tpu.memory_space<hbm>>
      tpu.enqueue_dma source(%dma_start3A_563 : memref<8x128xi32, #tpu.memory_space<hbm>>) target(%dma_start3A_561 : memref<8x128xi32, #tpu.memory_space<vmem>>) target_semaphore(%arg15 : memref<!tpu.dma_semaphore, #tpu.memory_space<semaphore_mem>>)
      %dma_start3A_564 = arith.constant 0 : i32
      %dma_start3A_565 = arith.constant 768 : i32
      %dma_start3A_566 = tpu.memref_slice %arg11[%dma_start3A_564, %dma_start3A_565] : memref<8x2048xf32, #tpu.memory_space<vmem>> -> memref<8x128xf32, #tpu.memory_space<vmem>>
      %dma_start3A_567 = arith.constant 0 : i32
      %dma_start3A_568 = tpu.memref_slice %arg4[%dma_start3A_567, %mul3A_553] : memref<8x1000000xf32, #tpu.memory_space<hbm>> -> memref<8x128xf32, #tpu.memory_space<hbm>>
      %dma_start3A_569 = arith.constant 0 : i32
      %dma_start3A_570 = arith.constant 768 : i32
      %dma_start3A_571 = tpu.memref_slice %arg11[%dma_start3A_569, %dma_start3A_570] : memref<8x2048xf32, #tpu.memory_space<vmem>> -> memref<8x128xf32, #tpu.memory_space<vmem>>
      %dma_start3A_572 = arith.constant 0 : i32
      %dma_start3A_573 = tpu.memref_slice %arg4[%dma_start3A_572, %mul3A_553] : memref<8x1000000xf32, #tpu.memory_space<hbm>> -> memref<8x128xf32, #tpu.memory_space<hbm>>
      tpu.enqueue_dma source(%dma_start3A_573 : memref<8x128xf32, #tpu.memory_space<hbm>>) target(%dma_start3A_571 : memref<8x128xf32, #tpu.memory_space<vmem>>) target_semaphore(%arg17 : memref<!tpu.dma_semaphore, #tpu.memory_space<semaphore_mem>>)
      %slice3A_574 = vector.extract_strided_slice %shift_right_logical3A_405 {offsets = [7], sizes = [1], strides = [1]} : vector<16xi32> to vector<1xi32>
      %squeeze3A_575 = vector.extract %slice3A_574[0] : i32 from vector<1xi32>
      %mul3A_576 = arith.constant 128 : i32
      %mul3A_577 = arith.muli %squeeze3A_575, %mul3A_576 : i32
      %dma_start3A_578 = arith.constant 0 : i32
      %dma_start3A_579 = arith.constant 896 : i32
      %dma_start3A_580 = tpu.memref_slice %arg9[%dma_start3A_578, %dma_start3A_579] : memref<8x2048xi32, #tpu.memory_space<vmem>> -> memref<8x128xi32, #tpu.memory_space<vmem>>
      %dma_start3A_581 = arith.constant 0 : i32
      %dma_start3A_582 = tpu.memref_slice %arg3[%dma_start3A_581, %mul3A_577] : memref<8x1000000xi32, #tpu.memory_space<hbm>> -> memref<8x128xi32, #tpu.memory_space<hbm>>
      %dma_start3A_583 = arith.constant 0 : i32
      %dma_start3A_584 = arith.constant 896 : i32
      %dma_start3A_585 = tpu.memref_slice %arg9[%dma_start3A_583, %dma_start3A_584] : memref<8x2048xi32, #tpu.memory_space<vmem>> -> memref<8x128xi32, #tpu.memory_space<vmem>>
      %dma_start3A_586 = arith.constant 0 : i32
      %dma_start3A_587 = tpu.memref_slice %arg3[%dma_start3A_586, %mul3A_577] : memref<8x1000000xi32, #tpu.memory_space<hbm>> -> memref<8x128xi32, #tpu.memory_space<hbm>>
      tpu.enqueue_dma source(%dma_start3A_587 : memref<8x128xi32, #tpu.memory_space<hbm>>) target(%dma_start3A_585 : memref<8x128xi32, #tpu.memory_space<vmem>>) target_semaphore(%arg15 : memref<!tpu.dma_semaphore, #tpu.memory_space<semaphore_mem>>)
      %dma_start3A_588 = arith.constant 0 : i32
      %dma_start3A_589 = arith.constant 896 : i32
      %dma_start3A_590 = tpu.memref_slice %arg11[%dma_start3A_588, %dma_start3A_589] : memref<8x2048xf32, #tpu.memory_space<vmem>> -> memref<8x128xf32, #tpu.memory_space<vmem>>
      %dma_start3A_591 = arith.constant 0 : i32
      %dma_start3A_592 = tpu.memref_slice %arg4[%dma_start3A_591, %mul3A_577] : memref<8x1000000xf32, #tpu.memory_space<hbm>> -> memref<8x128xf32, #tpu.memory_space<hbm>>
      %dma_start3A_593 = arith.constant 0 : i32
      %dma_start3A_594 = arith.constant 896 : i32
      %dma_start3A_595 = tpu.memref_slice %arg11[%dma_start3A_593, %dma_start3A_594] : memref<8x2048xf32, #tpu.memory_space<vmem>> -> memref<8x128xf32, #tpu.memory_space<vmem>>
      %dma_start3A_596 = arith.constant 0 : i32
      %dma_start3A_597 = tpu.memref_slice %arg4[%dma_start3A_596, %mul3A_577] : memref<8x1000000xf32, #tpu.memory_space<hbm>> -> memref<8x128xf32, #tpu.memory_space<hbm>>
      tpu.enqueue_dma source(%dma_start3A_597 : memref<8x128xf32, #tpu.memory_space<hbm>>) target(%dma_start3A_595 : memref<8x128xf32, #tpu.memory_space<vmem>>) target_semaphore(%arg17 : memref<!tpu.dma_semaphore, #tpu.memory_space<semaphore_mem>>)
      %slice3A_598 = vector.extract_strided_slice %shift_right_logical3A_405 {offsets = [8], sizes = [1], strides = [1]} : vector<16xi32> to vector<1xi32>
      %squeeze3A_599 = vector.extract %slice3A_598[0] : i32 from vector<1xi32>
      %mul3A_600 = arith.constant 128 : i32
      %mul3A_601 = arith.muli %squeeze3A_599, %mul3A_600 : i32
      %dma_start3A_602 = arith.constant 0 : i32
      %dma_start3A_603 = arith.constant 1024 : i32
      %dma_start3A_604 = tpu.memref_slice %arg9[%dma_start3A_602, %dma_start3A_603] : memref<8x2048xi32, #tpu.memory_space<vmem>> -> memref<8x128xi32, #tpu.memory_space<vmem>>
      %dma_start3A_605 = arith.constant 0 : i32
      %dma_start3A_606 = tpu.memref_slice %arg3[%dma_start3A_605, %mul3A_601] : memref<8x1000000xi32, #tpu.memory_space<hbm>> -> memref<8x128xi32, #tpu.memory_space<hbm>>
      %dma_start3A_607 = arith.constant 0 : i32
      %dma_start3A_608 = arith.constant 1024 : i32
      %dma_start3A_609 = tpu.memref_slice %arg9[%dma_start3A_607, %dma_start3A_608] : memref<8x2048xi32, #tpu.memory_space<vmem>> -> memref<8x128xi32, #tpu.memory_space<vmem>>
      %dma_start3A_610 = arith.constant 0 : i32
      %dma_start3A_611 = tpu.memref_slice %arg3[%dma_start3A_610, %mul3A_601] : memref<8x1000000xi32, #tpu.memory_space<hbm>> -> memref<8x128xi32, #tpu.memory_space<hbm>>
      tpu.enqueue_dma source(%dma_start3A_611 : memref<8x128xi32, #tpu.memory_space<hbm>>) target(%dma_start3A_609 : memref<8x128xi32, #tpu.memory_space<vmem>>) target_semaphore(%arg15 : memref<!tpu.dma_semaphore, #tpu.memory_space<semaphore_mem>>)
      %dma_start3A_612 = arith.constant 0 : i32
      %dma_start3A_613 = arith.constant 1024 : i32
      %dma_start3A_614 = tpu.memref_slice %arg11[%dma_start3A_612, %dma_start3A_613] : memref<8x2048xf32, #tpu.memory_space<vmem>> -> memref<8x128xf32, #tpu.memory_space<vmem>>
      %dma_start3A_615 = arith.constant 0 : i32
      %dma_start3A_616 = tpu.memref_slice %arg4[%dma_start3A_615, %mul3A_601] : memref<8x1000000xf32, #tpu.memory_space<hbm>> -> memref<8x128xf32, #tpu.memory_space<hbm>>
      %dma_start3A_617 = arith.constant 0 : i32
      %dma_start3A_618 = arith.constant 1024 : i32
      %dma_start3A_619 = tpu.memref_slice %arg11[%dma_start3A_617, %dma_start3A_618] : memref<8x2048xf32, #tpu.memory_space<vmem>> -> memref<8x128xf32, #tpu.memory_space<vmem>>
      %dma_start3A_620 = arith.constant 0 : i32
      %dma_start3A_621 = tpu.memref_slice %arg4[%dma_start3A_620, %mul3A_601] : memref<8x1000000xf32, #tpu.memory_space<hbm>> -> memref<8x128xf32, #tpu.memory_space<hbm>>
      tpu.enqueue_dma source(%dma_start3A_621 : memref<8x128xf32, #tpu.memory_space<hbm>>) target(%dma_start3A_619 : memref<8x128xf32, #tpu.memory_space<vmem>>) target_semaphore(%arg17 : memref<!tpu.dma_semaphore, #tpu.memory_space<semaphore_mem>>)
      %slice3A_622 = vector.extract_strided_slice %shift_right_logical3A_405 {offsets = [9], sizes = [1], strides = [1]} : vector<16xi32> to vector<1xi32>
      %squeeze3A_623 = vector.extract %slice3A_622[0] : i32 from vector<1xi32>
      %mul3A_624 = arith.constant 128 : i32
      %mul3A_625 = arith.muli %squeeze3A_623, %mul3A_624 : i32
      %dma_start3A_626 = arith.constant 0 : i32
      %dma_start3A_627 = arith.constant 1152 : i32
      %dma_start3A_628 = tpu.memref_slice %arg9[%dma_start3A_626, %dma_start3A_627] : memref<8x2048xi32, #tpu.memory_space<vmem>> -> memref<8x128xi32, #tpu.memory_space<vmem>>
      %dma_start3A_629 = arith.constant 0 : i32
      %dma_start3A_630 = tpu.memref_slice %arg3[%dma_start3A_629, %mul3A_625] : memref<8x1000000xi32, #tpu.memory_space<hbm>> -> memref<8x128xi32, #tpu.memory_space<hbm>>
      %dma_start3A_631 = arith.constant 0 : i32
      %dma_start3A_632 = arith.constant 1152 : i32
      %dma_start3A_633 = tpu.memref_slice %arg9[%dma_start3A_631, %dma_start3A_632] : memref<8x2048xi32, #tpu.memory_space<vmem>> -> memref<8x128xi32, #tpu.memory_space<vmem>>
      %dma_start3A_634 = arith.constant 0 : i32
      %dma_start3A_635 = tpu.memref_slice %arg3[%dma_start3A_634, %mul3A_625] : memref<8x1000000xi32, #tpu.memory_space<hbm>> -> memref<8x128xi32, #tpu.memory_space<hbm>>
      tpu.enqueue_dma source(%dma_start3A_635 : memref<8x128xi32, #tpu.memory_space<hbm>>) target(%dma_start3A_633 : memref<8x128xi32, #tpu.memory_space<vmem>>) target_semaphore(%arg15 : memref<!tpu.dma_semaphore, #tpu.memory_space<semaphore_mem>>)
      %dma_start3A_636 = arith.constant 0 : i32
      %dma_start3A_637 = arith.constant 1152 : i32
      %dma_start3A_638 = tpu.memref_slice %arg11[%dma_start3A_636, %dma_start3A_637] : memref<8x2048xf32, #tpu.memory_space<vmem>> -> memref<8x128xf32, #tpu.memory_space<vmem>>
      %dma_start3A_639 = arith.constant 0 : i32
      %dma_start3A_640 = tpu.memref_slice %arg4[%dma_start3A_639, %mul3A_625] : memref<8x1000000xf32, #tpu.memory_space<hbm>> -> memref<8x128xf32, #tpu.memory_space<hbm>>
      %dma_start3A_641 = arith.constant 0 : i32
      %dma_start3A_642 = arith.constant 1152 : i32
      %dma_start3A_643 = tpu.memref_slice %arg11[%dma_start3A_641, %dma_start3A_642] : memref<8x2048xf32, #tpu.memory_space<vmem>> -> memref<8x128xf32, #tpu.memory_space<vmem>>
      %dma_start3A_644 = arith.constant 0 : i32
      %dma_start3A_645 = tpu.memref_slice %arg4[%dma_start3A_644, %mul3A_625] : memref<8x1000000xf32, #tpu.memory_space<hbm>> -> memref<8x128xf32, #tpu.memory_space<hbm>>
      tpu.enqueue_dma source(%dma_start3A_645 : memref<8x128xf32, #tpu.memory_space<hbm>>) target(%dma_start3A_643 : memref<8x128xf32, #tpu.memory_space<vmem>>) target_semaphore(%arg17 : memref<!tpu.dma_semaphore, #tpu.memory_space<semaphore_mem>>)
      %slice3A_646 = vector.extract_strided_slice %shift_right_logical3A_405 {offsets = [10], sizes = [1], strides = [1]} : vector<16xi32> to vector<1xi32>
      %squeeze3A_647 = vector.extract %slice3A_646[0] : i32 from vector<1xi32>
      %mul3A_648 = arith.constant 128 : i32
      %mul3A_649 = arith.muli %squeeze3A_647, %mul3A_648 : i32
      %dma_start3A_650 = arith.constant 0 : i32
      %dma_start3A_651 = arith.constant 1280 : i32
      %dma_start3A_652 = tpu.memref_slice %arg9[%dma_start3A_650, %dma_start3A_651] : memref<8x2048xi32, #tpu.memory_space<vmem>> -> memref<8x128xi32, #tpu.memory_space<vmem>>
      %dma_start3A_653 = arith.constant 0 : i32
      %dma_start3A_654 = tpu.memref_slice %arg3[%dma_start3A_653, %mul3A_649] : memref<8x1000000xi32, #tpu.memory_space<hbm>> -> memref<8x128xi32, #tpu.memory_space<hbm>>
      %dma_start3A_655 = arith.constant 0 : i32
      %dma_start3A_656 = arith.constant 1280 : i32
      %dma_start3A_657 = tpu.memref_slice %arg9[%dma_start3A_655, %dma_start3A_656] : memref<8x2048xi32, #tpu.memory_space<vmem>> -> memref<8x128xi32, #tpu.memory_space<vmem>>
      %dma_start3A_658 = arith.constant 0 : i32
      %dma_start3A_659 = tpu.memref_slice %arg3[%dma_start3A_658, %mul3A_649] : memref<8x1000000xi32, #tpu.memory_space<hbm>> -> memref<8x128xi32, #tpu.memory_space<hbm>>
      tpu.enqueue_dma source(%dma_start3A_659 : memref<8x128xi32, #tpu.memory_space<hbm>>) target(%dma_start3A_657 : memref<8x128xi32, #tpu.memory_space<vmem>>) target_semaphore(%arg15 : memref<!tpu.dma_semaphore, #tpu.memory_space<semaphore_mem>>)
      %dma_start3A_660 = arith.constant 0 : i32
      %dma_start3A_661 = arith.constant 1280 : i32
      %dma_start3A_662 = tpu.memref_slice %arg11[%dma_start3A_660, %dma_start3A_661] : memref<8x2048xf32, #tpu.memory_space<vmem>> -> memref<8x128xf32, #tpu.memory_space<vmem>>
      %dma_start3A_663 = arith.constant 0 : i32
      %dma_start3A_664 = tpu.memref_slice %arg4[%dma_start3A_663, %mul3A_649] : memref<8x1000000xf32, #tpu.memory_space<hbm>> -> memref<8x128xf32, #tpu.memory_space<hbm>>
      %dma_start3A_665 = arith.constant 0 : i32
      %dma_start3A_666 = arith.constant 1280 : i32
      %dma_start3A_667 = tpu.memref_slice %arg11[%dma_start3A_665, %dma_start3A_666] : memref<8x2048xf32, #tpu.memory_space<vmem>> -> memref<8x128xf32, #tpu.memory_space<vmem>>
      %dma_start3A_668 = arith.constant 0 : i32
      %dma_start3A_669 = tpu.memref_slice %arg4[%dma_start3A_668, %mul3A_649] : memref<8x1000000xf32, #tpu.memory_space<hbm>> -> memref<8x128xf32, #tpu.memory_space<hbm>>
      tpu.enqueue_dma source(%dma_start3A_669 : memref<8x128xf32, #tpu.memory_space<hbm>>) target(%dma_start3A_667 : memref<8x128xf32, #tpu.memory_space<vmem>>) target_semaphore(%arg17 : memref<!tpu.dma_semaphore, #tpu.memory_space<semaphore_mem>>)
      %slice3A_670 = vector.extract_strided_slice %shift_right_logical3A_405 {offsets = [11], sizes = [1], strides = [1]} : vector<16xi32> to vector<1xi32>
      %squeeze3A_671 = vector.extract %slice3A_670[0] : i32 from vector<1xi32>
      %mul3A_672 = arith.constant 128 : i32
      %mul3A_673 = arith.muli %squeeze3A_671, %mul3A_672 : i32
      %dma_start3A_674 = arith.constant 0 : i32
      %dma_start3A_675 = arith.constant 1408 : i32
      %dma_start3A_676 = tpu.memref_slice %arg9[%dma_start3A_674, %dma_start3A_675] : memref<8x2048xi32, #tpu.memory_space<vmem>> -> memref<8x128xi32, #tpu.memory_space<vmem>>
      %dma_start3A_677 = arith.constant 0 : i32
      %dma_start3A_678 = tpu.memref_slice %arg3[%dma_start3A_677, %mul3A_673] : memref<8x1000000xi32, #tpu.memory_space<hbm>> -> memref<8x128xi32, #tpu.memory_space<hbm>>
      %dma_start3A_679 = arith.constant 0 : i32
      %dma_start3A_680 = arith.constant 1408 : i32
      %dma_start3A_681 = tpu.memref_slice %arg9[%dma_start3A_679, %dma_start3A_680] : memref<8x2048xi32, #tpu.memory_space<vmem>> -> memref<8x128xi32, #tpu.memory_space<vmem>>
      %dma_start3A_682 = arith.constant 0 : i32
      %dma_start3A_683 = tpu.memref_slice %arg3[%dma_start3A_682, %mul3A_673] : memref<8x1000000xi32, #tpu.memory_space<hbm>> -> memref<8x128xi32, #tpu.memory_space<hbm>>
      tpu.enqueue_dma source(%dma_start3A_683 : memref<8x128xi32, #tpu.memory_space<hbm>>) target(%dma_start3A_681 : memref<8x128xi32, #tpu.memory_space<vmem>>) target_semaphore(%arg15 : memref<!tpu.dma_semaphore, #tpu.memory_space<semaphore_mem>>)
      %dma_start3A_684 = arith.constant 0 : i32
      %dma_start3A_685 = arith.constant 1408 : i32
      %dma_start3A_686 = tpu.memref_slice %arg11[%dma_start3A_684, %dma_start3A_685] : memref<8x2048xf32, #tpu.memory_space<vmem>> -> memref<8x128xf32, #tpu.memory_space<vmem>>
      %dma_start3A_687 = arith.constant 0 : i32
      %dma_start3A_688 = tpu.memref_slice %arg4[%dma_start3A_687, %mul3A_673] : memref<8x1000000xf32, #tpu.memory_space<hbm>> -> memref<8x128xf32, #tpu.memory_space<hbm>>
      %dma_start3A_689 = arith.constant 0 : i32
      %dma_start3A_690 = arith.constant 1408 : i32
      %dma_start3A_691 = tpu.memref_slice %arg11[%dma_start3A_689, %dma_start3A_690] : memref<8x2048xf32, #tpu.memory_space<vmem>> -> memref<8x128xf32, #tpu.memory_space<vmem>>
      %dma_start3A_692 = arith.constant 0 : i32
      %dma_start3A_693 = tpu.memref_slice %arg4[%dma_start3A_692, %mul3A_673] : memref<8x1000000xf32, #tpu.memory_space<hbm>> -> memref<8x128xf32, #tpu.memory_space<hbm>>
      tpu.enqueue_dma source(%dma_start3A_693 : memref<8x128xf32, #tpu.memory_space<hbm>>) target(%dma_start3A_691 : memref<8x128xf32, #tpu.memory_space<vmem>>) target_semaphore(%arg17 : memref<!tpu.dma_semaphore, #tpu.memory_space<semaphore_mem>>)
      %slice3A_694 = vector.extract_strided_slice %shift_right_logical3A_405 {offsets = [12], sizes = [1], strides = [1]} : vector<16xi32> to vector<1xi32>
      %squeeze3A_695 = vector.extract %slice3A_694[0] : i32 from vector<1xi32>
      %mul3A_696 = arith.constant 128 : i32
      %mul3A_697 = arith.muli %squeeze3A_695, %mul3A_696 : i32
      %dma_start3A_698 = arith.constant 0 : i32
      %dma_start3A_699 = arith.constant 1536 : i32
      %dma_start3A_700 = tpu.memref_slice %arg9[%dma_start3A_698, %dma_start3A_699] : memref<8x2048xi32, #tpu.memory_space<vmem>> -> memref<8x128xi32, #tpu.memory_space<vmem>>
      %dma_start3A_701 = arith.constant 0 : i32
      %dma_start3A_702 = tpu.memref_slice %arg3[%dma_start3A_701, %mul3A_697] : memref<8x1000000xi32, #tpu.memory_space<hbm>> -> memref<8x128xi32, #tpu.memory_space<hbm>>
      %dma_start3A_703 = arith.constant 0 : i32
      %dma_start3A_704 = arith.constant 1536 : i32
      %dma_start3A_705 = tpu.memref_slice %arg9[%dma_start3A_703, %dma_start3A_704] : memref<8x2048xi32, #tpu.memory_space<vmem>> -> memref<8x128xi32, #tpu.memory_space<vmem>>
      %dma_start3A_706 = arith.constant 0 : i32
      %dma_start3A_707 = tpu.memref_slice %arg3[%dma_start3A_706, %mul3A_697] : memref<8x1000000xi32, #tpu.memory_space<hbm>> -> memref<8x128xi32, #tpu.memory_space<hbm>>
      tpu.enqueue_dma source(%dma_start3A_707 : memref<8x128xi32, #tpu.memory_space<hbm>>) target(%dma_start3A_705 : memref<8x128xi32, #tpu.memory_space<vmem>>) target_semaphore(%arg15 : memref<!tpu.dma_semaphore, #tpu.memory_space<semaphore_mem>>)
      %dma_start3A_708 = arith.constant 0 : i32
      %dma_start3A_709 = arith.constant 1536 : i32
      %dma_start3A_710 = tpu.memref_slice %arg11[%dma_start3A_708, %dma_start3A_709] : memref<8x2048xf32, #tpu.memory_space<vmem>> -> memref<8x128xf32, #tpu.memory_space<vmem>>
      %dma_start3A_711 = arith.constant 0 : i32
      %dma_start3A_712 = tpu.memref_slice %arg4[%dma_start3A_711, %mul3A_697] : memref<8x1000000xf32, #tpu.memory_space<hbm>> -> memref<8x128xf32, #tpu.memory_space<hbm>>
      %dma_start3A_713 = arith.constant 0 : i32
      %dma_start3A_714 = arith.constant 1536 : i32
      %dma_start3A_715 = tpu.memref_slice %arg11[%dma_start3A_713, %dma_start3A_714] : memref<8x2048xf32, #tpu.memory_space<vmem>> -> memref<8x128xf32, #tpu.memory_space<vmem>>
      %dma_start3A_716 = arith.constant 0 : i32
      %dma_start3A_717 = tpu.memref_slice %arg4[%dma_start3A_716, %mul3A_697] : memref<8x1000000xf32, #tpu.memory_space<hbm>> -> memref<8x128xf32, #tpu.memory_space<hbm>>
      tpu.enqueue_dma source(%dma_start3A_717 : memref<8x128xf32, #tpu.memory_space<hbm>>) target(%dma_start3A_715 : memref<8x128xf32, #tpu.memory_space<vmem>>) target_semaphore(%arg17 : memref<!tpu.dma_semaphore, #tpu.memory_space<semaphore_mem>>)
      %slice3A_718 = vector.extract_strided_slice %shift_right_logical3A_405 {offsets = [13], sizes = [1], strides = [1]} : vector<16xi32> to vector<1xi32>
      %squeeze3A_719 = vector.extract %slice3A_718[0] : i32 from vector<1xi32>
      %mul3A_720 = arith.constant 128 : i32
      %mul3A_721 = arith.muli %squeeze3A_719, %mul3A_720 : i32
      %dma_start3A_722 = arith.constant 0 : i32
      %dma_start3A_723 = arith.constant 1664 : i32
      %dma_start3A_724 = tpu.memref_slice %arg9[%dma_start3A_722, %dma_start3A_723] : memref<8x2048xi32, #tpu.memory_space<vmem>> -> memref<8x128xi32, #tpu.memory_space<vmem>>
      %dma_start3A_725 = arith.constant 0 : i32
      %dma_start3A_726 = tpu.memref_slice %arg3[%dma_start3A_725, %mul3A_721] : memref<8x1000000xi32, #tpu.memory_space<hbm>> -> memref<8x128xi32, #tpu.memory_space<hbm>>
      %dma_start3A_727 = arith.constant 0 : i32
      %dma_start3A_728 = arith.constant 1664 : i32
      %dma_start3A_729 = tpu.memref_slice %arg9[%dma_start3A_727, %dma_start3A_728] : memref<8x2048xi32, #tpu.memory_space<vmem>> -> memref<8x128xi32, #tpu.memory_space<vmem>>
      %dma_start3A_730 = arith.constant 0 : i32
      %dma_start3A_731 = tpu.memref_slice %arg3[%dma_start3A_730, %mul3A_721] : memref<8x1000000xi32, #tpu.memory_space<hbm>> -> memref<8x128xi32, #tpu.memory_space<hbm>>
      tpu.enqueue_dma source(%dma_start3A_731 : memref<8x128xi32, #tpu.memory_space<hbm>>) target(%dma_start3A_729 : memref<8x128xi32, #tpu.memory_space<vmem>>) target_semaphore(%arg15 : memref<!tpu.dma_semaphore, #tpu.memory_space<semaphore_mem>>)
      %dma_start3A_732 = arith.constant 0 : i32
      %dma_start3A_733 = arith.constant 1664 : i32
      %dma_start3A_734 = tpu.memref_slice %arg11[%dma_start3A_732, %dma_start3A_733] : memref<8x2048xf32, #tpu.memory_space<vmem>> -> memref<8x128xf32, #tpu.memory_space<vmem>>
      %dma_start3A_735 = arith.constant 0 : i32
      %dma_start3A_736 = tpu.memref_slice %arg4[%dma_start3A_735, %mul3A_721] : memref<8x1000000xf32, #tpu.memory_space<hbm>> -> memref<8x128xf32, #tpu.memory_space<hbm>>
      %dma_start3A_737 = arith.constant 0 : i32
      %dma_start3A_738 = arith.constant 1664 : i32
      %dma_start3A_739 = tpu.memref_slice %arg11[%dma_start3A_737, %dma_start3A_738] : memref<8x2048xf32, #tpu.memory_space<vmem>> -> memref<8x128xf32, #tpu.memory_space<vmem>>
      %dma_start3A_740 = arith.constant 0 : i32
      %dma_start3A_741 = tpu.memref_slice %arg4[%dma_start3A_740, %mul3A_721] : memref<8x1000000xf32, #tpu.memory_space<hbm>> -> memref<8x128xf32, #tpu.memory_space<hbm>>
      tpu.enqueue_dma source(%dma_start3A_741 : memref<8x128xf32, #tpu.memory_space<hbm>>) target(%dma_start3A_739 : memref<8x128xf32, #tpu.memory_space<vmem>>) target_semaphore(%arg17 : memref<!tpu.dma_semaphore, #tpu.memory_space<semaphore_mem>>)
      %slice3A_742 = vector.extract_strided_slice %shift_right_logical3A_405 {offsets = [14], sizes = [1], strides = [1]} : vector<16xi32> to vector<1xi32>
      %squeeze3A_743 = vector.extract %slice3A_742[0] : i32 from vector<1xi32>
      %mul3A_744 = arith.constant 128 : i32
      %mul3A_745 = arith.muli %squeeze3A_743, %mul3A_744 : i32
      %dma_start3A_746 = arith.constant 0 : i32
      %dma_start3A_747 = arith.constant 1792 : i32
      %dma_start3A_748 = tpu.memref_slice %arg9[%dma_start3A_746, %dma_start3A_747] : memref<8x2048xi32, #tpu.memory_space<vmem>> -> memref<8x128xi32, #tpu.memory_space<vmem>>
      %dma_start3A_749 = arith.constant 0 : i32
      %dma_start3A_750 = tpu.memref_slice %arg3[%dma_start3A_749, %mul3A_745] : memref<8x1000000xi32, #tpu.memory_space<hbm>> -> memref<8x128xi32, #tpu.memory_space<hbm>>
      %dma_start3A_751 = arith.constant 0 : i32
      %dma_start3A_752 = arith.constant 1792 : i32
      %dma_start3A_753 = tpu.memref_slice %arg9[%dma_start3A_751, %dma_start3A_752] : memref<8x2048xi32, #tpu.memory_space<vmem>> -> memref<8x128xi32, #tpu.memory_space<vmem>>
      %dma_start3A_754 = arith.constant 0 : i32
      %dma_start3A_755 = tpu.memref_slice %arg3[%dma_start3A_754, %mul3A_745] : memref<8x1000000xi32, #tpu.memory_space<hbm>> -> memref<8x128xi32, #tpu.memory_space<hbm>>
      tpu.enqueue_dma source(%dma_start3A_755 : memref<8x128xi32, #tpu.memory_space<hbm>>) target(%dma_start3A_753 : memref<8x128xi32, #tpu.memory_space<vmem>>) target_semaphore(%arg15 : memref<!tpu.dma_semaphore, #tpu.memory_space<semaphore_mem>>)
      %dma_start3A_756 = arith.constant 0 : i32
      %dma_start3A_757 = arith.constant 1792 : i32
      %dma_start3A_758 = tpu.memref_slice %arg11[%dma_start3A_756, %dma_start3A_757] : memref<8x2048xf32, #tpu.memory_space<vmem>> -> memref<8x128xf32, #tpu.memory_space<vmem>>
      %dma_start3A_759 = arith.constant 0 : i32
      %dma_start3A_760 = tpu.memref_slice %arg4[%dma_start3A_759, %mul3A_745] : memref<8x1000000xf32, #tpu.memory_space<hbm>> -> memref<8x128xf32, #tpu.memory_space<hbm>>
      %dma_start3A_761 = arith.constant 0 : i32
      %dma_start3A_762 = arith.constant 1792 : i32
      %dma_start3A_763 = tpu.memref_slice %arg11[%dma_start3A_761, %dma_start3A_762] : memref<8x2048xf32, #tpu.memory_space<vmem>> -> memref<8x128xf32, #tpu.memory_space<vmem>>
      %dma_start3A_764 = arith.constant 0 : i32
      %dma_start3A_765 = tpu.memref_slice %arg4[%dma_start3A_764, %mul3A_745] : memref<8x1000000xf32, #tpu.memory_space<hbm>> -> memref<8x128xf32, #tpu.memory_space<hbm>>
      tpu.enqueue_dma source(%dma_start3A_765 : memref<8x128xf32, #tpu.memory_space<hbm>>) target(%dma_start3A_763 : memref<8x128xf32, #tpu.memory_space<vmem>>) target_semaphore(%arg17 : memref<!tpu.dma_semaphore, #tpu.memory_space<semaphore_mem>>)
      %slice3A_766 = vector.extract_strided_slice %shift_right_logical3A_405 {offsets = [15], sizes = [1], strides = [1]} : vector<16xi32> to vector<1xi32>
      %squeeze3A_767 = vector.extract %slice3A_766[0] : i32 from vector<1xi32>
      %mul3A_768 = arith.constant 128 : i32
      %mul3A_769 = arith.muli %squeeze3A_767, %mul3A_768 : i32
      %dma_start3A_770 = arith.constant 0 : i32
      %dma_start3A_771 = arith.constant 1920 : i32
      %dma_start3A_772 = tpu.memref_slice %arg9[%dma_start3A_770, %dma_start3A_771] : memref<8x2048xi32, #tpu.memory_space<vmem>> -> memref<8x128xi32, #tpu.memory_space<vmem>>
      %dma_start3A_773 = arith.constant 0 : i32
      %dma_start3A_774 = tpu.memref_slice %arg3[%dma_start3A_773, %mul3A_769] : memref<8x1000000xi32, #tpu.memory_space<hbm>> -> memref<8x128xi32, #tpu.memory_space<hbm>>
      %dma_start3A_775 = arith.constant 0 : i32
      %dma_start3A_776 = arith.constant 1920 : i32
      %dma_start3A_777 = tpu.memref_slice %arg9[%dma_start3A_775, %dma_start3A_776] : memref<8x2048xi32, #tpu.memory_space<vmem>> -> memref<8x128xi32, #tpu.memory_space<vmem>>
      %dma_start3A_778 = arith.constant 0 : i32
      %dma_start3A_779 = tpu.memref_slice %arg3[%dma_start3A_778, %mul3A_769] : memref<8x1000000xi32, #tpu.memory_space<hbm>> -> memref<8x128xi32, #tpu.memory_space<hbm>>
      tpu.enqueue_dma source(%dma_start3A_779 : memref<8x128xi32, #tpu.memory_space<hbm>>) target(%dma_start3A_777 : memref<8x128xi32, #tpu.memory_space<vmem>>) target_semaphore(%arg15 : memref<!tpu.dma_semaphore, #tpu.memory_space<semaphore_mem>>)
      %dma_start3A_780 = arith.constant 0 : i32
      %dma_start3A_781 = arith.constant 1920 : i32
      %dma_start3A_782 = tpu.memref_slice %arg11[%dma_start3A_780, %dma_start3A_781] : memref<8x2048xf32, #tpu.memory_space<vmem>> -> memref<8x128xf32, #tpu.memory_space<vmem>>
      %dma_start3A_783 = arith.constant 0 : i32
      %dma_start3A_784 = tpu.memref_slice %arg4[%dma_start3A_783, %mul3A_769] : memref<8x1000000xf32, #tpu.memory_space<hbm>> -> memref<8x128xf32, #tpu.memory_space<hbm>>
      %dma_start3A_785 = arith.constant 0 : i32
      %dma_start3A_786 = arith.constant 1920 : i32
      %dma_start3A_787 = tpu.memref_slice %arg11[%dma_start3A_785, %dma_start3A_786] : memref<8x2048xf32, #tpu.memory_space<vmem>> -> memref<8x128xf32, #tpu.memory_space<vmem>>
      %dma_start3A_788 = arith.constant 0 : i32
      %dma_start3A_789 = tpu.memref_slice %arg4[%dma_start3A_788, %mul3A_769] : memref<8x1000000xf32, #tpu.memory_space<hbm>> -> memref<8x128xf32, #tpu.memory_space<hbm>>
      tpu.enqueue_dma source(%dma_start3A_789 : memref<8x128xf32, #tpu.memory_space<hbm>>) target(%dma_start3A_787 : memref<8x128xf32, #tpu.memory_space<vmem>>) target_semaphore(%arg17 : memref<!tpu.dma_semaphore, #tpu.memory_space<semaphore_mem>>)
      %dma_wait3A = arith.constant 0 : i32
      %dma_wait3A_790 = arith.constant 0 : i32
      %dma_wait3A_791 = tpu.memref_slice %arg3[%dma_wait3A, %dma_wait3A_790] : memref<8x1000000xi32, #tpu.memory_space<hbm>> -> memref<8x2048xi32, #tpu.memory_space<hbm>>
      %dma_wait3A_792 = arith.constant 0 : i32
      %dma_wait3A_793 = arith.constant 0 : i32
      %dma_wait3A_794 = tpu.memref_slice %arg3[%dma_wait3A_792, %dma_wait3A_793] : memref<8x1000000xi32, #tpu.memory_space<hbm>> -> memref<8x2048xi32, #tpu.memory_space<hbm>>
      tpu.wait_dma2 semaphore(%arg14 : memref<!tpu.dma_semaphore, #tpu.memory_space<semaphore_mem>>) src(%dma_wait3A_794 : memref<8x2048xi32, #tpu.memory_space<hbm>>) dst(%arg8 : memref<8x2048xi32, #tpu.memory_space<vmem>>)
      %dma_wait3A_795 = arith.constant 0 : i32
      %dma_wait3A_796 = arith.constant 0 : i32
      %dma_wait3A_797 = tpu.memref_slice %arg4[%dma_wait3A_795, %dma_wait3A_796] : memref<8x1000000xf32, #tpu.memory_space<hbm>> -> memref<8x2048xf32, #tpu.memory_space<hbm>>
      %dma_wait3A_798 = arith.constant 0 : i32
      %dma_wait3A_799 = arith.constant 0 : i32
      %dma_wait3A_800 = tpu.memref_slice %arg4[%dma_wait3A_798, %dma_wait3A_799] : memref<8x1000000xf32, #tpu.memory_space<hbm>> -> memref<8x2048xf32, #tpu.memory_space<hbm>>
      tpu.wait_dma2 semaphore(%arg16 : memref<!tpu.dma_semaphore, #tpu.memory_space<semaphore_mem>>) src(%dma_wait3A_800 : memref<8x2048xf32, #tpu.memory_space<hbm>>) dst(%arg10 : memref<8x2048xf32, #tpu.memory_space<vmem>>)
      %mul3A_801 = arith.constant 16 : i32
      %mul3A_802 = arith.muli %mul3A_396, %mul3A_801 : i32
      %get3A_803 = arith.index_cast %mul3A_802 : i32 to index
      %get3A_804 = tpu.vector_load %arg7[%get3A_803] {strides = array<i32>} : memref<512xi32, #tpu.memory_space<vmem>>, vector<16xi32>,
      %mul3A_805 = arith.constant 128 : i32
      %mul3A_806 = vector.broadcast %mul3A_805 : i32 to vector<16xi32>
      %mul3A_807 = arith.muli %iota3A, %mul3A_806 : vector<16xi32>
      %and3A = arith.constant 127 : i32
      %and3A_808 = vector.broadcast %and3A : i32 to vector<16xi32>
      %and3A_809 = arith.andi %get3A_804, %and3A_808 : vector<16xi32>
      %add3A_810 = arith.addi %mul3A_807, %and3A_809 : vector<16xi32>
      %jit3A = arith.constant 8 : i32
      %eq3A = arith.constant 0 : i32
      %eq3A_811 = arith.cmpi eq, %jit3A, %eq3A : i32
      %jit3A_812 = arith.constant 1 : i32
      %select_n3A = arith.select %eq3A_811, %jit3A_812, %jit3A : i32
      %rem3A = arith.remsi %mul3A_396, %select_n3A : i32
      %ne3A = arith.constant 0 : i32
      %ne3A_813 = arith.cmpi ne, %rem3A, %ne3A : i32
      %lt3A = arith.constant 0 : i32
      %lt3A_814 = arith.cmpi slt, %rem3A, %lt3A : i32
      %lt3A_815 = arith.constant 0 : i32
      %lt3A_816 = arith.cmpi slt, %select_n3A, %lt3A_815 : i32
      %ne3A_817 = arith.xori %lt3A_814, %lt3A_816 : i1
      %and3A_818 = arith.andi %ne3A_817, %ne3A_813 : i1
      %add3A_819 = arith.addi %rem3A, %select_n3A : i32
      %select_n3A_820 = arith.select %and3A_818, %add3A_819, %rem3A : i32
      %mul3A_821 = arith.constant 16 : i32
      %mul3A_822 = arith.muli %select_n3A_820, %mul3A_821 : i32
      %broadcast_in_dim3A = arith.constant 0 : i32
      %broadcast_in_dim3A_823 = vector.broadcast %broadcast_in_dim3A : i32 to vector<16xi32>
      %gather3A = tpu.vector_load_idx %arg8[%broadcast_in_dim3A_823, %add3A_810] : memref<8x2048xi32, #tpu.memory_space<vmem>>[vector<16xi32>, vector<16xi32>], vector<16xi32>,
      %swap3A = arith.constant 0 : i32
      %swap3A_824 = arith.index_cast %swap3A : i32 to index
      %swap3A_825 = arith.index_cast %mul3A_822 : i32 to index
      %swap3A_826 = tpu.vector_load %arg12[%swap3A_824, %swap3A_825] {strides = array<i32>} : memref<8x128xi32, #tpu.memory_space<vmem>>, vector<16xi32>,
      tpu.vector_store %arg12[%swap3A_824, %swap3A_825], %gather3A {strides = array<i32>} : memref<8x128xi32, #tpu.memory_space<vmem>>, vector<16xi32>,
      %gather3A_827 = tpu.vector_load_idx %arg10[%broadcast_in_dim3A_823, %add3A_810] : memref<8x2048xf32, #tpu.memory_space<vmem>>[vector<16xi32>, vector<16xi32>], vector<16xf32>,
      %swap3A_828 = arith.constant 0 : i32
      %swap3A_829 = arith.index_cast %swap3A_828 : i32 to index
      %swap3A_830 = arith.index_cast %mul3A_822 : i32 to index
      %swap3A_831 = tpu.vector_load %arg13[%swap3A_829, %swap3A_830] {strides = array<i32>} : memref<8x128xf32, #tpu.memory_space<vmem>>, vector<16xf32>,
      tpu.vector_store %arg13[%swap3A_829, %swap3A_830], %gather3A_827 {strides = array<i32>} : memref<8x128xf32, #tpu.memory_space<vmem>>, vector<16xf32>,
      %broadcast_in_dim3A_832 = arith.constant 1 : i32
      %broadcast_in_dim3A_833 = vector.broadcast %broadcast_in_dim3A_832 : i32 to vector<16xi32>
      %gather3A_834 = tpu.vector_load_idx %arg8[%broadcast_in_dim3A_833, %add3A_810] : memref<8x2048xi32, #tpu.memory_space<vmem>>[vector<16xi32>, vector<16xi32>], vector<16xi32>,
      %swap3A_835 = arith.constant 1 : i32
      %swap3A_836 = arith.index_cast %swap3A_835 : i32 to index
      %swap3A_837 = arith.index_cast %mul3A_822 : i32 to index
      %swap3A_838 = tpu.vector_load %arg12[%swap3A_836, %swap3A_837] {strides = array<i32>} : memref<8x128xi32, #tpu.memory_space<vmem>>, vector<16xi32>,
      tpu.vector_store %arg12[%swap3A_836, %swap3A_837], %gather3A_834 {strides = array<i32>} : memref<8x128xi32, #tpu.memory_space<vmem>>, vector<16xi32>,
      %gather3A_839 = tpu.vector_load_idx %arg10[%broadcast_in_dim3A_833, %add3A_810] : memref<8x2048xf32, #tpu.memory_space<vmem>>[vector<16xi32>, vector<16xi32>], vector<16xf32>,
      %swap3A_840 = arith.constant 1 : i32
      %swap3A_841 = arith.index_cast %swap3A_840 : i32 to index
      %swap3A_842 = arith.index_cast %mul3A_822 : i32 to index
      %swap3A_843 = tpu.vector_load %arg13[%swap3A_841, %swap3A_842] {strides = array<i32>} : memref<8x128xf32, #tpu.memory_space<vmem>>, vector<16xf32>,
      tpu.vector_store %arg13[%swap3A_841, %swap3A_842], %gather3A_839 {strides = array<i32>} : memref<8x128xf32, #tpu.memory_space<vmem>>, vector<16xf32>,
      %broadcast_in_dim3A_844 = arith.constant 2 : i32
      %broadcast_in_dim3A_845 = vector.broadcast %broadcast_in_dim3A_844 : i32 to vector<16xi32>
      %gather3A_846 = tpu.vector_load_idx %arg8[%broadcast_in_dim3A_845, %add3A_810] : memref<8x2048xi32, #tpu.memory_space<vmem>>[vector<16xi32>, vector<16xi32>], vector<16xi32>,
      %swap3A_847 = arith.constant 2 : i32
      %swap3A_848 = arith.index_cast %swap3A_847 : i32 to index
      %swap3A_849 = arith.index_cast %mul3A_822 : i32 to index
      %swap3A_850 = tpu.vector_load %arg12[%swap3A_848, %swap3A_849] {strides = array<i32>} : memref<8x128xi32, #tpu.memory_space<vmem>>, vector<16xi32>,
      tpu.vector_store %arg12[%swap3A_848, %swap3A_849], %gather3A_846 {strides = array<i32>} : memref<8x128xi32, #tpu.memory_space<vmem>>, vector<16xi32>,
      %gather3A_851 = tpu.vector_load_idx %arg10[%broadcast_in_dim3A_845, %add3A_810] : memref<8x2048xf32, #tpu.memory_space<vmem>>[vector<16xi32>, vector<16xi32>], vector<16xf32>,
      %swap3A_852 = arith.constant 2 : i32
      %swap3A_853 = arith.index_cast %swap3A_852 : i32 to index
      %swap3A_854 = arith.index_cast %mul3A_822 : i32 to index
      %swap3A_855 = tpu.vector_load %arg13[%swap3A_853, %swap3A_854] {strides = array<i32>} : memref<8x128xf32, #tpu.memory_space<vmem>>, vector<16xf32>,
      tpu.vector_store %arg13[%swap3A_853, %swap3A_854], %gather3A_851 {strides = array<i32>} : memref<8x128xf32, #tpu.memory_space<vmem>>, vector<16xf32>,
      %broadcast_in_dim3A_856 = arith.constant 3 : i32
      %broadcast_in_dim3A_857 = vector.broadcast %broadcast_in_dim3A_856 : i32 to vector<16xi32>
      %gather3A_858 = tpu.vector_load_idx %arg8[%broadcast_in_dim3A_857, %add3A_810] : memref<8x2048xi32, #tpu.memory_space<vmem>>[vector<16xi32>, vector<16xi32>], vector<16xi32>,
      %swap3A_859 = arith.constant 3 : i32
      %swap3A_860 = arith.index_cast %swap3A_859 : i32 to index
      %swap3A_861 = arith.index_cast %mul3A_822 : i32 to index
      %swap3A_862 = tpu.vector_load %arg12[%swap3A_860, %swap3A_861] {strides = array<i32>} : memref<8x128xi32, #tpu.memory_space<vmem>>, vector<16xi32>,
      tpu.vector_store %arg12[%swap3A_860, %swap3A_861], %gather3A_858 {strides = array<i32>} : memref<8x128xi32, #tpu.memory_space<vmem>>, vector<16xi32>,
      %gather3A_863 = tpu.vector_load_idx %arg10[%broadcast_in_dim3A_857, %add3A_810] : memref<8x2048xf32, #tpu.memory_space<vmem>>[vector<16xi32>, vector<16xi32>], vector<16xf32>,
      %swap3A_864 = arith.constant 3 : i32
      %swap3A_865 = arith.index_cast %swap3A_864 : i32 to index
      %swap3A_866 = arith.index_cast %mul3A_822 : i32 to index
      %swap3A_867 = tpu.vector_load %arg13[%swap3A_865, %swap3A_866] {strides = array<i32>} : memref<8x128xf32, #tpu.memory_space<vmem>>, vector<16xf32>,
      tpu.vector_store %arg13[%swap3A_865, %swap3A_866], %gather3A_863 {strides = array<i32>} : memref<8x128xf32, #tpu.memory_space<vmem>>, vector<16xf32>,
      %broadcast_in_dim3A_868 = arith.constant 4 : i32
      %broadcast_in_dim3A_869 = vector.broadcast %broadcast_in_dim3A_868 : i32 to vector<16xi32>
      %gather3A_870 = tpu.vector_load_idx %arg8[%broadcast_in_dim3A_869, %add3A_810] : memref<8x2048xi32, #tpu.memory_space<vmem>>[vector<16xi32>, vector<16xi32>], vector<16xi32>,
      %swap3A_871 = arith.constant 4 : i32
      %swap3A_872 = arith.index_cast %swap3A_871 : i32 to index
      %swap3A_873 = arith.index_cast %mul3A_822 : i32 to index
      %swap3A_874 = tpu.vector_load %arg12[%swap3A_872, %swap3A_873] {strides = array<i32>} : memref<8x128xi32, #tpu.memory_space<vmem>>, vector<16xi32>,
      tpu.vector_store %arg12[%swap3A_872, %swap3A_873], %gather3A_870 {strides = array<i32>} : memref<8x128xi32, #tpu.memory_space<vmem>>, vector<16xi32>,
      %gather3A_875 = tpu.vector_load_idx %arg10[%broadcast_in_dim3A_869, %add3A_810] : memref<8x2048xf32, #tpu.memory_space<vmem>>[vector<16xi32>, vector<16xi32>], vector<16xf32>,
      %swap3A_876 = arith.constant 4 : i32
      %swap3A_877 = arith.index_cast %swap3A_876 : i32 to index
      %swap3A_878 = arith.index_cast %mul3A_822 : i32 to index
      %swap3A_879 = tpu.vector_load %arg13[%swap3A_877, %swap3A_878] {strides = array<i32>} : memref<8x128xf32, #tpu.memory_space<vmem>>, vector<16xf32>,
      tpu.vector_store %arg13[%swap3A_877, %swap3A_878], %gather3A_875 {strides = array<i32>} : memref<8x128xf32, #tpu.memory_space<vmem>>, vector<16xf32>,
      %broadcast_in_dim3A_880 = arith.constant 5 : i32
      %broadcast_in_dim3A_881 = vector.broadcast %broadcast_in_dim3A_880 : i32 to vector<16xi32>
      %gather3A_882 = tpu.vector_load_idx %arg8[%broadcast_in_dim3A_881, %add3A_810] : memref<8x2048xi32, #tpu.memory_space<vmem>>[vector<16xi32>, vector<16xi32>], vector<16xi32>,
      %swap3A_883 = arith.constant 5 : i32
      %swap3A_884 = arith.index_cast %swap3A_883 : i32 to index
      %swap3A_885 = arith.index_cast %mul3A_822 : i32 to index
      %swap3A_886 = tpu.vector_load %arg12[%swap3A_884, %swap3A_885] {strides = array<i32>} : memref<8x128xi32, #tpu.memory_space<vmem>>, vector<16xi32>,
      tpu.vector_store %arg12[%swap3A_884, %swap3A_885], %gather3A_882 {strides = array<i32>} : memref<8x128xi32, #tpu.memory_space<vmem>>, vector<16xi32>,
      %gather3A_887 = tpu.vector_load_idx %arg10[%broadcast_in_dim3A_881, %add3A_810] : memref<8x2048xf32, #tpu.memory_space<vmem>>[vector<16xi32>, vector<16xi32>], vector<16xf32>,
      %swap3A_888 = arith.constant 5 : i32
      %swap3A_889 = arith.index_cast %swap3A_888 : i32 to index
      %swap3A_890 = arith.index_cast %mul3A_822 : i32 to index
      %swap3A_891 = tpu.vector_load %arg13[%swap3A_889, %swap3A_890] {strides = array<i32>} : memref<8x128xf32, #tpu.memory_space<vmem>>, vector<16xf32>,
      tpu.vector_store %arg13[%swap3A_889, %swap3A_890], %gather3A_887 {strides = array<i32>} : memref<8x128xf32, #tpu.memory_space<vmem>>, vector<16xf32>,
      %broadcast_in_dim3A_892 = arith.constant 6 : i32
      %broadcast_in_dim3A_893 = vector.broadcast %broadcast_in_dim3A_892 : i32 to vector<16xi32>
      %gather3A_894 = tpu.vector_load_idx %arg8[%broadcast_in_dim3A_893, %add3A_810] : memref<8x2048xi32, #tpu.memory_space<vmem>>[vector<16xi32>, vector<16xi32>], vector<16xi32>,
      %swap3A_895 = arith.constant 6 : i32
      %swap3A_896 = arith.index_cast %swap3A_895 : i32 to index
      %swap3A_897 = arith.index_cast %mul3A_822 : i32 to index
      %swap3A_898 = tpu.vector_load %arg12[%swap3A_896, %swap3A_897] {strides = array<i32>} : memref<8x128xi32, #tpu.memory_space<vmem>>, vector<16xi32>,
      tpu.vector_store %arg12[%swap3A_896, %swap3A_897], %gather3A_894 {strides = array<i32>} : memref<8x128xi32, #tpu.memory_space<vmem>>, vector<16xi32>,
      %gather3A_899 = tpu.vector_load_idx %arg10[%broadcast_in_dim3A_893, %add3A_810] : memref<8x2048xf32, #tpu.memory_space<vmem>>[vector<16xi32>, vector<16xi32>], vector<16xf32>,
      %swap3A_900 = arith.constant 6 : i32
      %swap3A_901 = arith.index_cast %swap3A_900 : i32 to index
      %swap3A_902 = arith.index_cast %mul3A_822 : i32 to index
      %swap3A_903 = tpu.vector_load %arg13[%swap3A_901, %swap3A_902] {strides = array<i32>} : memref<8x128xf32, #tpu.memory_space<vmem>>, vector<16xf32>,
      tpu.vector_store %arg13[%swap3A_901, %swap3A_902], %gather3A_899 {strides = array<i32>} : memref<8x128xf32, #tpu.memory_space<vmem>>, vector<16xf32>,
      %broadcast_in_dim3A_904 = arith.constant 7 : i32
      %broadcast_in_dim3A_905 = vector.broadcast %broadcast_in_dim3A_904 : i32 to vector<16xi32>
      %gather3A_906 = tpu.vector_load_idx %arg8[%broadcast_in_dim3A_905, %add3A_810] : memref<8x2048xi32, #tpu.memory_space<vmem>>[vector<16xi32>, vector<16xi32>], vector<16xi32>,
      %swap3A_907 = arith.constant 7 : i32
      %swap3A_908 = arith.index_cast %swap3A_907 : i32 to index
      %swap3A_909 = arith.index_cast %mul3A_822 : i32 to index
      %swap3A_910 = tpu.vector_load %arg12[%swap3A_908, %swap3A_909] {strides = array<i32>} : memref<8x128xi32, #tpu.memory_space<vmem>>, vector<16xi32>,
      tpu.vector_store %arg12[%swap3A_908, %swap3A_909], %gather3A_906 {strides = array<i32>} : memref<8x128xi32, #tpu.memory_space<vmem>>, vector<16xi32>,
      %gather3A_911 = tpu.vector_load_idx %arg10[%broadcast_in_dim3A_905, %add3A_810] : memref<8x2048xf32, #tpu.memory_space<vmem>>[vector<16xi32>, vector<16xi32>], vector<16xf32>,
      %swap3A_912 = arith.constant 7 : i32
      %swap3A_913 = arith.index_cast %swap3A_912 : i32 to index
      %swap3A_914 = arith.index_cast %mul3A_822 : i32 to index
      %swap3A_915 = tpu.vector_load %arg13[%swap3A_913, %swap3A_914] {strides = array<i32>} : memref<8x128xf32, #tpu.memory_space<vmem>>, vector<16xf32>,
      tpu.vector_store %arg13[%swap3A_913, %swap3A_914], %gather3A_911 {strides = array<i32>} : memref<8x128xf32, #tpu.memory_space<vmem>>, vector<16xf32>,
      %jit3A_916 = arith.constant 8 : i32
      %eq3A_917 = arith.constant 0 : i32
      %eq3A_918 = arith.cmpi eq, %jit3A_916, %eq3A_917 : i32
      %jit3A_919 = arith.constant 1 : i32
      %select_n3A_920 = arith.select %eq3A_918, %jit3A_919, %jit3A_916 : i32
      %rem3A_921 = arith.remsi %mul3A_396, %select_n3A_920 : i32
      %ne3A_922 = arith.constant 0 : i32
      %ne3A_923 = arith.cmpi ne, %rem3A_921, %ne3A_922 : i32
      %lt3A_924 = arith.constant 0 : i32
      %lt3A_925 = arith.cmpi slt, %rem3A_921, %lt3A_924 : i32
      %lt3A_926 = arith.constant 0 : i32
      %lt3A_927 = arith.cmpi slt, %select_n3A_920, %lt3A_926 : i32
      %ne3A_928 = arith.xori %lt3A_925, %lt3A_927 : i1
      %and3A_929 = arith.andi %ne3A_928, %ne3A_923 : i1
      %add3A_930 = arith.addi %rem3A_921, %select_n3A_920 : i32
      %select_n3A_931 = arith.select %and3A_929, %add3A_930, %rem3A_921 : i32
      %eq3A_932 = arith.constant 7 : i32
      %eq3A_933 = arith.cmpi eq, %select_n3A_931, %eq3A_932 : i32
      %convert_element_type3A = arith.extui %eq3A_933 : i1 to i32
      %cond3A = arith.constant 0 : i32
      %cond3A_934 = arith.cmpi ne, %convert_element_type3A, %cond3A : i32
      scf.if %cond3A_934 {
        %jit3A_1105 = arith.constant 8 : i32
        %div3A = arith.divsi %mul3A_396, %jit3A_1105 : i32
        %sign3A = arith.constant 0 : i32
        %sign3A_1106 = arith.cmpi sgt, %mul3A_396, %sign3A : i32
        %sign3A_1107 = arith.extui %sign3A_1106 : i1 to i32
        %sign3A_1108 = arith.constant 0 : i32
        %sign3A_1109 = arith.cmpi slt, %mul3A_396, %sign3A_1108 : i32
        %sign3A_1110 = arith.extui %sign3A_1109 : i1 to i32
        %sign3A_1111 = arith.subi %sign3A_1107, %sign3A_1110 : i32
        %sign3A_1112 = arith.constant 0 : i32
        %sign3A_1113 = arith.cmpi sgt, %jit3A_1105, %sign3A_1112 : i32
        %sign3A_1114 = arith.extui %sign3A_1113 : i1 to i32
        %sign3A_1115 = arith.constant 0 : i32
        %sign3A_1116 = arith.cmpi slt, %jit3A_1105, %sign3A_1115 : i32
        %sign3A_1117 = arith.extui %sign3A_1116 : i1 to i32
        %sign3A_1118 = arith.subi %sign3A_1114, %sign3A_1117 : i32
        %ne3A_1119 = arith.cmpi ne, %sign3A_1111, %sign3A_1118 : i32
        %rem3A_1120 = arith.remsi %mul3A_396, %jit3A_1105 : i32
        %ne3A_1121 = arith.constant 0 : i32
        %ne3A_1122 = arith.cmpi ne, %rem3A_1120, %ne3A_1121 : i32
        %and3A_1123 = arith.andi %ne3A_1119, %ne3A_1122 : i1
        %sub3A = arith.constant 1 : i32
        %sub3A_1124 = arith.subi %div3A, %sub3A : i32
        %select_n3A_1125 = arith.select %and3A_1123, %sub3A_1124, %div3A : i32
        %mul3A_1126 = arith.constant 128 : i32
        %mul3A_1127 = arith.muli %select_n3A_1125, %mul3A_1126 : i32
        %add3A_1128 = arith.addi %mul3A_2, %mul3A_1127 : i32
        "tpu.region"() ({
          %run_scoped3A = tpu.sem_alloc : memref<!tpu.dma_semaphore, #tpu.memory_space<semaphore_mem>>
          %dma_start3A_1129 = arith.constant 0 : i32
          %dma_start3A_1130 = tpu.memref_slice %arg5[%dma_start3A_1129, %add3A_1128] : memref<8x16384xi32, #tpu.memory_space<hbm>> -> memref<8x128xi32, #tpu.memory_space<hbm>>
          %dma_start3A_1131 = arith.constant 0 : i32
          %dma_start3A_1132 = tpu.memref_slice %arg5[%dma_start3A_1131, %add3A_1128] : memref<8x16384xi32, #tpu.memory_space<hbm>> -> memref<8x128xi32, #tpu.memory_space<hbm>>
          tpu.enqueue_dma source(%arg12 : memref<8x128xi32, #tpu.memory_space<vmem>>) target(%dma_start3A_1132 : memref<8x128xi32, #tpu.memory_space<hbm>>) target_semaphore(%run_scoped3A : memref<!tpu.dma_semaphore, #tpu.memory_space<semaphore_mem>>)
          %dma_wait3A_1133 = arith.constant 0 : i32
          %dma_wait3A_1134 = tpu.memref_slice %arg5[%dma_wait3A_1133, %add3A_1128] : memref<8x16384xi32, #tpu.memory_space<hbm>> -> memref<8x128xi32, #tpu.memory_space<hbm>>
          %dma_wait3A_1135 = arith.constant 0 : i32
          %dma_wait3A_1136 = tpu.memref_slice %arg5[%dma_wait3A_1135, %add3A_1128] : memref<8x16384xi32, #tpu.memory_space<hbm>> -> memref<8x128xi32, #tpu.memory_space<hbm>>
          tpu.wait_dma2 semaphore(%run_scoped3A : memref<!tpu.dma_semaphore, #tpu.memory_space<semaphore_mem>>) src(%arg12 : memref<8x128xi32, #tpu.memory_space<vmem>>) dst(%dma_wait3A_1136 : memref<8x128xi32, #tpu.memory_space<hbm>>)
          tpu.yield
        }) : () -> ()
        "tpu.region"() ({
          %run_scoped3A = tpu.sem_alloc : memref<!tpu.dma_semaphore, #tpu.memory_space<semaphore_mem>>
          %dma_start3A_1129 = arith.constant 0 : i32
          %dma_start3A_1130 = tpu.memref_slice %arg6[%dma_start3A_1129, %add3A_1128] : memref<8x16384xf32, #tpu.memory_space<hbm>> -> memref<8x128xf32, #tpu.memory_space<hbm>>
          %dma_start3A_1131 = arith.constant 0 : i32
          %dma_start3A_1132 = tpu.memref_slice %arg6[%dma_start3A_1131, %add3A_1128] : memref<8x16384xf32, #tpu.memory_space<hbm>> -> memref<8x128xf32, #tpu.memory_space<hbm>>
          tpu.enqueue_dma source(%arg13 : memref<8x128xf32, #tpu.memory_space<vmem>>) target(%dma_start3A_1132 : memref<8x128xf32, #tpu.memory_space<hbm>>) target_semaphore(%run_scoped3A : memref<!tpu.dma_semaphore, #tpu.memory_space<semaphore_mem>>)
          %dma_wait3A_1133 = arith.constant 0 : i32
          %dma_wait3A_1134 = tpu.memref_slice %arg6[%dma_wait3A_1133, %add3A_1128] : memref<8x16384xf32, #tpu.memory_space<hbm>> -> memref<8x128xf32, #tpu.memory_space<hbm>>
          %dma_wait3A_1135 = arith.constant 0 : i32
          %dma_wait3A_1136 = tpu.memref_slice %arg6[%dma_wait3A_1135, %add3A_1128] : memref<8x16384xf32, #tpu.memory_space<hbm>> -> memref<8x128xf32, #tpu.memory_space<hbm>>
          tpu.wait_dma2 semaphore(%run_scoped3A : memref<!tpu.dma_semaphore, #tpu.memory_space<semaphore_mem>>) src(%arg13 : memref<8x128xf32, #tpu.memory_space<vmem>>) dst(%dma_wait3A_1136 : memref<8x128xf32, #tpu.memory_space<hbm>>)
          tpu.yield
        }) : () -> ()
      } else {
      }
      %add3A_935 = arith.constant 2 : i32
      %add3A_936 = arith.addi %mul3A_396, %add3A_935 : i32
      %lt3A_937 = arith.constant 32 : i32
      %lt3A_938 = arith.cmpi slt, %add3A_936, %lt3A_937 : i32
      %convert_element_type3A_939 = arith.extui %lt3A_938 : i1 to i32
      %cond3A_940 = arith.constant 0 : i32
      %cond3A_941 = arith.cmpi ne, %convert_element_type3A_939, %cond3A_940 : i32
      scf.if %cond3A_941 {
        %add3A_1105 = arith.constant 2 : i32
        %add3A_1106 = arith.addi %mul3A_396, %add3A_1105 : i32
        %mul3A_1107 = arith.constant 16 : i32
        %mul3A_1108 = arith.muli %add3A_1106, %mul3A_1107 : i32
        %get3A_1109 = arith.index_cast %mul3A_1108 : i32 to index
        %get3A_1110 = tpu.vector_load %arg7[%get3A_1109] {strides = array<i32>} : memref<512xi32, #tpu.memory_space<vmem>>, vector<16xi32>,
        %shift_right_logical3A_1111 = arith.constant 7 : i32
        %shift_right_logical3A_1112 = vector.broadcast %shift_right_logical3A_1111 : i32 to vector<16xi32>
        %shift_right_logical3A_1113 = arith.shrui %get3A_1110, %shift_right_logical3A_1112 : vector<16xi32>
        %slice3A_1114 = vector.extract_strided_slice %shift_right_logical3A_1113 {offsets = [0], sizes = [1], strides = [1]} : vector<16xi32> to vector<1xi32>
        %squeeze3A_1115 = vector.extract %slice3A_1114[0] : i32 from vector<1xi32>
        %mul3A_1116 = arith.constant 128 : i32
        %mul3A_1117 = arith.muli %squeeze3A_1115, %mul3A_1116 : i32
        %dma_start3A_1118 = arith.constant 0 : i32
        %dma_start3A_1119 = arith.constant 0 : i32
        %dma_start3A_1120 = tpu.memref_slice %arg8[%dma_start3A_1118, %dma_start3A_1119] : memref<8x2048xi32, #tpu.memory_space<vmem>> -> memref<8x128xi32, #tpu.memory_space<vmem>>
        %dma_start3A_1121 = arith.constant 0 : i32
        %dma_start3A_1122 = tpu.memref_slice %arg3[%dma_start3A_1121, %mul3A_1117] : memref<8x1000000xi32, #tpu.memory_space<hbm>> -> memref<8x128xi32, #tpu.memory_space<hbm>>
        %dma_start3A_1123 = arith.constant 0 : i32
        %dma_start3A_1124 = arith.constant 0 : i32
        %dma_start3A_1125 = tpu.memref_slice %arg8[%dma_start3A_1123, %dma_start3A_1124] : memref<8x2048xi32, #tpu.memory_space<vmem>> -> memref<8x128xi32, #tpu.memory_space<vmem>>
        %dma_start3A_1126 = arith.constant 0 : i32
        %dma_start3A_1127 = tpu.memref_slice %arg3[%dma_start3A_1126, %mul3A_1117] : memref<8x1000000xi32, #tpu.memory_space<hbm>> -> memref<8x128xi32, #tpu.memory_space<hbm>>
        tpu.enqueue_dma source(%dma_start3A_1127 : memref<8x128xi32, #tpu.memory_space<hbm>>) target(%dma_start3A_1125 : memref<8x128xi32, #tpu.memory_space<vmem>>) target_semaphore(%arg14 : memref<!tpu.dma_semaphore, #tpu.memory_space<semaphore_mem>>)
        %dma_start3A_1128 = arith.constant 0 : i32
        %dma_start3A_1129 = arith.constant 0 : i32
        %dma_start3A_1130 = tpu.memref_slice %arg10[%dma_start3A_1128, %dma_start3A_1129] : memref<8x2048xf32, #tpu.memory_space<vmem>> -> memref<8x128xf32, #tpu.memory_space<vmem>>
        %dma_start3A_1131 = arith.constant 0 : i32
        %dma_start3A_1132 = tpu.memref_slice %arg4[%dma_start3A_1131, %mul3A_1117] : memref<8x1000000xf32, #tpu.memory_space<hbm>> -> memref<8x128xf32, #tpu.memory_space<hbm>>
        %dma_start3A_1133 = arith.constant 0 : i32
        %dma_start3A_1134 = arith.constant 0 : i32
        %dma_start3A_1135 = tpu.memref_slice %arg10[%dma_start3A_1133, %dma_start3A_1134] : memref<8x2048xf32, #tpu.memory_space<vmem>> -> memref<8x128xf32, #tpu.memory_space<vmem>>
        %dma_start3A_1136 = arith.constant 0 : i32
        %dma_start3A_1137 = tpu.memref_slice %arg4[%dma_start3A_1136, %mul3A_1117] : memref<8x1000000xf32, #tpu.memory_space<hbm>> -> memref<8x128xf32, #tpu.memory_space<hbm>>
        tpu.enqueue_dma source(%dma_start3A_1137 : memref<8x128xf32, #tpu.memory_space<hbm>>) target(%dma_start3A_1135 : memref<8x128xf32, #tpu.memory_space<vmem>>) target_semaphore(%arg16 : memref<!tpu.dma_semaphore, #tpu.memory_space<semaphore_mem>>)
        %slice3A_1138 = vector.extract_strided_slice %shift_right_logical3A_1113 {offsets = [1], sizes = [1], strides = [1]} : vector<16xi32> to vector<1xi32>
        %squeeze3A_1139 = vector.extract %slice3A_1138[0] : i32 from vector<1xi32>
        %mul3A_1140 = arith.constant 128 : i32
        %mul3A_1141 = arith.muli %squeeze3A_1139, %mul3A_1140 : i32
        %dma_start3A_1142 = arith.constant 0 : i32
        %dma_start3A_1143 = arith.constant 128 : i32
        %dma_start3A_1144 = tpu.memref_slice %arg8[%dma_start3A_1142, %dma_start3A_1143] : memref<8x2048xi32, #tpu.memory_space<vmem>> -> memref<8x128xi32, #tpu.memory_space<vmem>>
        %dma_start3A_1145 = arith.constant 0 : i32
        %dma_start3A_1146 = tpu.memref_slice %arg3[%dma_start3A_1145, %mul3A_1141] : memref<8x1000000xi32, #tpu.memory_space<hbm>> -> memref<8x128xi32, #tpu.memory_space<hbm>>
        %dma_start3A_1147 = arith.constant 0 : i32
        %dma_start3A_1148 = arith.constant 128 : i32
        %dma_start3A_1149 = tpu.memref_slice %arg8[%dma_start3A_1147, %dma_start3A_1148] : memref<8x2048xi32, #tpu.memory_space<vmem>> -> memref<8x128xi32, #tpu.memory_space<vmem>>
        %dma_start3A_1150 = arith.constant 0 : i32
        %dma_start3A_1151 = tpu.memref_slice %arg3[%dma_start3A_1150, %mul3A_1141] : memref<8x1000000xi32, #tpu.memory_space<hbm>> -> memref<8x128xi32, #tpu.memory_space<hbm>>
        tpu.enqueue_dma source(%dma_start3A_1151 : memref<8x128xi32, #tpu.memory_space<hbm>>) target(%dma_start3A_1149 : memref<8x128xi32, #tpu.memory_space<vmem>>) target_semaphore(%arg14 : memref<!tpu.dma_semaphore, #tpu.memory_space<semaphore_mem>>)
        %dma_start3A_1152 = arith.constant 0 : i32
        %dma_start3A_1153 = arith.constant 128 : i32
        %dma_start3A_1154 = tpu.memref_slice %arg10[%dma_start3A_1152, %dma_start3A_1153] : memref<8x2048xf32, #tpu.memory_space<vmem>> -> memref<8x128xf32, #tpu.memory_space<vmem>>
        %dma_start3A_1155 = arith.constant 0 : i32
        %dma_start3A_1156 = tpu.memref_slice %arg4[%dma_start3A_1155, %mul3A_1141] : memref<8x1000000xf32, #tpu.memory_space<hbm>> -> memref<8x128xf32, #tpu.memory_space<hbm>>
        %dma_start3A_1157 = arith.constant 0 : i32
        %dma_start3A_1158 = arith.constant 128 : i32
        %dma_start3A_1159 = tpu.memref_slice %arg10[%dma_start3A_1157, %dma_start3A_1158] : memref<8x2048xf32, #tpu.memory_space<vmem>> -> memref<8x128xf32, #tpu.memory_space<vmem>>
        %dma_start3A_1160 = arith.constant 0 : i32
        %dma_start3A_1161 = tpu.memref_slice %arg4[%dma_start3A_1160, %mul3A_1141] : memref<8x1000000xf32, #tpu.memory_space<hbm>> -> memref<8x128xf32, #tpu.memory_space<hbm>>
        tpu.enqueue_dma source(%dma_start3A_1161 : memref<8x128xf32, #tpu.memory_space<hbm>>) target(%dma_start3A_1159 : memref<8x128xf32, #tpu.memory_space<vmem>>) target_semaphore(%arg16 : memref<!tpu.dma_semaphore, #tpu.memory_space<semaphore_mem>>)
        %slice3A_1162 = vector.extract_strided_slice %shift_right_logical3A_1113 {offsets = [2], sizes = [1], strides = [1]} : vector<16xi32> to vector<1xi32>
        %squeeze3A_1163 = vector.extract %slice3A_1162[0] : i32 from vector<1xi32>
        %mul3A_1164 = arith.constant 128 : i32
        %mul3A_1165 = arith.muli %squeeze3A_1163, %mul3A_1164 : i32
        %dma_start3A_1166 = arith.constant 0 : i32
        %dma_start3A_1167 = arith.constant 256 : i32
        %dma_start3A_1168 = tpu.memref_slice %arg8[%dma_start3A_1166, %dma_start3A_1167] : memref<8x2048xi32, #tpu.memory_space<vmem>> -> memref<8x128xi32, #tpu.memory_space<vmem>>
        %dma_start3A_1169 = arith.constant 0 : i32
        %dma_start3A_1170 = tpu.memref_slice %arg3[%dma_start3A_1169, %mul3A_1165] : memref<8x1000000xi32, #tpu.memory_space<hbm>> -> memref<8x128xi32, #tpu.memory_space<hbm>>
        %dma_start3A_1171 = arith.constant 0 : i32
        %dma_start3A_1172 = arith.constant 256 : i32
        %dma_start3A_1173 = tpu.memref_slice %arg8[%dma_start3A_1171, %dma_start3A_1172] : memref<8x2048xi32, #tpu.memory_space<vmem>> -> memref<8x128xi32, #tpu.memory_space<vmem>>
        %dma_start3A_1174 = arith.constant 0 : i32
        %dma_start3A_1175 = tpu.memref_slice %arg3[%dma_start3A_1174, %mul3A_1165] : memref<8x1000000xi32, #tpu.memory_space<hbm>> -> memref<8x128xi32, #tpu.memory_space<hbm>>
        tpu.enqueue_dma source(%dma_start3A_1175 : memref<8x128xi32, #tpu.memory_space<hbm>>) target(%dma_start3A_1173 : memref<8x128xi32, #tpu.memory_space<vmem>>) target_semaphore(%arg14 : memref<!tpu.dma_semaphore, #tpu.memory_space<semaphore_mem>>)
        %dma_start3A_1176 = arith.constant 0 : i32
        %dma_start3A_1177 = arith.constant 256 : i32
        %dma_start3A_1178 = tpu.memref_slice %arg10[%dma_start3A_1176, %dma_start3A_1177] : memref<8x2048xf32, #tpu.memory_space<vmem>> -> memref<8x128xf32, #tpu.memory_space<vmem>>
        %dma_start3A_1179 = arith.constant 0 : i32
        %dma_start3A_1180 = tpu.memref_slice %arg4[%dma_start3A_1179, %mul3A_1165] : memref<8x1000000xf32, #tpu.memory_space<hbm>> -> memref<8x128xf32, #tpu.memory_space<hbm>>
        %dma_start3A_1181 = arith.constant 0 : i32
        %dma_start3A_1182 = arith.constant 256 : i32
        %dma_start3A_1183 = tpu.memref_slice %arg10[%dma_start3A_1181, %dma_start3A_1182] : memref<8x2048xf32, #tpu.memory_space<vmem>> -> memref<8x128xf32, #tpu.memory_space<vmem>>
        %dma_start3A_1184 = arith.constant 0 : i32
        %dma_start3A_1185 = tpu.memref_slice %arg4[%dma_start3A_1184, %mul3A_1165] : memref<8x1000000xf32, #tpu.memory_space<hbm>> -> memref<8x128xf32, #tpu.memory_space<hbm>>
        tpu.enqueue_dma source(%dma_start3A_1185 : memref<8x128xf32, #tpu.memory_space<hbm>>) target(%dma_start3A_1183 : memref<8x128xf32, #tpu.memory_space<vmem>>) target_semaphore(%arg16 : memref<!tpu.dma_semaphore, #tpu.memory_space<semaphore_mem>>)
        %slice3A_1186 = vector.extract_strided_slice %shift_right_logical3A_1113 {offsets = [3], sizes = [1], strides = [1]} : vector<16xi32> to vector<1xi32>
        %squeeze3A_1187 = vector.extract %slice3A_1186[0] : i32 from vector<1xi32>
        %mul3A_1188 = arith.constant 128 : i32
        %mul3A_1189 = arith.muli %squeeze3A_1187, %mul3A_1188 : i32
        %dma_start3A_1190 = arith.constant 0 : i32
        %dma_start3A_1191 = arith.constant 384 : i32
        %dma_start3A_1192 = tpu.memref_slice %arg8[%dma_start3A_1190, %dma_start3A_1191] : memref<8x2048xi32, #tpu.memory_space<vmem>> -> memref<8x128xi32, #tpu.memory_space<vmem>>
        %dma_start3A_1193 = arith.constant 0 : i32
        %dma_start3A_1194 = tpu.memref_slice %arg3[%dma_start3A_1193, %mul3A_1189] : memref<8x1000000xi32, #tpu.memory_space<hbm>> -> memref<8x128xi32, #tpu.memory_space<hbm>>
        %dma_start3A_1195 = arith.constant 0 : i32
        %dma_start3A_1196 = arith.constant 384 : i32
        %dma_start3A_1197 = tpu.memref_slice %arg8[%dma_start3A_1195, %dma_start3A_1196] : memref<8x2048xi32, #tpu.memory_space<vmem>> -> memref<8x128xi32, #tpu.memory_space<vmem>>
        %dma_start3A_1198 = arith.constant 0 : i32
        %dma_start3A_1199 = tpu.memref_slice %arg3[%dma_start3A_1198, %mul3A_1189] : memref<8x1000000xi32, #tpu.memory_space<hbm>> -> memref<8x128xi32, #tpu.memory_space<hbm>>
        tpu.enqueue_dma source(%dma_start3A_1199 : memref<8x128xi32, #tpu.memory_space<hbm>>) target(%dma_start3A_1197 : memref<8x128xi32, #tpu.memory_space<vmem>>) target_semaphore(%arg14 : memref<!tpu.dma_semaphore, #tpu.memory_space<semaphore_mem>>)
        %dma_start3A_1200 = arith.constant 0 : i32
        %dma_start3A_1201 = arith.constant 384 : i32
        %dma_start3A_1202 = tpu.memref_slice %arg10[%dma_start3A_1200, %dma_start3A_1201] : memref<8x2048xf32, #tpu.memory_space<vmem>> -> memref<8x128xf32, #tpu.memory_space<vmem>>
        %dma_start3A_1203 = arith.constant 0 : i32
        %dma_start3A_1204 = tpu.memref_slice %arg4[%dma_start3A_1203, %mul3A_1189] : memref<8x1000000xf32, #tpu.memory_space<hbm>> -> memref<8x128xf32, #tpu.memory_space<hbm>>
        %dma_start3A_1205 = arith.constant 0 : i32
        %dma_start3A_1206 = arith.constant 384 : i32
        %dma_start3A_1207 = tpu.memref_slice %arg10[%dma_start3A_1205, %dma_start3A_1206] : memref<8x2048xf32, #tpu.memory_space<vmem>> -> memref<8x128xf32, #tpu.memory_space<vmem>>
        %dma_start3A_1208 = arith.constant 0 : i32
        %dma_start3A_1209 = tpu.memref_slice %arg4[%dma_start3A_1208, %mul3A_1189] : memref<8x1000000xf32, #tpu.memory_space<hbm>> -> memref<8x128xf32, #tpu.memory_space<hbm>>
        tpu.enqueue_dma source(%dma_start3A_1209 : memref<8x128xf32, #tpu.memory_space<hbm>>) target(%dma_start3A_1207 : memref<8x128xf32, #tpu.memory_space<vmem>>) target_semaphore(%arg16 : memref<!tpu.dma_semaphore, #tpu.memory_space<semaphore_mem>>)
        %slice3A_1210 = vector.extract_strided_slice %shift_right_logical3A_1113 {offsets = [4], sizes = [1], strides = [1]} : vector<16xi32> to vector<1xi32>
        %squeeze3A_1211 = vector.extract %slice3A_1210[0] : i32 from vector<1xi32>
        %mul3A_1212 = arith.constant 128 : i32
        %mul3A_1213 = arith.muli %squeeze3A_1211, %mul3A_1212 : i32
        %dma_start3A_1214 = arith.constant 0 : i32
        %dma_start3A_1215 = arith.constant 512 : i32
        %dma_start3A_1216 = tpu.memref_slice %arg8[%dma_start3A_1214, %dma_start3A_1215] : memref<8x2048xi32, #tpu.memory_space<vmem>> -> memref<8x128xi32, #tpu.memory_space<vmem>>
        %dma_start3A_1217 = arith.constant 0 : i32
        %dma_start3A_1218 = tpu.memref_slice %arg3[%dma_start3A_1217, %mul3A_1213] : memref<8x1000000xi32, #tpu.memory_space<hbm>> -> memref<8x128xi32, #tpu.memory_space<hbm>>
        %dma_start3A_1219 = arith.constant 0 : i32
        %dma_start3A_1220 = arith.constant 512 : i32
        %dma_start3A_1221 = tpu.memref_slice %arg8[%dma_start3A_1219, %dma_start3A_1220] : memref<8x2048xi32, #tpu.memory_space<vmem>> -> memref<8x128xi32, #tpu.memory_space<vmem>>
        %dma_start3A_1222 = arith.constant 0 : i32
        %dma_start3A_1223 = tpu.memref_slice %arg3[%dma_start3A_1222, %mul3A_1213] : memref<8x1000000xi32, #tpu.memory_space<hbm>> -> memref<8x128xi32, #tpu.memory_space<hbm>>
        tpu.enqueue_dma source(%dma_start3A_1223 : memref<8x128xi32, #tpu.memory_space<hbm>>) target(%dma_start3A_1221 : memref<8x128xi32, #tpu.memory_space<vmem>>) target_semaphore(%arg14 : memref<!tpu.dma_semaphore, #tpu.memory_space<semaphore_mem>>)
        %dma_start3A_1224 = arith.constant 0 : i32
        %dma_start3A_1225 = arith.constant 512 : i32
        %dma_start3A_1226 = tpu.memref_slice %arg10[%dma_start3A_1224, %dma_start3A_1225] : memref<8x2048xf32, #tpu.memory_space<vmem>> -> memref<8x128xf32, #tpu.memory_space<vmem>>
        %dma_start3A_1227 = arith.constant 0 : i32
        %dma_start3A_1228 = tpu.memref_slice %arg4[%dma_start3A_1227, %mul3A_1213] : memref<8x1000000xf32, #tpu.memory_space<hbm>> -> memref<8x128xf32, #tpu.memory_space<hbm>>
        %dma_start3A_1229 = arith.constant 0 : i32
        %dma_start3A_1230 = arith.constant 512 : i32
        %dma_start3A_1231 = tpu.memref_slice %arg10[%dma_start3A_1229, %dma_start3A_1230] : memref<8x2048xf32, #tpu.memory_space<vmem>> -> memref<8x128xf32, #tpu.memory_space<vmem>>
        %dma_start3A_1232 = arith.constant 0 : i32
        %dma_start3A_1233 = tpu.memref_slice %arg4[%dma_start3A_1232, %mul3A_1213] : memref<8x1000000xf32, #tpu.memory_space<hbm>> -> memref<8x128xf32, #tpu.memory_space<hbm>>
        tpu.enqueue_dma source(%dma_start3A_1233 : memref<8x128xf32, #tpu.memory_space<hbm>>) target(%dma_start3A_1231 : memref<8x128xf32, #tpu.memory_space<vmem>>) target_semaphore(%arg16 : memref<!tpu.dma_semaphore, #tpu.memory_space<semaphore_mem>>)
        %slice3A_1234 = vector.extract_strided_slice %shift_right_logical3A_1113 {offsets = [5], sizes = [1], strides = [1]} : vector<16xi32> to vector<1xi32>
        %squeeze3A_1235 = vector.extract %slice3A_1234[0] : i32 from vector<1xi32>
        %mul3A_1236 = arith.constant 128 : i32
        %mul3A_1237 = arith.muli %squeeze3A_1235, %mul3A_1236 : i32
        %dma_start3A_1238 = arith.constant 0 : i32
        %dma_start3A_1239 = arith.constant 640 : i32
        %dma_start3A_1240 = tpu.memref_slice %arg8[%dma_start3A_1238, %dma_start3A_1239] : memref<8x2048xi32, #tpu.memory_space<vmem>> -> memref<8x128xi32, #tpu.memory_space<vmem>>
        %dma_start3A_1241 = arith.constant 0 : i32
        %dma_start3A_1242 = tpu.memref_slice %arg3[%dma_start3A_1241, %mul3A_1237] : memref<8x1000000xi32, #tpu.memory_space<hbm>> -> memref<8x128xi32, #tpu.memory_space<hbm>>
        %dma_start3A_1243 = arith.constant 0 : i32
        %dma_start3A_1244 = arith.constant 640 : i32
        %dma_start3A_1245 = tpu.memref_slice %arg8[%dma_start3A_1243, %dma_start3A_1244] : memref<8x2048xi32, #tpu.memory_space<vmem>> -> memref<8x128xi32, #tpu.memory_space<vmem>>
        %dma_start3A_1246 = arith.constant 0 : i32
        %dma_start3A_1247 = tpu.memref_slice %arg3[%dma_start3A_1246, %mul3A_1237] : memref<8x1000000xi32, #tpu.memory_space<hbm>> -> memref<8x128xi32, #tpu.memory_space<hbm>>
        tpu.enqueue_dma source(%dma_start3A_1247 : memref<8x128xi32, #tpu.memory_space<hbm>>) target(%dma_start3A_1245 : memref<8x128xi32, #tpu.memory_space<vmem>>) target_semaphore(%arg14 : memref<!tpu.dma_semaphore, #tpu.memory_space<semaphore_mem>>)
        %dma_start3A_1248 = arith.constant 0 : i32
        %dma_start3A_1249 = arith.constant 640 : i32
        %dma_start3A_1250 = tpu.memref_slice %arg10[%dma_start3A_1248, %dma_start3A_1249] : memref<8x2048xf32, #tpu.memory_space<vmem>> -> memref<8x128xf32, #tpu.memory_space<vmem>>
        %dma_start3A_1251 = arith.constant 0 : i32
        %dma_start3A_1252 = tpu.memref_slice %arg4[%dma_start3A_1251, %mul3A_1237] : memref<8x1000000xf32, #tpu.memory_space<hbm>> -> memref<8x128xf32, #tpu.memory_space<hbm>>
        %dma_start3A_1253 = arith.constant 0 : i32
        %dma_start3A_1254 = arith.constant 640 : i32
        %dma_start3A_1255 = tpu.memref_slice %arg10[%dma_start3A_1253, %dma_start3A_1254] : memref<8x2048xf32, #tpu.memory_space<vmem>> -> memref<8x128xf32, #tpu.memory_space<vmem>>
        %dma_start3A_1256 = arith.constant 0 : i32
        %dma_start3A_1257 = tpu.memref_slice %arg4[%dma_start3A_1256, %mul3A_1237] : memref<8x1000000xf32, #tpu.memory_space<hbm>> -> memref<8x128xf32, #tpu.memory_space<hbm>>
        tpu.enqueue_dma source(%dma_start3A_1257 : memref<8x128xf32, #tpu.memory_space<hbm>>) target(%dma_start3A_1255 : memref<8x128xf32, #tpu.memory_space<vmem>>) target_semaphore(%arg16 : memref<!tpu.dma_semaphore, #tpu.memory_space<semaphore_mem>>)
        %slice3A_1258 = vector.extract_strided_slice %shift_right_logical3A_1113 {offsets = [6], sizes = [1], strides = [1]} : vector<16xi32> to vector<1xi32>
        %squeeze3A_1259 = vector.extract %slice3A_1258[0] : i32 from vector<1xi32>
        %mul3A_1260 = arith.constant 128 : i32
        %mul3A_1261 = arith.muli %squeeze3A_1259, %mul3A_1260 : i32
        %dma_start3A_1262 = arith.constant 0 : i32
        %dma_start3A_1263 = arith.constant 768 : i32
        %dma_start3A_1264 = tpu.memref_slice %arg8[%dma_start3A_1262, %dma_start3A_1263] : memref<8x2048xi32, #tpu.memory_space<vmem>> -> memref<8x128xi32, #tpu.memory_space<vmem>>
        %dma_start3A_1265 = arith.constant 0 : i32
        %dma_start3A_1266 = tpu.memref_slice %arg3[%dma_start3A_1265, %mul3A_1261] : memref<8x1000000xi32, #tpu.memory_space<hbm>> -> memref<8x128xi32, #tpu.memory_space<hbm>>
        %dma_start3A_1267 = arith.constant 0 : i32
        %dma_start3A_1268 = arith.constant 768 : i32
        %dma_start3A_1269 = tpu.memref_slice %arg8[%dma_start3A_1267, %dma_start3A_1268] : memref<8x2048xi32, #tpu.memory_space<vmem>> -> memref<8x128xi32, #tpu.memory_space<vmem>>
        %dma_start3A_1270 = arith.constant 0 : i32
        %dma_start3A_1271 = tpu.memref_slice %arg3[%dma_start3A_1270, %mul3A_1261] : memref<8x1000000xi32, #tpu.memory_space<hbm>> -> memref<8x128xi32, #tpu.memory_space<hbm>>
        tpu.enqueue_dma source(%dma_start3A_1271 : memref<8x128xi32, #tpu.memory_space<hbm>>) target(%dma_start3A_1269 : memref<8x128xi32, #tpu.memory_space<vmem>>) target_semaphore(%arg14 : memref<!tpu.dma_semaphore, #tpu.memory_space<semaphore_mem>>)
        %dma_start3A_1272 = arith.constant 0 : i32
        %dma_start3A_1273 = arith.constant 768 : i32
        %dma_start3A_1274 = tpu.memref_slice %arg10[%dma_start3A_1272, %dma_start3A_1273] : memref<8x2048xf32, #tpu.memory_space<vmem>> -> memref<8x128xf32, #tpu.memory_space<vmem>>
        %dma_start3A_1275 = arith.constant 0 : i32
        %dma_start3A_1276 = tpu.memref_slice %arg4[%dma_start3A_1275, %mul3A_1261] : memref<8x1000000xf32, #tpu.memory_space<hbm>> -> memref<8x128xf32, #tpu.memory_space<hbm>>
        %dma_start3A_1277 = arith.constant 0 : i32
        %dma_start3A_1278 = arith.constant 768 : i32
        %dma_start3A_1279 = tpu.memref_slice %arg10[%dma_start3A_1277, %dma_start3A_1278] : memref<8x2048xf32, #tpu.memory_space<vmem>> -> memref<8x128xf32, #tpu.memory_space<vmem>>
        %dma_start3A_1280 = arith.constant 0 : i32
        %dma_start3A_1281 = tpu.memref_slice %arg4[%dma_start3A_1280, %mul3A_1261] : memref<8x1000000xf32, #tpu.memory_space<hbm>> -> memref<8x128xf32, #tpu.memory_space<hbm>>
        tpu.enqueue_dma source(%dma_start3A_1281 : memref<8x128xf32, #tpu.memory_space<hbm>>) target(%dma_start3A_1279 : memref<8x128xf32, #tpu.memory_space<vmem>>) target_semaphore(%arg16 : memref<!tpu.dma_semaphore, #tpu.memory_space<semaphore_mem>>)
        %slice3A_1282 = vector.extract_strided_slice %shift_right_logical3A_1113 {offsets = [7], sizes = [1], strides = [1]} : vector<16xi32> to vector<1xi32>
        %squeeze3A_1283 = vector.extract %slice3A_1282[0] : i32 from vector<1xi32>
        %mul3A_1284 = arith.constant 128 : i32
        %mul3A_1285 = arith.muli %squeeze3A_1283, %mul3A_1284 : i32
        %dma_start3A_1286 = arith.constant 0 : i32
        %dma_start3A_1287 = arith.constant 896 : i32
        %dma_start3A_1288 = tpu.memref_slice %arg8[%dma_start3A_1286, %dma_start3A_1287] : memref<8x2048xi32, #tpu.memory_space<vmem>> -> memref<8x128xi32, #tpu.memory_space<vmem>>
        %dma_start3A_1289 = arith.constant 0 : i32
        %dma_start3A_1290 = tpu.memref_slice %arg3[%dma_start3A_1289, %mul3A_1285] : memref<8x1000000xi32, #tpu.memory_space<hbm>> -> memref<8x128xi32, #tpu.memory_space<hbm>>
        %dma_start3A_1291 = arith.constant 0 : i32
        %dma_start3A_1292 = arith.constant 896 : i32
        %dma_start3A_1293 = tpu.memref_slice %arg8[%dma_start3A_1291, %dma_start3A_1292] : memref<8x2048xi32, #tpu.memory_space<vmem>> -> memref<8x128xi32, #tpu.memory_space<vmem>>
        %dma_start3A_1294 = arith.constant 0 : i32
        %dma_start3A_1295 = tpu.memref_slice %arg3[%dma_start3A_1294, %mul3A_1285] : memref<8x1000000xi32, #tpu.memory_space<hbm>> -> memref<8x128xi32, #tpu.memory_space<hbm>>
        tpu.enqueue_dma source(%dma_start3A_1295 : memref<8x128xi32, #tpu.memory_space<hbm>>) target(%dma_start3A_1293 : memref<8x128xi32, #tpu.memory_space<vmem>>) target_semaphore(%arg14 : memref<!tpu.dma_semaphore, #tpu.memory_space<semaphore_mem>>)
        %dma_start3A_1296 = arith.constant 0 : i32
        %dma_start3A_1297 = arith.constant 896 : i32
        %dma_start3A_1298 = tpu.memref_slice %arg10[%dma_start3A_1296, %dma_start3A_1297] : memref<8x2048xf32, #tpu.memory_space<vmem>> -> memref<8x128xf32, #tpu.memory_space<vmem>>
        %dma_start3A_1299 = arith.constant 0 : i32
        %dma_start3A_1300 = tpu.memref_slice %arg4[%dma_start3A_1299, %mul3A_1285] : memref<8x1000000xf32, #tpu.memory_space<hbm>> -> memref<8x128xf32, #tpu.memory_space<hbm>>
        %dma_start3A_1301 = arith.constant 0 : i32
        %dma_start3A_1302 = arith.constant 896 : i32
        %dma_start3A_1303 = tpu.memref_slice %arg10[%dma_start3A_1301, %dma_start3A_1302] : memref<8x2048xf32, #tpu.memory_space<vmem>> -> memref<8x128xf32, #tpu.memory_space<vmem>>
        %dma_start3A_1304 = arith.constant 0 : i32
        %dma_start3A_1305 = tpu.memref_slice %arg4[%dma_start3A_1304, %mul3A_1285] : memref<8x1000000xf32, #tpu.memory_space<hbm>> -> memref<8x128xf32, #tpu.memory_space<hbm>>
        tpu.enqueue_dma source(%dma_start3A_1305 : memref<8x128xf32, #tpu.memory_space<hbm>>) target(%dma_start3A_1303 : memref<8x128xf32, #tpu.memory_space<vmem>>) target_semaphore(%arg16 : memref<!tpu.dma_semaphore, #tpu.memory_space<semaphore_mem>>)
        %slice3A_1306 = vector.extract_strided_slice %shift_right_logical3A_1113 {offsets = [8], sizes = [1], strides = [1]} : vector<16xi32> to vector<1xi32>
        %squeeze3A_1307 = vector.extract %slice3A_1306[0] : i32 from vector<1xi32>
        %mul3A_1308 = arith.constant 128 : i32
        %mul3A_1309 = arith.muli %squeeze3A_1307, %mul3A_1308 : i32
        %dma_start3A_1310 = arith.constant 0 : i32
        %dma_start3A_1311 = arith.constant 1024 : i32
        %dma_start3A_1312 = tpu.memref_slice %arg8[%dma_start3A_1310, %dma_start3A_1311] : memref<8x2048xi32, #tpu.memory_space<vmem>> -> memref<8x128xi32, #tpu.memory_space<vmem>>
        %dma_start3A_1313 = arith.constant 0 : i32
        %dma_start3A_1314 = tpu.memref_slice %arg3[%dma_start3A_1313, %mul3A_1309] : memref<8x1000000xi32, #tpu.memory_space<hbm>> -> memref<8x128xi32, #tpu.memory_space<hbm>>
        %dma_start3A_1315 = arith.constant 0 : i32
        %dma_start3A_1316 = arith.constant 1024 : i32
        %dma_start3A_1317 = tpu.memref_slice %arg8[%dma_start3A_1315, %dma_start3A_1316] : memref<8x2048xi32, #tpu.memory_space<vmem>> -> memref<8x128xi32, #tpu.memory_space<vmem>>
        %dma_start3A_1318 = arith.constant 0 : i32
        %dma_start3A_1319 = tpu.memref_slice %arg3[%dma_start3A_1318, %mul3A_1309] : memref<8x1000000xi32, #tpu.memory_space<hbm>> -> memref<8x128xi32, #tpu.memory_space<hbm>>
        tpu.enqueue_dma source(%dma_start3A_1319 : memref<8x128xi32, #tpu.memory_space<hbm>>) target(%dma_start3A_1317 : memref<8x128xi32, #tpu.memory_space<vmem>>) target_semaphore(%arg14 : memref<!tpu.dma_semaphore, #tpu.memory_space<semaphore_mem>>)
        %dma_start3A_1320 = arith.constant 0 : i32
        %dma_start3A_1321 = arith.constant 1024 : i32
        %dma_start3A_1322 = tpu.memref_slice %arg10[%dma_start3A_1320, %dma_start3A_1321] : memref<8x2048xf32, #tpu.memory_space<vmem>> -> memref<8x128xf32, #tpu.memory_space<vmem>>
        %dma_start3A_1323 = arith.constant 0 : i32
        %dma_start3A_1324 = tpu.memref_slice %arg4[%dma_start3A_1323, %mul3A_1309] : memref<8x1000000xf32, #tpu.memory_space<hbm>> -> memref<8x128xf32, #tpu.memory_space<hbm>>
        %dma_start3A_1325 = arith.constant 0 : i32
        %dma_start3A_1326 = arith.constant 1024 : i32
        %dma_start3A_1327 = tpu.memref_slice %arg10[%dma_start3A_1325, %dma_start3A_1326] : memref<8x2048xf32, #tpu.memory_space<vmem>> -> memref<8x128xf32, #tpu.memory_space<vmem>>
        %dma_start3A_1328 = arith.constant 0 : i32
        %dma_start3A_1329 = tpu.memref_slice %arg4[%dma_start3A_1328, %mul3A_1309] : memref<8x1000000xf32, #tpu.memory_space<hbm>> -> memref<8x128xf32, #tpu.memory_space<hbm>>
        tpu.enqueue_dma source(%dma_start3A_1329 : memref<8x128xf32, #tpu.memory_space<hbm>>) target(%dma_start3A_1327 : memref<8x128xf32, #tpu.memory_space<vmem>>) target_semaphore(%arg16 : memref<!tpu.dma_semaphore, #tpu.memory_space<semaphore_mem>>)
        %slice3A_1330 = vector.extract_strided_slice %shift_right_logical3A_1113 {offsets = [9], sizes = [1], strides = [1]} : vector<16xi32> to vector<1xi32>
        %squeeze3A_1331 = vector.extract %slice3A_1330[0] : i32 from vector<1xi32>
        %mul3A_1332 = arith.constant 128 : i32
        %mul3A_1333 = arith.muli %squeeze3A_1331, %mul3A_1332 : i32
        %dma_start3A_1334 = arith.constant 0 : i32
        %dma_start3A_1335 = arith.constant 1152 : i32
        %dma_start3A_1336 = tpu.memref_slice %arg8[%dma_start3A_1334, %dma_start3A_1335] : memref<8x2048xi32, #tpu.memory_space<vmem>> -> memref<8x128xi32, #tpu.memory_space<vmem>>
        %dma_start3A_1337 = arith.constant 0 : i32
        %dma_start3A_1338 = tpu.memref_slice %arg3[%dma_start3A_1337, %mul3A_1333] : memref<8x1000000xi32, #tpu.memory_space<hbm>> -> memref<8x128xi32, #tpu.memory_space<hbm>>
        %dma_start3A_1339 = arith.constant 0 : i32
        %dma_start3A_1340 = arith.constant 1152 : i32
        %dma_start3A_1341 = tpu.memref_slice %arg8[%dma_start3A_1339, %dma_start3A_1340] : memref<8x2048xi32, #tpu.memory_space<vmem>> -> memref<8x128xi32, #tpu.memory_space<vmem>>
        %dma_start3A_1342 = arith.constant 0 : i32
        %dma_start3A_1343 = tpu.memref_slice %arg3[%dma_start3A_1342, %mul3A_1333] : memref<8x1000000xi32, #tpu.memory_space<hbm>> -> memref<8x128xi32, #tpu.memory_space<hbm>>
        tpu.enqueue_dma source(%dma_start3A_1343 : memref<8x128xi32, #tpu.memory_space<hbm>>) target(%dma_start3A_1341 : memref<8x128xi32, #tpu.memory_space<vmem>>) target_semaphore(%arg14 : memref<!tpu.dma_semaphore, #tpu.memory_space<semaphore_mem>>)
        %dma_start3A_1344 = arith.constant 0 : i32
        %dma_start3A_1345 = arith.constant 1152 : i32
        %dma_start3A_1346 = tpu.memref_slice %arg10[%dma_start3A_1344, %dma_start3A_1345] : memref<8x2048xf32, #tpu.memory_space<vmem>> -> memref<8x128xf32, #tpu.memory_space<vmem>>
        %dma_start3A_1347 = arith.constant 0 : i32
        %dma_start3A_1348 = tpu.memref_slice %arg4[%dma_start3A_1347, %mul3A_1333] : memref<8x1000000xf32, #tpu.memory_space<hbm>> -> memref<8x128xf32, #tpu.memory_space<hbm>>
        %dma_start3A_1349 = arith.constant 0 : i32
        %dma_start3A_1350 = arith.constant 1152 : i32
        %dma_start3A_1351 = tpu.memref_slice %arg10[%dma_start3A_1349, %dma_start3A_1350] : memref<8x2048xf32, #tpu.memory_space<vmem>> -> memref<8x128xf32, #tpu.memory_space<vmem>>
        %dma_start3A_1352 = arith.constant 0 : i32
        %dma_start3A_1353 = tpu.memref_slice %arg4[%dma_start3A_1352, %mul3A_1333] : memref<8x1000000xf32, #tpu.memory_space<hbm>> -> memref<8x128xf32, #tpu.memory_space<hbm>>
        tpu.enqueue_dma source(%dma_start3A_1353 : memref<8x128xf32, #tpu.memory_space<hbm>>) target(%dma_start3A_1351 : memref<8x128xf32, #tpu.memory_space<vmem>>) target_semaphore(%arg16 : memref<!tpu.dma_semaphore, #tpu.memory_space<semaphore_mem>>)
        %slice3A_1354 = vector.extract_strided_slice %shift_right_logical3A_1113 {offsets = [10], sizes = [1], strides = [1]} : vector<16xi32> to vector<1xi32>
        %squeeze3A_1355 = vector.extract %slice3A_1354[0] : i32 from vector<1xi32>
        %mul3A_1356 = arith.constant 128 : i32
        %mul3A_1357 = arith.muli %squeeze3A_1355, %mul3A_1356 : i32
        %dma_start3A_1358 = arith.constant 0 : i32
        %dma_start3A_1359 = arith.constant 1280 : i32
        %dma_start3A_1360 = tpu.memref_slice %arg8[%dma_start3A_1358, %dma_start3A_1359] : memref<8x2048xi32, #tpu.memory_space<vmem>> -> memref<8x128xi32, #tpu.memory_space<vmem>>
        %dma_start3A_1361 = arith.constant 0 : i32
        %dma_start3A_1362 = tpu.memref_slice %arg3[%dma_start3A_1361, %mul3A_1357] : memref<8x1000000xi32, #tpu.memory_space<hbm>> -> memref<8x128xi32, #tpu.memory_space<hbm>>
        %dma_start3A_1363 = arith.constant 0 : i32
        %dma_start3A_1364 = arith.constant 1280 : i32
        %dma_start3A_1365 = tpu.memref_slice %arg8[%dma_start3A_1363, %dma_start3A_1364] : memref<8x2048xi32, #tpu.memory_space<vmem>> -> memref<8x128xi32, #tpu.memory_space<vmem>>
        %dma_start3A_1366 = arith.constant 0 : i32
        %dma_start3A_1367 = tpu.memref_slice %arg3[%dma_start3A_1366, %mul3A_1357] : memref<8x1000000xi32, #tpu.memory_space<hbm>> -> memref<8x128xi32, #tpu.memory_space<hbm>>
        tpu.enqueue_dma source(%dma_start3A_1367 : memref<8x128xi32, #tpu.memory_space<hbm>>) target(%dma_start3A_1365 : memref<8x128xi32, #tpu.memory_space<vmem>>) target_semaphore(%arg14 : memref<!tpu.dma_semaphore, #tpu.memory_space<semaphore_mem>>)
        %dma_start3A_1368 = arith.constant 0 : i32
        %dma_start3A_1369 = arith.constant 1280 : i32
        %dma_start3A_1370 = tpu.memref_slice %arg10[%dma_start3A_1368, %dma_start3A_1369] : memref<8x2048xf32, #tpu.memory_space<vmem>> -> memref<8x128xf32, #tpu.memory_space<vmem>>
        %dma_start3A_1371 = arith.constant 0 : i32
        %dma_start3A_1372 = tpu.memref_slice %arg4[%dma_start3A_1371, %mul3A_1357] : memref<8x1000000xf32, #tpu.memory_space<hbm>> -> memref<8x128xf32, #tpu.memory_space<hbm>>
        %dma_start3A_1373 = arith.constant 0 : i32
        %dma_start3A_1374 = arith.constant 1280 : i32
        %dma_start3A_1375 = tpu.memref_slice %arg10[%dma_start3A_1373, %dma_start3A_1374] : memref<8x2048xf32, #tpu.memory_space<vmem>> -> memref<8x128xf32, #tpu.memory_space<vmem>>
        %dma_start3A_1376 = arith.constant 0 : i32
        %dma_start3A_1377 = tpu.memref_slice %arg4[%dma_start3A_1376, %mul3A_1357] : memref<8x1000000xf32, #tpu.memory_space<hbm>> -> memref<8x128xf32, #tpu.memory_space<hbm>>
        tpu.enqueue_dma source(%dma_start3A_1377 : memref<8x128xf32, #tpu.memory_space<hbm>>) target(%dma_start3A_1375 : memref<8x128xf32, #tpu.memory_space<vmem>>) target_semaphore(%arg16 : memref<!tpu.dma_semaphore, #tpu.memory_space<semaphore_mem>>)
        %slice3A_1378 = vector.extract_strided_slice %shift_right_logical3A_1113 {offsets = [11], sizes = [1], strides = [1]} : vector<16xi32> to vector<1xi32>
        %squeeze3A_1379 = vector.extract %slice3A_1378[0] : i32 from vector<1xi32>
        %mul3A_1380 = arith.constant 128 : i32
        %mul3A_1381 = arith.muli %squeeze3A_1379, %mul3A_1380 : i32
        %dma_start3A_1382 = arith.constant 0 : i32
        %dma_start3A_1383 = arith.constant 1408 : i32
        %dma_start3A_1384 = tpu.memref_slice %arg8[%dma_start3A_1382, %dma_start3A_1383] : memref<8x2048xi32, #tpu.memory_space<vmem>> -> memref<8x128xi32, #tpu.memory_space<vmem>>
        %dma_start3A_1385 = arith.constant 0 : i32
        %dma_start3A_1386 = tpu.memref_slice %arg3[%dma_start3A_1385, %mul3A_1381] : memref<8x1000000xi32, #tpu.memory_space<hbm>> -> memref<8x128xi32, #tpu.memory_space<hbm>>
        %dma_start3A_1387 = arith.constant 0 : i32
        %dma_start3A_1388 = arith.constant 1408 : i32
        %dma_start3A_1389 = tpu.memref_slice %arg8[%dma_start3A_1387, %dma_start3A_1388] : memref<8x2048xi32, #tpu.memory_space<vmem>> -> memref<8x128xi32, #tpu.memory_space<vmem>>
        %dma_start3A_1390 = arith.constant 0 : i32
        %dma_start3A_1391 = tpu.memref_slice %arg3[%dma_start3A_1390, %mul3A_1381] : memref<8x1000000xi32, #tpu.memory_space<hbm>> -> memref<8x128xi32, #tpu.memory_space<hbm>>
        tpu.enqueue_dma source(%dma_start3A_1391 : memref<8x128xi32, #tpu.memory_space<hbm>>) target(%dma_start3A_1389 : memref<8x128xi32, #tpu.memory_space<vmem>>) target_semaphore(%arg14 : memref<!tpu.dma_semaphore, #tpu.memory_space<semaphore_mem>>)
        %dma_start3A_1392 = arith.constant 0 : i32
        %dma_start3A_1393 = arith.constant 1408 : i32
        %dma_start3A_1394 = tpu.memref_slice %arg10[%dma_start3A_1392, %dma_start3A_1393] : memref<8x2048xf32, #tpu.memory_space<vmem>> -> memref<8x128xf32, #tpu.memory_space<vmem>>
        %dma_start3A_1395 = arith.constant 0 : i32
        %dma_start3A_1396 = tpu.memref_slice %arg4[%dma_start3A_1395, %mul3A_1381] : memref<8x1000000xf32, #tpu.memory_space<hbm>> -> memref<8x128xf32, #tpu.memory_space<hbm>>
        %dma_start3A_1397 = arith.constant 0 : i32
        %dma_start3A_1398 = arith.constant 1408 : i32
        %dma_start3A_1399 = tpu.memref_slice %arg10[%dma_start3A_1397, %dma_start3A_1398] : memref<8x2048xf32, #tpu.memory_space<vmem>> -> memref<8x128xf32, #tpu.memory_space<vmem>>
        %dma_start3A_1400 = arith.constant 0 : i32
        %dma_start3A_1401 = tpu.memref_slice %arg4[%dma_start3A_1400, %mul3A_1381] : memref<8x1000000xf32, #tpu.memory_space<hbm>> -> memref<8x128xf32, #tpu.memory_space<hbm>>
        tpu.enqueue_dma source(%dma_start3A_1401 : memref<8x128xf32, #tpu.memory_space<hbm>>) target(%dma_start3A_1399 : memref<8x128xf32, #tpu.memory_space<vmem>>) target_semaphore(%arg16 : memref<!tpu.dma_semaphore, #tpu.memory_space<semaphore_mem>>)
        %slice3A_1402 = vector.extract_strided_slice %shift_right_logical3A_1113 {offsets = [12], sizes = [1], strides = [1]} : vector<16xi32> to vector<1xi32>
        %squeeze3A_1403 = vector.extract %slice3A_1402[0] : i32 from vector<1xi32>
        %mul3A_1404 = arith.constant 128 : i32
        %mul3A_1405 = arith.muli %squeeze3A_1403, %mul3A_1404 : i32
        %dma_start3A_1406 = arith.constant 0 : i32
        %dma_start3A_1407 = arith.constant 1536 : i32
        %dma_start3A_1408 = tpu.memref_slice %arg8[%dma_start3A_1406, %dma_start3A_1407] : memref<8x2048xi32, #tpu.memory_space<vmem>> -> memref<8x128xi32, #tpu.memory_space<vmem>>
        %dma_start3A_1409 = arith.constant 0 : i32
        %dma_start3A_1410 = tpu.memref_slice %arg3[%dma_start3A_1409, %mul3A_1405] : memref<8x1000000xi32, #tpu.memory_space<hbm>> -> memref<8x128xi32, #tpu.memory_space<hbm>>
        %dma_start3A_1411 = arith.constant 0 : i32
        %dma_start3A_1412 = arith.constant 1536 : i32
        %dma_start3A_1413 = tpu.memref_slice %arg8[%dma_start3A_1411, %dma_start3A_1412] : memref<8x2048xi32, #tpu.memory_space<vmem>> -> memref<8x128xi32, #tpu.memory_space<vmem>>
        %dma_start3A_1414 = arith.constant 0 : i32
        %dma_start3A_1415 = tpu.memref_slice %arg3[%dma_start3A_1414, %mul3A_1405] : memref<8x1000000xi32, #tpu.memory_space<hbm>> -> memref<8x128xi32, #tpu.memory_space<hbm>>
        tpu.enqueue_dma source(%dma_start3A_1415 : memref<8x128xi32, #tpu.memory_space<hbm>>) target(%dma_start3A_1413 : memref<8x128xi32, #tpu.memory_space<vmem>>) target_semaphore(%arg14 : memref<!tpu.dma_semaphore, #tpu.memory_space<semaphore_mem>>)
        %dma_start3A_1416 = arith.constant 0 : i32
        %dma_start3A_1417 = arith.constant 1536 : i32
        %dma_start3A_1418 = tpu.memref_slice %arg10[%dma_start3A_1416, %dma_start3A_1417] : memref<8x2048xf32, #tpu.memory_space<vmem>> -> memref<8x128xf32, #tpu.memory_space<vmem>>
        %dma_start3A_1419 = arith.constant 0 : i32
        %dma_start3A_1420 = tpu.memref_slice %arg4[%dma_start3A_1419, %mul3A_1405] : memref<8x1000000xf32, #tpu.memory_space<hbm>> -> memref<8x128xf32, #tpu.memory_space<hbm>>
        %dma_start3A_1421 = arith.constant 0 : i32
        %dma_start3A_1422 = arith.constant 1536 : i32
        %dma_start3A_1423 = tpu.memref_slice %arg10[%dma_start3A_1421, %dma_start3A_1422] : memref<8x2048xf32, #tpu.memory_space<vmem>> -> memref<8x128xf32, #tpu.memory_space<vmem>>
        %dma_start3A_1424 = arith.constant 0 : i32
        %dma_start3A_1425 = tpu.memref_slice %arg4[%dma_start3A_1424, %mul3A_1405] : memref<8x1000000xf32, #tpu.memory_space<hbm>> -> memref<8x128xf32, #tpu.memory_space<hbm>>
        tpu.enqueue_dma source(%dma_start3A_1425 : memref<8x128xf32, #tpu.memory_space<hbm>>) target(%dma_start3A_1423 : memref<8x128xf32, #tpu.memory_space<vmem>>) target_semaphore(%arg16 : memref<!tpu.dma_semaphore, #tpu.memory_space<semaphore_mem>>)
        %slice3A_1426 = vector.extract_strided_slice %shift_right_logical3A_1113 {offsets = [13], sizes = [1], strides = [1]} : vector<16xi32> to vector<1xi32>
        %squeeze3A_1427 = vector.extract %slice3A_1426[0] : i32 from vector<1xi32>
        %mul3A_1428 = arith.constant 128 : i32
        %mul3A_1429 = arith.muli %squeeze3A_1427, %mul3A_1428 : i32
        %dma_start3A_1430 = arith.constant 0 : i32
        %dma_start3A_1431 = arith.constant 1664 : i32
        %dma_start3A_1432 = tpu.memref_slice %arg8[%dma_start3A_1430, %dma_start3A_1431] : memref<8x2048xi32, #tpu.memory_space<vmem>> -> memref<8x128xi32, #tpu.memory_space<vmem>>
        %dma_start3A_1433 = arith.constant 0 : i32
        %dma_start3A_1434 = tpu.memref_slice %arg3[%dma_start3A_1433, %mul3A_1429] : memref<8x1000000xi32, #tpu.memory_space<hbm>> -> memref<8x128xi32, #tpu.memory_space<hbm>>
        %dma_start3A_1435 = arith.constant 0 : i32
        %dma_start3A_1436 = arith.constant 1664 : i32
        %dma_start3A_1437 = tpu.memref_slice %arg8[%dma_start3A_1435, %dma_start3A_1436] : memref<8x2048xi32, #tpu.memory_space<vmem>> -> memref<8x128xi32, #tpu.memory_space<vmem>>
        %dma_start3A_1438 = arith.constant 0 : i32
        %dma_start3A_1439 = tpu.memref_slice %arg3[%dma_start3A_1438, %mul3A_1429] : memref<8x1000000xi32, #tpu.memory_space<hbm>> -> memref<8x128xi32, #tpu.memory_space<hbm>>
        tpu.enqueue_dma source(%dma_start3A_1439 : memref<8x128xi32, #tpu.memory_space<hbm>>) target(%dma_start3A_1437 : memref<8x128xi32, #tpu.memory_space<vmem>>) target_semaphore(%arg14 : memref<!tpu.dma_semaphore, #tpu.memory_space<semaphore_mem>>)
        %dma_start3A_1440 = arith.constant 0 : i32
        %dma_start3A_1441 = arith.constant 1664 : i32
        %dma_start3A_1442 = tpu.memref_slice %arg10[%dma_start3A_1440, %dma_start3A_1441] : memref<8x2048xf32, #tpu.memory_space<vmem>> -> memref<8x128xf32, #tpu.memory_space<vmem>>
        %dma_start3A_1443 = arith.constant 0 : i32
        %dma_start3A_1444 = tpu.memref_slice %arg4[%dma_start3A_1443, %mul3A_1429] : memref<8x1000000xf32, #tpu.memory_space<hbm>> -> memref<8x128xf32, #tpu.memory_space<hbm>>
        %dma_start3A_1445 = arith.constant 0 : i32
        %dma_start3A_1446 = arith.constant 1664 : i32
        %dma_start3A_1447 = tpu.memref_slice %arg10[%dma_start3A_1445, %dma_start3A_1446] : memref<8x2048xf32, #tpu.memory_space<vmem>> -> memref<8x128xf32, #tpu.memory_space<vmem>>
        %dma_start3A_1448 = arith.constant 0 : i32
        %dma_start3A_1449 = tpu.memref_slice %arg4[%dma_start3A_1448, %mul3A_1429] : memref<8x1000000xf32, #tpu.memory_space<hbm>> -> memref<8x128xf32, #tpu.memory_space<hbm>>
        tpu.enqueue_dma source(%dma_start3A_1449 : memref<8x128xf32, #tpu.memory_space<hbm>>) target(%dma_start3A_1447 : memref<8x128xf32, #tpu.memory_space<vmem>>) target_semaphore(%arg16 : memref<!tpu.dma_semaphore, #tpu.memory_space<semaphore_mem>>)
        %slice3A_1450 = vector.extract_strided_slice %shift_right_logical3A_1113 {offsets = [14], sizes = [1], strides = [1]} : vector<16xi32> to vector<1xi32>
        %squeeze3A_1451 = vector.extract %slice3A_1450[0] : i32 from vector<1xi32>
        %mul3A_1452 = arith.constant 128 : i32
        %mul3A_1453 = arith.muli %squeeze3A_1451, %mul3A_1452 : i32
        %dma_start3A_1454 = arith.constant 0 : i32
        %dma_start3A_1455 = arith.constant 1792 : i32
        %dma_start3A_1456 = tpu.memref_slice %arg8[%dma_start3A_1454, %dma_start3A_1455] : memref<8x2048xi32, #tpu.memory_space<vmem>> -> memref<8x128xi32, #tpu.memory_space<vmem>>
        %dma_start3A_1457 = arith.constant 0 : i32
        %dma_start3A_1458 = tpu.memref_slice %arg3[%dma_start3A_1457, %mul3A_1453] : memref<8x1000000xi32, #tpu.memory_space<hbm>> -> memref<8x128xi32, #tpu.memory_space<hbm>>
        %dma_start3A_1459 = arith.constant 0 : i32
        %dma_start3A_1460 = arith.constant 1792 : i32
        %dma_start3A_1461 = tpu.memref_slice %arg8[%dma_start3A_1459, %dma_start3A_1460] : memref<8x2048xi32, #tpu.memory_space<vmem>> -> memref<8x128xi32, #tpu.memory_space<vmem>>
        %dma_start3A_1462 = arith.constant 0 : i32
        %dma_start3A_1463 = tpu.memref_slice %arg3[%dma_start3A_1462, %mul3A_1453] : memref<8x1000000xi32, #tpu.memory_space<hbm>> -> memref<8x128xi32, #tpu.memory_space<hbm>>
        tpu.enqueue_dma source(%dma_start3A_1463 : memref<8x128xi32, #tpu.memory_space<hbm>>) target(%dma_start3A_1461 : memref<8x128xi32, #tpu.memory_space<vmem>>) target_semaphore(%arg14 : memref<!tpu.dma_semaphore, #tpu.memory_space<semaphore_mem>>)
        %dma_start3A_1464 = arith.constant 0 : i32
        %dma_start3A_1465 = arith.constant 1792 : i32
        %dma_start3A_1466 = tpu.memref_slice %arg10[%dma_start3A_1464, %dma_start3A_1465] : memref<8x2048xf32, #tpu.memory_space<vmem>> -> memref<8x128xf32, #tpu.memory_space<vmem>>
        %dma_start3A_1467 = arith.constant 0 : i32
        %dma_start3A_1468 = tpu.memref_slice %arg4[%dma_start3A_1467, %mul3A_1453] : memref<8x1000000xf32, #tpu.memory_space<hbm>> -> memref<8x128xf32, #tpu.memory_space<hbm>>
        %dma_start3A_1469 = arith.constant 0 : i32
        %dma_start3A_1470 = arith.constant 1792 : i32
        %dma_start3A_1471 = tpu.memref_slice %arg10[%dma_start3A_1469, %dma_start3A_1470] : memref<8x2048xf32, #tpu.memory_space<vmem>> -> memref<8x128xf32, #tpu.memory_space<vmem>>
        %dma_start3A_1472 = arith.constant 0 : i32
        %dma_start3A_1473 = tpu.memref_slice %arg4[%dma_start3A_1472, %mul3A_1453] : memref<8x1000000xf32, #tpu.memory_space<hbm>> -> memref<8x128xf32, #tpu.memory_space<hbm>>
        tpu.enqueue_dma source(%dma_start3A_1473 : memref<8x128xf32, #tpu.memory_space<hbm>>) target(%dma_start3A_1471 : memref<8x128xf32, #tpu.memory_space<vmem>>) target_semaphore(%arg16 : memref<!tpu.dma_semaphore, #tpu.memory_space<semaphore_mem>>)
        %slice3A_1474 = vector.extract_strided_slice %shift_right_logical3A_1113 {offsets = [15], sizes = [1], strides = [1]} : vector<16xi32> to vector<1xi32>
        %squeeze3A_1475 = vector.extract %slice3A_1474[0] : i32 from vector<1xi32>
        %mul3A_1476 = arith.constant 128 : i32
        %mul3A_1477 = arith.muli %squeeze3A_1475, %mul3A_1476 : i32
        %dma_start3A_1478 = arith.constant 0 : i32
        %dma_start3A_1479 = arith.constant 1920 : i32
        %dma_start3A_1480 = tpu.memref_slice %arg8[%dma_start3A_1478, %dma_start3A_1479] : memref<8x2048xi32, #tpu.memory_space<vmem>> -> memref<8x128xi32, #tpu.memory_space<vmem>>
        %dma_start3A_1481 = arith.constant 0 : i32
        %dma_start3A_1482 = tpu.memref_slice %arg3[%dma_start3A_1481, %mul3A_1477] : memref<8x1000000xi32, #tpu.memory_space<hbm>> -> memref<8x128xi32, #tpu.memory_space<hbm>>
        %dma_start3A_1483 = arith.constant 0 : i32
        %dma_start3A_1484 = arith.constant 1920 : i32
        %dma_start3A_1485 = tpu.memref_slice %arg8[%dma_start3A_1483, %dma_start3A_1484] : memref<8x2048xi32, #tpu.memory_space<vmem>> -> memref<8x128xi32, #tpu.memory_space<vmem>>
        %dma_start3A_1486 = arith.constant 0 : i32
        %dma_start3A_1487 = tpu.memref_slice %arg3[%dma_start3A_1486, %mul3A_1477] : memref<8x1000000xi32, #tpu.memory_space<hbm>> -> memref<8x128xi32, #tpu.memory_space<hbm>>
        tpu.enqueue_dma source(%dma_start3A_1487 : memref<8x128xi32, #tpu.memory_space<hbm>>) target(%dma_start3A_1485 : memref<8x128xi32, #tpu.memory_space<vmem>>) target_semaphore(%arg14 : memref<!tpu.dma_semaphore, #tpu.memory_space<semaphore_mem>>)
        %dma_start3A_1488 = arith.constant 0 : i32
        %dma_start3A_1489 = arith.constant 1920 : i32
        %dma_start3A_1490 = tpu.memref_slice %arg10[%dma_start3A_1488, %dma_start3A_1489] : memref<8x2048xf32, #tpu.memory_space<vmem>> -> memref<8x128xf32, #tpu.memory_space<vmem>>
        %dma_start3A_1491 = arith.constant 0 : i32
        %dma_start3A_1492 = tpu.memref_slice %arg4[%dma_start3A_1491, %mul3A_1477] : memref<8x1000000xf32, #tpu.memory_space<hbm>> -> memref<8x128xf32, #tpu.memory_space<hbm>>
        %dma_start3A_1493 = arith.constant 0 : i32
        %dma_start3A_1494 = arith.constant 1920 : i32
        %dma_start3A_1495 = tpu.memref_slice %arg10[%dma_start3A_1493, %dma_start3A_1494] : memref<8x2048xf32, #tpu.memory_space<vmem>> -> memref<8x128xf32, #tpu.memory_space<vmem>>
        %dma_start3A_1496 = arith.constant 0 : i32
        %dma_start3A_1497 = tpu.memref_slice %arg4[%dma_start3A_1496, %mul3A_1477] : memref<8x1000000xf32, #tpu.memory_space<hbm>> -> memref<8x128xf32, #tpu.memory_space<hbm>>
        tpu.enqueue_dma source(%dma_start3A_1497 : memref<8x128xf32, #tpu.memory_space<hbm>>) target(%dma_start3A_1495 : memref<8x128xf32, #tpu.memory_space<vmem>>) target_semaphore(%arg16 : memref<!tpu.dma_semaphore, #tpu.memory_space<semaphore_mem>>)
      } else {
      }
      %dma_wait3A_942 = arith.constant 0 : i32
      %dma_wait3A_943 = arith.constant 0 : i32
      %dma_wait3A_944 = tpu.memref_slice %arg3[%dma_wait3A_942, %dma_wait3A_943] : memref<8x1000000xi32, #tpu.memory_space<hbm>> -> memref<8x2048xi32, #tpu.memory_space<hbm>>
      %dma_wait3A_945 = arith.constant 0 : i32
      %dma_wait3A_946 = arith.constant 0 : i32
      %dma_wait3A_947 = tpu.memref_slice %arg3[%dma_wait3A_945, %dma_wait3A_946] : memref<8x1000000xi32, #tpu.memory_space<hbm>> -> memref<8x2048xi32, #tpu.memory_space<hbm>>
      tpu.wait_dma2 semaphore(%arg15 : memref<!tpu.dma_semaphore, #tpu.memory_space<semaphore_mem>>) src(%dma_wait3A_947 : memref<8x2048xi32, #tpu.memory_space<hbm>>) dst(%arg9 : memref<8x2048xi32, #tpu.memory_space<vmem>>)
      %dma_wait3A_948 = arith.constant 0 : i32
      %dma_wait3A_949 = arith.constant 0 : i32
      %dma_wait3A_950 = tpu.memref_slice %arg4[%dma_wait3A_948, %dma_wait3A_949] : memref<8x1000000xf32, #tpu.memory_space<hbm>> -> memref<8x2048xf32, #tpu.memory_space<hbm>>
      %dma_wait3A_951 = arith.constant 0 : i32
      %dma_wait3A_952 = arith.constant 0 : i32
      %dma_wait3A_953 = tpu.memref_slice %arg4[%dma_wait3A_951, %dma_wait3A_952] : memref<8x1000000xf32, #tpu.memory_space<hbm>> -> memref<8x2048xf32, #tpu.memory_space<hbm>>
      tpu.wait_dma2 semaphore(%arg17 : memref<!tpu.dma_semaphore, #tpu.memory_space<semaphore_mem>>) src(%dma_wait3A_953 : memref<8x2048xf32, #tpu.memory_space<hbm>>) dst(%arg11 : memref<8x2048xf32, #tpu.memory_space<vmem>>)
      %add3A_954 = arith.constant 1 : i32
      %add3A_955 = arith.addi %mul3A_396, %add3A_954 : i32
      %mul3A_956 = arith.constant 16 : i32
      %mul3A_957 = arith.muli %add3A_955, %mul3A_956 : i32
      %get3A_958 = arith.index_cast %mul3A_957 : i32 to index
      %get3A_959 = tpu.vector_load %arg7[%get3A_958] {strides = array<i32>} : memref<512xi32, #tpu.memory_space<vmem>>, vector<16xi32>,
      %mul3A_960 = arith.constant 128 : i32
      %mul3A_961 = vector.broadcast %mul3A_960 : i32 to vector<16xi32>
      %mul3A_962 = arith.muli %iota3A, %mul3A_961 : vector<16xi32>
      %and3A_963 = arith.constant 127 : i32
      %and3A_964 = vector.broadcast %and3A_963 : i32 to vector<16xi32>
      %and3A_965 = arith.andi %get3A_959, %and3A_964 : vector<16xi32>
      %add3A_966 = arith.addi %mul3A_962, %and3A_965 : vector<16xi32>
      %jit3A_967 = arith.constant 8 : i32
      %eq3A_968 = arith.constant 0 : i32
      %eq3A_969 = arith.cmpi eq, %jit3A_967, %eq3A_968 : i32
      %jit3A_970 = arith.constant 1 : i32
      %select_n3A_971 = arith.select %eq3A_969, %jit3A_970, %jit3A_967 : i32
      %rem3A_972 = arith.remsi %add3A_955, %select_n3A_971 : i32
      %ne3A_973 = arith.constant 0 : i32
      %ne3A_974 = arith.cmpi ne, %rem3A_972, %ne3A_973 : i32
      %lt3A_975 = arith.constant 0 : i32
      %lt3A_976 = arith.cmpi slt, %rem3A_972, %lt3A_975 : i32
      %lt3A_977 = arith.constant 0 : i32
      %lt3A_978 = arith.cmpi slt, %select_n3A_971, %lt3A_977 : i32
      %ne3A_979 = arith.xori %lt3A_976, %lt3A_978 : i1
      %and3A_980 = arith.andi %ne3A_979, %ne3A_974 : i1
      %add3A_981 = arith.addi %rem3A_972, %select_n3A_971 : i32
      %select_n3A_982 = arith.select %and3A_980, %add3A_981, %rem3A_972 : i32
      %mul3A_983 = arith.constant 16 : i32
      %mul3A_984 = arith.muli %select_n3A_982, %mul3A_983 : i32
      %broadcast_in_dim3A_985 = arith.constant 0 : i32
      %broadcast_in_dim3A_986 = vector.broadcast %broadcast_in_dim3A_985 : i32 to vector<16xi32>
      %gather3A_987 = tpu.vector_load_idx %arg9[%broadcast_in_dim3A_986, %add3A_966] : memref<8x2048xi32, #tpu.memory_space<vmem>>[vector<16xi32>, vector<16xi32>], vector<16xi32>,
      %swap3A_988 = arith.constant 0 : i32
      %swap3A_989 = arith.index_cast %swap3A_988 : i32 to index
      %swap3A_990 = arith.index_cast %mul3A_984 : i32 to index
      %swap3A_991 = tpu.vector_load %arg12[%swap3A_989, %swap3A_990] {strides = array<i32>} : memref<8x128xi32, #tpu.memory_space<vmem>>, vector<16xi32>,
      tpu.vector_store %arg12[%swap3A_989, %swap3A_990], %gather3A_987 {strides = array<i32>} : memref<8x128xi32, #tpu.memory_space<vmem>>, vector<16xi32>,
      %gather3A_992 = tpu.vector_load_idx %arg11[%broadcast_in_dim3A_986, %add3A_966] : memref<8x2048xf32, #tpu.memory_space<vmem>>[vector<16xi32>, vector<16xi32>], vector<16xf32>,
      %swap3A_993 = arith.constant 0 : i32
      %swap3A_994 = arith.index_cast %swap3A_993 : i32 to index
      %swap3A_995 = arith.index_cast %mul3A_984 : i32 to index
      %swap3A_996 = tpu.vector_load %arg13[%swap3A_994, %swap3A_995] {strides = array<i32>} : memref<8x128xf32, #tpu.memory_space<vmem>>, vector<16xf32>,
      tpu.vector_store %arg13[%swap3A_994, %swap3A_995], %gather3A_992 {strides = array<i32>} : memref<8x128xf32, #tpu.memory_space<vmem>>, vector<16xf32>,
      %broadcast_in_dim3A_997 = arith.constant 1 : i32
      %broadcast_in_dim3A_998 = vector.broadcast %broadcast_in_dim3A_997 : i32 to vector<16xi32>
      %gather3A_999 = tpu.vector_load_idx %arg9[%broadcast_in_dim3A_998, %add3A_966] : memref<8x2048xi32, #tpu.memory_space<vmem>>[vector<16xi32>, vector<16xi32>], vector<16xi32>,
      %swap3A_1000 = arith.constant 1 : i32
      %swap3A_1001 = arith.index_cast %swap3A_1000 : i32 to index
      %swap3A_1002 = arith.index_cast %mul3A_984 : i32 to index
      %swap3A_1003 = tpu.vector_load %arg12[%swap3A_1001, %swap3A_1002] {strides = array<i32>} : memref<8x128xi32, #tpu.memory_space<vmem>>, vector<16xi32>,
      tpu.vector_store %arg12[%swap3A_1001, %swap3A_1002], %gather3A_999 {strides = array<i32>} : memref<8x128xi32, #tpu.memory_space<vmem>>, vector<16xi32>,
      %gather3A_1004 = tpu.vector_load_idx %arg11[%broadcast_in_dim3A_998, %add3A_966] : memref<8x2048xf32, #tpu.memory_space<vmem>>[vector<16xi32>, vector<16xi32>], vector<16xf32>,
      %swap3A_1005 = arith.constant 1 : i32
      %swap3A_1006 = arith.index_cast %swap3A_1005 : i32 to index
      %swap3A_1007 = arith.index_cast %mul3A_984 : i32 to index
      %swap3A_1008 = tpu.vector_load %arg13[%swap3A_1006, %swap3A_1007] {strides = array<i32>} : memref<8x128xf32, #tpu.memory_space<vmem>>, vector<16xf32>,
      tpu.vector_store %arg13[%swap3A_1006, %swap3A_1007], %gather3A_1004 {strides = array<i32>} : memref<8x128xf32, #tpu.memory_space<vmem>>, vector<16xf32>,
      %broadcast_in_dim3A_1009 = arith.constant 2 : i32
      %broadcast_in_dim3A_1010 = vector.broadcast %broadcast_in_dim3A_1009 : i32 to vector<16xi32>
      %gather3A_1011 = tpu.vector_load_idx %arg9[%broadcast_in_dim3A_1010, %add3A_966] : memref<8x2048xi32, #tpu.memory_space<vmem>>[vector<16xi32>, vector<16xi32>], vector<16xi32>,
      %swap3A_1012 = arith.constant 2 : i32
      %swap3A_1013 = arith.index_cast %swap3A_1012 : i32 to index
      %swap3A_1014 = arith.index_cast %mul3A_984 : i32 to index
      %swap3A_1015 = tpu.vector_load %arg12[%swap3A_1013, %swap3A_1014] {strides = array<i32>} : memref<8x128xi32, #tpu.memory_space<vmem>>, vector<16xi32>,
      tpu.vector_store %arg12[%swap3A_1013, %swap3A_1014], %gather3A_1011 {strides = array<i32>} : memref<8x128xi32, #tpu.memory_space<vmem>>, vector<16xi32>,
      %gather3A_1016 = tpu.vector_load_idx %arg11[%broadcast_in_dim3A_1010, %add3A_966] : memref<8x2048xf32, #tpu.memory_space<vmem>>[vector<16xi32>, vector<16xi32>], vector<16xf32>,
      %swap3A_1017 = arith.constant 2 : i32
      %swap3A_1018 = arith.index_cast %swap3A_1017 : i32 to index
      %swap3A_1019 = arith.index_cast %mul3A_984 : i32 to index
      %swap3A_1020 = tpu.vector_load %arg13[%swap3A_1018, %swap3A_1019] {strides = array<i32>} : memref<8x128xf32, #tpu.memory_space<vmem>>, vector<16xf32>,
      tpu.vector_store %arg13[%swap3A_1018, %swap3A_1019], %gather3A_1016 {strides = array<i32>} : memref<8x128xf32, #tpu.memory_space<vmem>>, vector<16xf32>,
      %broadcast_in_dim3A_1021 = arith.constant 3 : i32
      %broadcast_in_dim3A_1022 = vector.broadcast %broadcast_in_dim3A_1021 : i32 to vector<16xi32>
      %gather3A_1023 = tpu.vector_load_idx %arg9[%broadcast_in_dim3A_1022, %add3A_966] : memref<8x2048xi32, #tpu.memory_space<vmem>>[vector<16xi32>, vector<16xi32>], vector<16xi32>,
      %swap3A_1024 = arith.constant 3 : i32
      %swap3A_1025 = arith.index_cast %swap3A_1024 : i32 to index
      %swap3A_1026 = arith.index_cast %mul3A_984 : i32 to index
      %swap3A_1027 = tpu.vector_load %arg12[%swap3A_1025, %swap3A_1026] {strides = array<i32>} : memref<8x128xi32, #tpu.memory_space<vmem>>, vector<16xi32>,
      tpu.vector_store %arg12[%swap3A_1025, %swap3A_1026], %gather3A_1023 {strides = array<i32>} : memref<8x128xi32, #tpu.memory_space<vmem>>, vector<16xi32>,
      %gather3A_1028 = tpu.vector_load_idx %arg11[%broadcast_in_dim3A_1022, %add3A_966] : memref<8x2048xf32, #tpu.memory_space<vmem>>[vector<16xi32>, vector<16xi32>], vector<16xf32>,
      %swap3A_1029 = arith.constant 3 : i32
      %swap3A_1030 = arith.index_cast %swap3A_1029 : i32 to index
      %swap3A_1031 = arith.index_cast %mul3A_984 : i32 to index
      %swap3A_1032 = tpu.vector_load %arg13[%swap3A_1030, %swap3A_1031] {strides = array<i32>} : memref<8x128xf32, #tpu.memory_space<vmem>>, vector<16xf32>,
      tpu.vector_store %arg13[%swap3A_1030, %swap3A_1031], %gather3A_1028 {strides = array<i32>} : memref<8x128xf32, #tpu.memory_space<vmem>>, vector<16xf32>,
      %broadcast_in_dim3A_1033 = arith.constant 4 : i32
      %broadcast_in_dim3A_1034 = vector.broadcast %broadcast_in_dim3A_1033 : i32 to vector<16xi32>
      %gather3A_1035 = tpu.vector_load_idx %arg9[%broadcast_in_dim3A_1034, %add3A_966] : memref<8x2048xi32, #tpu.memory_space<vmem>>[vector<16xi32>, vector<16xi32>], vector<16xi32>,
      %swap3A_1036 = arith.constant 4 : i32
      %swap3A_1037 = arith.index_cast %swap3A_1036 : i32 to index
      %swap3A_1038 = arith.index_cast %mul3A_984 : i32 to index
      %swap3A_1039 = tpu.vector_load %arg12[%swap3A_1037, %swap3A_1038] {strides = array<i32>} : memref<8x128xi32, #tpu.memory_space<vmem>>, vector<16xi32>,
      tpu.vector_store %arg12[%swap3A_1037, %swap3A_1038], %gather3A_1035 {strides = array<i32>} : memref<8x128xi32, #tpu.memory_space<vmem>>, vector<16xi32>,
      %gather3A_1040 = tpu.vector_load_idx %arg11[%broadcast_in_dim3A_1034, %add3A_966] : memref<8x2048xf32, #tpu.memory_space<vmem>>[vector<16xi32>, vector<16xi32>], vector<16xf32>,
      %swap3A_1041 = arith.constant 4 : i32
      %swap3A_1042 = arith.index_cast %swap3A_1041 : i32 to index
      %swap3A_1043 = arith.index_cast %mul3A_984 : i32 to index
      %swap3A_1044 = tpu.vector_load %arg13[%swap3A_1042, %swap3A_1043] {strides = array<i32>} : memref<8x128xf32, #tpu.memory_space<vmem>>, vector<16xf32>,
      tpu.vector_store %arg13[%swap3A_1042, %swap3A_1043], %gather3A_1040 {strides = array<i32>} : memref<8x128xf32, #tpu.memory_space<vmem>>, vector<16xf32>,
      %broadcast_in_dim3A_1045 = arith.constant 5 : i32
      %broadcast_in_dim3A_1046 = vector.broadcast %broadcast_in_dim3A_1045 : i32 to vector<16xi32>
      %gather3A_1047 = tpu.vector_load_idx %arg9[%broadcast_in_dim3A_1046, %add3A_966] : memref<8x2048xi32, #tpu.memory_space<vmem>>[vector<16xi32>, vector<16xi32>], vector<16xi32>,
      %swap3A_1048 = arith.constant 5 : i32
      %swap3A_1049 = arith.index_cast %swap3A_1048 : i32 to index
      %swap3A_1050 = arith.index_cast %mul3A_984 : i32 to index
      %swap3A_1051 = tpu.vector_load %arg12[%swap3A_1049, %swap3A_1050] {strides = array<i32>} : memref<8x128xi32, #tpu.memory_space<vmem>>, vector<16xi32>,
      tpu.vector_store %arg12[%swap3A_1049, %swap3A_1050], %gather3A_1047 {strides = array<i32>} : memref<8x128xi32, #tpu.memory_space<vmem>>, vector<16xi32>,
      %gather3A_1052 = tpu.vector_load_idx %arg11[%broadcast_in_dim3A_1046, %add3A_966] : memref<8x2048xf32, #tpu.memory_space<vmem>>[vector<16xi32>, vector<16xi32>], vector<16xf32>,
      %swap3A_1053 = arith.constant 5 : i32
      %swap3A_1054 = arith.index_cast %swap3A_1053 : i32 to index
      %swap3A_1055 = arith.index_cast %mul3A_984 : i32 to index
      %swap3A_1056 = tpu.vector_load %arg13[%swap3A_1054, %swap3A_1055] {strides = array<i32>} : memref<8x128xf32, #tpu.memory_space<vmem>>, vector<16xf32>,
      tpu.vector_store %arg13[%swap3A_1054, %swap3A_1055], %gather3A_1052 {strides = array<i32>} : memref<8x128xf32, #tpu.memory_space<vmem>>, vector<16xf32>,
      %broadcast_in_dim3A_1057 = arith.constant 6 : i32
      %broadcast_in_dim3A_1058 = vector.broadcast %broadcast_in_dim3A_1057 : i32 to vector<16xi32>
      %gather3A_1059 = tpu.vector_load_idx %arg9[%broadcast_in_dim3A_1058, %add3A_966] : memref<8x2048xi32, #tpu.memory_space<vmem>>[vector<16xi32>, vector<16xi32>], vector<16xi32>,
      %swap3A_1060 = arith.constant 6 : i32
      %swap3A_1061 = arith.index_cast %swap3A_1060 : i32 to index
      %swap3A_1062 = arith.index_cast %mul3A_984 : i32 to index
      %swap3A_1063 = tpu.vector_load %arg12[%swap3A_1061, %swap3A_1062] {strides = array<i32>} : memref<8x128xi32, #tpu.memory_space<vmem>>, vector<16xi32>,
      tpu.vector_store %arg12[%swap3A_1061, %swap3A_1062], %gather3A_1059 {strides = array<i32>} : memref<8x128xi32, #tpu.memory_space<vmem>>, vector<16xi32>,
      %gather3A_1064 = tpu.vector_load_idx %arg11[%broadcast_in_dim3A_1058, %add3A_966] : memref<8x2048xf32, #tpu.memory_space<vmem>>[vector<16xi32>, vector<16xi32>], vector<16xf32>,
      %swap3A_1065 = arith.constant 6 : i32
      %swap3A_1066 = arith.index_cast %swap3A_1065 : i32 to index
      %swap3A_1067 = arith.index_cast %mul3A_984 : i32 to index
      %swap3A_1068 = tpu.vector_load %arg13[%swap3A_1066, %swap3A_1067] {strides = array<i32>} : memref<8x128xf32, #tpu.memory_space<vmem>>, vector<16xf32>,
      tpu.vector_store %arg13[%swap3A_1066, %swap3A_1067], %gather3A_1064 {strides = array<i32>} : memref<8x128xf32, #tpu.memory_space<vmem>>, vector<16xf32>,
      %broadcast_in_dim3A_1069 = arith.constant 7 : i32
      %broadcast_in_dim3A_1070 = vector.broadcast %broadcast_in_dim3A_1069 : i32 to vector<16xi32>
      %gather3A_1071 = tpu.vector_load_idx %arg9[%broadcast_in_dim3A_1070, %add3A_966] : memref<8x2048xi32, #tpu.memory_space<vmem>>[vector<16xi32>, vector<16xi32>], vector<16xi32>,
      %swap3A_1072 = arith.constant 7 : i32
      %swap3A_1073 = arith.index_cast %swap3A_1072 : i32 to index
      %swap3A_1074 = arith.index_cast %mul3A_984 : i32 to index
      %swap3A_1075 = tpu.vector_load %arg12[%swap3A_1073, %swap3A_1074] {strides = array<i32>} : memref<8x128xi32, #tpu.memory_space<vmem>>, vector<16xi32>,
      tpu.vector_store %arg12[%swap3A_1073, %swap3A_1074], %gather3A_1071 {strides = array<i32>} : memref<8x128xi32, #tpu.memory_space<vmem>>, vector<16xi32>,
      %gather3A_1076 = tpu.vector_load_idx %arg11[%broadcast_in_dim3A_1070, %add3A_966] : memref<8x2048xf32, #tpu.memory_space<vmem>>[vector<16xi32>, vector<16xi32>], vector<16xf32>,
      %swap3A_1077 = arith.constant 7 : i32
      %swap3A_1078 = arith.index_cast %swap3A_1077 : i32 to index
      %swap3A_1079 = arith.index_cast %mul3A_984 : i32 to index
      %swap3A_1080 = tpu.vector_load %arg13[%swap3A_1078, %swap3A_1079] {strides = array<i32>} : memref<8x128xf32, #tpu.memory_space<vmem>>, vector<16xf32>,
      tpu.vector_store %arg13[%swap3A_1078, %swap3A_1079], %gather3A_1076 {strides = array<i32>} : memref<8x128xf32, #tpu.memory_space<vmem>>, vector<16xf32>,
      %add3A_1081 = arith.constant 1 : i32
      %add3A_1082 = arith.addi %mul3A_396, %add3A_1081 : i32
      %jit3A_1083 = arith.constant 8 : i32
      %eq3A_1084 = arith.constant 0 : i32
      %eq3A_1085 = arith.cmpi eq, %jit3A_1083, %eq3A_1084 : i32
      %jit3A_1086 = arith.constant 1 : i32
      %select_n3A_1087 = arith.select %eq3A_1085, %jit3A_1086, %jit3A_1083 : i32
      %rem3A_1088 = arith.remsi %add3A_1082, %select_n3A_1087 : i32
      %ne3A_1089 = arith.constant 0 : i32
      %ne3A_1090 = arith.cmpi ne, %rem3A_1088, %ne3A_1089 : i32
      %lt3A_1091 = arith.constant 0 : i32
      %lt3A_1092 = arith.cmpi slt, %rem3A_1088, %lt3A_1091 : i32
      %lt3A_1093 = arith.constant 0 : i32
      %lt3A_1094 = arith.cmpi slt, %select_n3A_1087, %lt3A_1093 : i32
      %ne3A_1095 = arith.xori %lt3A_1092, %lt3A_1094 : i1
      %and3A_1096 = arith.andi %ne3A_1095, %ne3A_1090 : i1
      %add3A_1097 = arith.addi %rem3A_1088, %select_n3A_1087 : i32
      %select_n3A_1098 = arith.select %and3A_1096, %add3A_1097, %rem3A_1088 : i32
      %eq3A_1099 = arith.constant 7 : i32
      %eq3A_1100 = arith.cmpi eq, %select_n3A_1098, %eq3A_1099 : i32
      %convert_element_type3A_1101 = arith.extui %eq3A_1100 : i1 to i32
      %cond3A_1102 = arith.constant 0 : i32
      %cond3A_1103 = arith.cmpi ne, %convert_element_type3A_1101, %cond3A_1102 : i32
      scf.if %cond3A_1103 {
        %jit3A_1105 = arith.constant 8 : i32
        %div3A = arith.divsi %add3A_1082, %jit3A_1105 : i32
        %sign3A = arith.constant 0 : i32
        %sign3A_1106 = arith.cmpi sgt, %add3A_1082, %sign3A : i32
        %sign3A_1107 = arith.extui %sign3A_1106 : i1 to i32
        %sign3A_1108 = arith.constant 0 : i32
        %sign3A_1109 = arith.cmpi slt, %add3A_1082, %sign3A_1108 : i32
        %sign3A_1110 = arith.extui %sign3A_1109 : i1 to i32
        %sign3A_1111 = arith.subi %sign3A_1107, %sign3A_1110 : i32
        %sign3A_1112 = arith.constant 0 : i32
        %sign3A_1113 = arith.cmpi sgt, %jit3A_1105, %sign3A_1112 : i32
        %sign3A_1114 = arith.extui %sign3A_1113 : i1 to i32
        %sign3A_1115 = arith.constant 0 : i32
        %sign3A_1116 = arith.cmpi slt, %jit3A_1105, %sign3A_1115 : i32
        %sign3A_1117 = arith.extui %sign3A_1116 : i1 to i32
        %sign3A_1118 = arith.subi %sign3A_1114, %sign3A_1117 : i32
        %ne3A_1119 = arith.cmpi ne, %sign3A_1111, %sign3A_1118 : i32
        %rem3A_1120 = arith.remsi %add3A_1082, %jit3A_1105 : i32
        %ne3A_1121 = arith.constant 0 : i32
        %ne3A_1122 = arith.cmpi ne, %rem3A_1120, %ne3A_1121 : i32
        %and3A_1123 = arith.andi %ne3A_1119, %ne3A_1122 : i1
        %sub3A = arith.constant 1 : i32
        %sub3A_1124 = arith.subi %div3A, %sub3A : i32
        %select_n3A_1125 = arith.select %and3A_1123, %sub3A_1124, %div3A : i32
        %mul3A_1126 = arith.constant 128 : i32
        %mul3A_1127 = arith.muli %select_n3A_1125, %mul3A_1126 : i32
        %add3A_1128 = arith.addi %mul3A_2, %mul3A_1127 : i32
        "tpu.region"() ({
          %run_scoped3A = tpu.sem_alloc : memref<!tpu.dma_semaphore, #tpu.memory_space<semaphore_mem>>
          %dma_start3A_1129 = arith.constant 0 : i32
          %dma_start3A_1130 = tpu.memref_slice %arg5[%dma_start3A_1129, %add3A_1128] : memref<8x16384xi32, #tpu.memory_space<hbm>> -> memref<8x128xi32, #tpu.memory_space<hbm>>
          %dma_start3A_1131 = arith.constant 0 : i32
          %dma_start3A_1132 = tpu.memref_slice %arg5[%dma_start3A_1131, %add3A_1128] : memref<8x16384xi32, #tpu.memory_space<hbm>> -> memref<8x128xi32, #tpu.memory_space<hbm>>
          tpu.enqueue_dma source(%arg12 : memref<8x128xi32, #tpu.memory_space<vmem>>) target(%dma_start3A_1132 : memref<8x128xi32, #tpu.memory_space<hbm>>) target_semaphore(%run_scoped3A : memref<!tpu.dma_semaphore, #tpu.memory_space<semaphore_mem>>)
          %dma_wait3A_1133 = arith.constant 0 : i32
          %dma_wait3A_1134 = tpu.memref_slice %arg5[%dma_wait3A_1133, %add3A_1128] : memref<8x16384xi32, #tpu.memory_space<hbm>> -> memref<8x128xi32, #tpu.memory_space<hbm>>
          %dma_wait3A_1135 = arith.constant 0 : i32
          %dma_wait3A_1136 = tpu.memref_slice %arg5[%dma_wait3A_1135, %add3A_1128] : memref<8x16384xi32, #tpu.memory_space<hbm>> -> memref<8x128xi32, #tpu.memory_space<hbm>>
          tpu.wait_dma2 semaphore(%run_scoped3A : memref<!tpu.dma_semaphore, #tpu.memory_space<semaphore_mem>>) src(%arg12 : memref<8x128xi32, #tpu.memory_space<vmem>>) dst(%dma_wait3A_1136 : memref<8x128xi32, #tpu.memory_space<hbm>>)
          tpu.yield
        }) : () -> ()
        "tpu.region"() ({
          %run_scoped3A = tpu.sem_alloc : memref<!tpu.dma_semaphore, #tpu.memory_space<semaphore_mem>>
          %dma_start3A_1129 = arith.constant 0 : i32
          %dma_start3A_1130 = tpu.memref_slice %arg6[%dma_start3A_1129, %add3A_1128] : memref<8x16384xf32, #tpu.memory_space<hbm>> -> memref<8x128xf32, #tpu.memory_space<hbm>>
          %dma_start3A_1131 = arith.constant 0 : i32
          %dma_start3A_1132 = tpu.memref_slice %arg6[%dma_start3A_1131, %add3A_1128] : memref<8x16384xf32, #tpu.memory_space<hbm>> -> memref<8x128xf32, #tpu.memory_space<hbm>>
          tpu.enqueue_dma source(%arg13 : memref<8x128xf32, #tpu.memory_space<vmem>>) target(%dma_start3A_1132 : memref<8x128xf32, #tpu.memory_space<hbm>>) target_semaphore(%run_scoped3A : memref<!tpu.dma_semaphore, #tpu.memory_space<semaphore_mem>>)
          %dma_wait3A_1133 = arith.constant 0 : i32
          %dma_wait3A_1134 = tpu.memref_slice %arg6[%dma_wait3A_1133, %add3A_1128] : memref<8x16384xf32, #tpu.memory_space<hbm>> -> memref<8x128xf32, #tpu.memory_space<hbm>>
          %dma_wait3A_1135 = arith.constant 0 : i32
          %dma_wait3A_1136 = tpu.memref_slice %arg6[%dma_wait3A_1135, %add3A_1128] : memref<8x16384xf32, #tpu.memory_space<hbm>> -> memref<8x128xf32, #tpu.memory_space<hbm>>
          tpu.wait_dma2 semaphore(%run_scoped3A : memref<!tpu.dma_semaphore, #tpu.memory_space<semaphore_mem>>) src(%arg13 : memref<8x128xf32, #tpu.memory_space<vmem>>) dst(%dma_wait3A_1136 : memref<8x128xf32, #tpu.memory_space<hbm>>)
          tpu.yield
        }) : () -> ()
      } else {
      }
      %scan3A_1104 = arith.constant 0 : i32
      scf.yield %scan3A_1104 : i32
    }
    %scan3A_392 = arith.constant 16 : i32
    return
  }
}

</mosaic_0001>

<sc_bundles>
// kernel: kernel.3.cloned.1.call-start
scs
__scs_entry_jumppad:
0x0: {  	(pc) =	sbr.rel $0x88, $3  }
0x1: {  	(tag) =	ssettag $0x0;
	lr =	simm.s32 $0x1  }
0x2: {  	[smem:$0x3F9E] =	sst lr;
	_ =	strace $0xD0000000  }
0x3: {  	_ = 	snop  }
0x4: {  	_ = 	snop  }
0x5: {  	_ = 	snop  }
0x6: {  	_ = 	snop  }
0x7: {  	_ = 	snop  }
__scs_overlays_trampoline_lowered:
0x8: {  	[smem:$0x3FAD] =	sst s0  }
0x9: {  	[smem:$0x3FAE] =	sst s1  }
0xa: {  	[smem:$0x3FAF] =	sst s2  }
0xb: {  	[smem:$0x3FB0] =	sst s3  }
0xc: {  	[smem:$0x3FB1] =	sst s4  }
0xd: {  	[smem:$0x3FB2] =	sst s5  }
0xe: {  	[smem:$0x3FB3] =	sst s6  }
0xf: {  	[smem:$0x3FB4] =	sst s7  }
0x10: {  	[smem:$0x3FB5] =	sst s8  }
0x11: {  	[smem:$0x3FB6] =	sst s9;
	s0 =	simm.s32 @!p0 $0x0  }
0x12: {  	s1 =	sld [smem:$0x3F9C];
	s0 =	simm.s32 @p0 $0x1  }
0x13: {  	[smem:$0x3FB7] =	sst s0;
	s0 =	simm.s32 @!p1 $0x0  }
0x14: {  	s2 =	sld [smem:$0x3F9B];
	s0 =	simm.s32 @p1 $0x1  }
0x15: {  	[smem:$0x3FB8] =	sst s0;
	s0 =	simm.s32 @!p2 $0x0  }
0x16: {  	s3 =	sld [smem:$0x3FDB];
	s0 =	simm.s32 @p2 $0x1  }
0x17: {  	s4 =	simm.s32 $0x1BF5;
	[smem:$0x3FBA] =	sst s0  }
0x18: {  	s0 =	sld [smem:$0x3F9D];
	_ =	swait.ge [sflag:s4], $0x0  }
0x19: {  	s7 =	sld [smem:$0x3F9E]  }
0x1a: {  	s8 =	sadd.s32 $0xFFFFE003, lr  }
0x1b: {  	s9 =	sadd.s32 $0xFFFFFEF7, lr;
	s5 =	simm.s32 $0xFFFFFFFF;
	p2 =	slt.u32 s8, $0xFFFFF086  }
0x1c: {  	p1 =	slt.u32 s9, $0xF7A;
	s5 =	simm.s32 @!p2 $0x0  }
0x1d: {  	s5 =	simm.s32 @p1 $0x1;
	p0 =	seq.s32 s7, s2  }
0x1e: {  	s7 =	smul.u32 @!p0 $0xF7A, s2;
	p2 =	seq.s32 @!p0 s5, $0x0  }
0x1f: {  	s9 =	smul.u32 $0xF7A, s1;
	s8 =	simm.s32 @!p0 $0x1BF5;
	p2 =	por !p2, p0  }
0x20: {  	[sflag:s8] =	ssyncset.s32 @!p0 $0xFFFFF086;
	s6 =	sadd.s32 @!p0 s3, s7;
	s7 =	simm.s32 @!p0 $0x108  }
0x21: {  	s3 =	sadd.s32 s3, s9;
	s6 =	sadd.s32 @!p0 $0x88, s6;
	s7 =	simm.s32 @p2 $0x1082  }
0x22: {  	[simem:s7], [sflag:s8] =	dma.local @!p0 [hbm:s6], $0xF7A  }
0x23: {  	s9 =	sor.u32 $0xD0000000, s2;
	s6 =	simm.s32 $0x108;
	_ =	swait.ge @!p0 [sflag:s8], $0x0  }
0x24: {  	s3 =	sadd.s32 $0x88, s3;
	s6 =	simm.s32 @!p1 $0x1082;
	[sflag:s4] =	ssyncset.s32 $0xFFFFF086  }
0x25: {  	[simem:s6], [sflag:s4] =	dma.local [hbm:s3], $0xF7A  }
0x26: {  	[smem:$0x3F9E] =	sst s1;
	(tag) =	ssettag s2;
	_ =	strace s9  }
0x27: {  	s1 =	sld [smem:$0x3FAE]  }
0x28: {  	s2 =	sld [smem:$0x3FAF]  }
0x29: {  	s4 =	sld [smem:$0x3FB1]  }
0x2a: {  	p0 =	seq.s32 s5, $0x0;
	s5 =	sld [smem:$0x3FB2]  }
0x2b: {  	s6 =	sld [smem:$0x3FB3]  }
0x2c: {  	s7 =	sld [smem:$0x3FB4]  }
0x2d: {  	s3 =	simm.s32 $0x108;
	s8 =	sld [smem:$0x3FB5]  }
0x2e: {  	s3 =	simm.s32 @!p0 $0x1082;
	s9 =	sld [smem:$0x3FB6]  }
0x2f: {  	lr =	sadd.s32 s0, s3;
	s0 =	sld [smem:$0x3FAD]  }
0x30: {  	s3 =	sld [smem:$0x3FB0]  }
0x31: {  	[smem:$0x3FB9] =	sst s10  }
0x32: {  	s10 =	sld [smem:$0x3FB7];
	_ =	sdelay $0x3  }
0x33: {  	p0 =	seq.s32 s10, $0x1;
	s10 =	sld [smem:$0x3FB9];
	_ =	sdelay $0x3  }
0x34: {  	[smem:$0x3FB9] =	sst s10  }
0x35: {  	s10 =	sld [smem:$0x3FB8];
	_ =	sdelay $0x3  }
0x36: {  	p1 =	seq.s32 s10, $0x1;
	s10 =	sld [smem:$0x3FB9];
	_ =	sdelay $0x3  }
0x37: {  	[smem:$0x3FB9] =	sst s10  }
0x38: {  	s10 =	sld [smem:$0x3FBA]  }
0x39: {  	_ = 	snop;
	(pc) =	sbr.ind lr, $3  }
0x3a: {  	_ = 	snop  }
0x3b: {  	_ = 	snop  }
0x3c: {  	p2 =	seq.s32 s10, $0x1;
	s10 =	sld [smem:$0x3FB9]  }
0x3d: {  	_ =	shalt  }
0x3e: {  	_ =	shalt  }
0x3f: {  	_ =	shalt  }
0x40: {  	_ =	shalt  }
0x41: {  	_ =	shalt  }
0x42: {  	_ =	shalt  }
0x43: {  	_ =	shalt  }
0x44: {  	_ =	shalt  }
0x45: {  	_ =	shalt  }
0x46: {  	_ =	shalt  }
0x47: {  	_ =	shalt  }
0x48: {  	_ =	shalt  }
0x49: {  	_ =	shalt  }
0x4a: {  	_ =	shalt  }
0x4b: {  	_ =	shalt  }
0x4c: {  	_ =	shalt  }
0x4d: {  	_ =	shalt  }
0x4e: {  	_ =	shalt  }
0x4f: {  	_ =	shalt  }
0x50: {  	_ =	shalt  }
0x51: {  	_ =	shalt  }
0x52: {  	_ =	shalt  }
0x53: {  	_ =	shalt  }
0x54: {  	_ =	shalt  }
0x55: {  	_ =	shalt  }
0x56: {  	_ =	shalt  }
0x57: {  	_ =	shalt  }
0x58: {  	_ =	shalt  }
0x59: {  	_ =	shalt  }
0x5a: {  	_ =	shalt  }
0x5b: {  	_ =	shalt  }
0x5c: {  	_ =	shalt  }
0x5d: {  	_ =	shalt  }
0x5e: {  	_ =	shalt  }
0x5f: {  	_ =	shalt  }
0x60: {  	_ =	shalt  }
0x61: {  	_ =	shalt  }
0x62: {  	_ =	shalt  }
0x63: {  	_ =	shalt  }
0x64: {  	_ =	shalt  }
0x65: {  	_ =	shalt  }
0x66: {  	_ =	shalt  }
0x67: {  	_ =	shalt  }
0x68: {  	_ =	shalt  }
0x69: {  	_ =	shalt  }
0x6a: {  	_ =	shalt  }
0x6b: {  	_ =	shalt  }
0x6c: {  	_ =	shalt  }
0x6d: {  	_ =	shalt  }
0x6e: {  	_ =	shalt  }
0x6f: {  	_ =	shalt  }
0x70: {  	_ =	shalt  }
0x71: {  	_ =	shalt  }
0x72: {  	_ =	shalt  }
0x73: {  	_ =	shalt  }
0x74: {  	_ =	shalt  }
0x75: {  	_ =	shalt  }
0x76: {  	_ =	shalt  }
0x77: {  	_ =	shalt  }
0x78: {  	_ =	shalt  }
0x79: {  	_ =	shalt  }
0x7a: {  	_ =	shalt  }
0x7b: {  	_ =	shalt  }
0x7c: {  	_ =	shalt  }
0x7d: {  	_ =	shalt  }
0x7e: {  	_ =	shalt  }
0x7f: {  	_ =	shalt  }
0x80: {  	_ =	shalt  }
0x81: {  	_ =	shalt  }
0x82: {  	_ =	shalt  }
0x83: {  	_ =	shalt  }
0x84: {  	_ =	shalt  }
0x85: {  	_ =	shalt  }
0x86: {  	_ =	shalt  }
0x87: {  	_ =	shalt  }
.Lfunc_end0:
.L_simem_size_0:
called_computation_lowered:
.L_overlay_start_0:
0x88: {  	s2 =	sld [smem:$0x3FD9]  }
0x89: {  	s3 =	sld [smem:$0x3FFE];
	_ =	sdelay $0x1  }
0x8a: {  	s1 =	srdreg.scid  }
0x8b: {  	s0 =	sand.u32 $0x1, s1  }
0x8c: {  	s15 =	sshll.u32 s0, $0xA;
	s2 =	sadd.s32 s3, s2  }
0x8d: {  	s2 =	sadd.s32 s2, s15  }
0x8e: {  	[smem:$0x3FC5] =	sst s2  }
0x8f: {  	_ = 	snop  }
0x90: {  	s2 =	sld [smem:$0x3FD0]  }
0x91: {  	s16 =	sld [smem:$0x3FC9]  }
0x92: {  	s4 =	sld [smem:$0x3FC8]  }
0x93: {  	s6 =	simm.s32 $0xA;
	s7 =	simm.s32 $0x10;
	s5 =	sld [smem:$0x3FC7]  }
0x94: {  	[smem:s7], [sflag:s6] =	dma.local [hbm:s2], $0x1  }
0x95: {  	_ =	swait.eq [sflag:s6], $0x1  }
0x96: {  	[sflag:s6] =	ssyncset.done $0x0  }
0x97: {  	s17 =	sld [smem:$0x10];
	[sflag:s6] =	ssyncadd.s32 $0xFFFFFFFF  }
0x98: {  	s18 =	sld [smem:$0x11];
	(tm) =	ssettm $0x1  }
0x99: {  	s19 =	sld [smem:$0x3FFB];
	_ =	sdelay $0x3  }
0x9a: {  	_ =	strace s19  }
0x9b: {  	s7 =	sld [smem:$0x3FFC];
	_ =	sdelay $0x3  }
0x9c: {  	_ =	strace s7  }
0x9d: {  	s7 =	sld [smem:$0x3FFD];
	_ =	sdelay $0x3  }
0x9e: {  	_ =	strace s7  }
0x9f: {  	_ =	strace $0x8FFFFFFF  }
0xa0: {  	s20 =	sld [smem:$0x3FDB];
	_ =	sdelay $0x1  }
0xa1: {  	s8 =	simm.s32 $_scs_section_size  }
0xa2: {  	s9 =	simm.s32 $_size__tile_overlayer_lowered;
	s10 =	simm.s32 $_tile_overlayer_lowered  }
0xa3: {  	s23 =	simm.s32 $0x1BFF;
	s22 =	sshll.u32 s10, $0x1;
	s7 =	sadd.s32 s8, s20  }
0xa4: {  	s11 =	simm.s32 $0x0;
	s21 =	sshll.u32 s9, $0x1;
	s9 =	sadd.s32 s22, s7  }
0xa5: {  	[timem:s11], [sflag:s23] =	dma.local [hbm:s9], s21  }
0xa6: {  	_ =	swait.ge [sflag:s23], s21  }
0xa7: {  	s8 =	ssub.s32 $0x0, s21;
	[sflag:s23] =	ssyncset.done $0x0  }
0xa8: {  	[sflag:s23] =	ssyncadd.s32 s8;
	_ =	sdelay $0x1  }
0xa9: {  	s24 =	simm.s32 $0x1B8B  }
0xaa: {  	_ =	swait.ge [sflag:s24], $0x1  }
0xab: {  	[sflag:s24] =	ssyncset.done $0x0  }
0xac: {  	s25 =	simm.s32 $0x1B8E;
	[sflag:s24] =	ssyncadd.s32 $0xFFFFFFFF  }
0xad: {  	s26 =	simm.s32 $execute0_lowered;
	[smem:$0x3FD2] =	sst s25  }
0xae: {  	s8 =	sshll.u32 s26, $0x1;
	_ =	strace $0x80000046;
	[dreg:$0x1] =	wrdreg $0xFFFFFFFF  }
0xaf: {  	s28 =	simm.s32 $_size_execute0_lowered;
	s7 =	sadd.s32 s7, s8;
	[dreg:$0x0] =	wrdreg $0x0  }
0xb0: {  	s8 =	sshll.u32 s28, $0x1;
	[dreg:$0x2] =	wrdreg s7  }
0xb1: {  	[dreg:$0x3] =	wrdreg s8  }
0xb2: {  	[dreg:$0x4] =	wrdreg $0xC0  }
0xb3: {  	_ =	task [dreg:s11], $0x5FFFF  }
0xb4: {  	[dreg:$0x1] =	wrdreg $0xFFFFFFFF  }
0xb5: {  	[dreg:$0x0] =	wrdreg $0x60  }
0xb6: {  	[dreg:$0x2] =	wrdreg s16  }
0xb7: {  	[dreg:$0x3] =	wrdreg s4  }
0xb8: {  	[dreg:$0x4] =	wrdreg s5  }
0xb9: {  	[dreg:$0x5] =	wrdreg s17  }
0xba: {  	[dreg:$0x6] =	wrdreg s18  }
0xbb: {  	[dreg:$0x7] =	wrdreg $0x9  }
0xbc: {  	_ =	task.clear_ibuf [dreg:s11], $0x8FFFF;
	_ =	strace $0x90000046  }
0xbd: {  	s29 =	simm.s32 $0x9;
	_ =	strace $0x80000048  }
0xbe: {  	_ =	swait.ge [sflag:s29], $0x1  }
0xbf: {  	[sflag:s29] =	ssyncadd.s32 $0xFFFFFFFF  }
0xc0: {  	_ =	strace $0x90000048  }
0xc1: {  	_ =	sfence  }
0xc2: {  	s30 =	sld [smem:$0x0];
	_ =	sdelay $0x2  }
0xc3: {  	s31 =	sshll.u32 s1, $0xD;
	s1 =	sshrl.u32 s1, $0x2  }
0xc4: {  	s3 =	sand.u32 $0x4000, s31;
	s1 =	sadd.s32 s1, s30  }
0xc5: {  	s0 =	sor.u32 s3, s0;
	s1 =	sshll.u32 s1, $0x11  }
0xc6: {  	s0 =	sor.u32 s1, s0  }
0xc7: {  	s0 =	sadd.s32 $0x8F2B, s0  }
0xc8: {  	[sflag:s0] =	ssyncadd.remote.s32 $0x1  }
0xc9: {  	_ =	sfence.sel $0xFFFF  }
0xca: {  	[dreg:$0x0] =	wrdreg $0xFFFFFFFF;
	(pc) =	sbr.abs _section_cstart, $3  }
0xcb: {  	[dreg:$0x1] =	wrdreg $0xFFFFFFFF  }
0xcc: {  	_ =	task.clear_ibuf [dreg:s11], $0x2FFFF;
	_ =	strace $0x9FFFFFFF  }
0xcd: {  	(tm) =	ssettm $0x7FFFFFFF  }
tec
execute0_lowered:
.L_overlay_start_1:
0x0: {  	(tag) =	ssettag $0x1  }
0x1: {  	s0 =	rddreg [dreg:$0x0]  }
0x2: {  	s1 =	rddreg [dreg:$0x1]  }
0x3: {  	s2 =	rddreg [dreg:$0x2]  }
0x4: {  	s3 =	srdreg.scid;
	s6 =	simm.s32 $0x0;
	s5 =	stileid.u32  }
0x5: {  	s11 =	simm.s32 $0x200;
	s12 =	simm.s32 $0x8200;
	s20 =	simm.s32 $0x4200  }
0x6: {  	s21 =	simm.s32 $0xC200;
	s17 =	simm.s32 $0x6A00;
	s18 =	simm.s32 $0xEA00  }
0x7: {  	s19 =	simm.s32 $0x6E00;
	s22 =	simm.s32 $0xF200;
	s23 =	simm.s32 $0x7600  }
0x8: {  	s28 =	simm.s32 $0x7E00;
	s29 =	simm.s32 $0xFE00;
	s30 =	simm.s32 $0x1  }
0x9: {  	s31 =	simm.s32 $0x3;
	s9 =	simm.s32 $0x0;
	s3 =	sand.u32 $0x1, s3  }
0xa: {  	s5 =	sshll.u32 s5, $0xA;
	[smem:$0x7FF] =	sst s6;
	s4 =	ssub.s32 $0x2, s3  }
0xb: {  	v0 =	vlaneseq.u32;
	s3 =	sshll.u32 s3, $0x9;
	_ =	strace $0x80000047;
	s8 =	sshrl.u32 s4, $0x1  }
.Ltmp0:
0xc: {  	v0 =	vmul.u32 $0x400, v0;
	s7 =	sor.u32 s3, s5;
	s3 =	simm.s32 $0xEE00;
	(pc) =	sbr.rel .LBB2_1-.Ltmp0, $4  }
0xd: {  	s5 =	simm.s32 $0x7200;
	s24 =	ssub.s32 s4, s8;
	s25 =	sshrl.u32 s7, $0x3  }
0xe: {  	v1 =	vor.u32 $0x80, v0;
	s4 =	simm.s32 $0x4;
	s0 =	sadd.s32 s0, s25;
	s26 =	smax.u32 s24, $0x1  }
0xf: {  	v2 =	vor.u32 $0x100, v0;
	v3 =	vor.u32 $0x180, v0;
	v4 =	vor.u32 $0x200, v0;
	s24 =	simm.s32 $0xF600;
	s25 =	simm.s32 $0x7A00;
	[dreg:$0x6] =	wrdreg s0  }
0x10: {  	v5 =	vor.u32 $0x280, v0;
	v6 =	vor.u32 $0x300, v0;
	v7 =	vor.u32 $0x380, v0;
	[dreg:$0x7] =	wrdreg s26;
	s26 =	simm.s32 $0xFA00;
	s0 =	simm.s32 $0x2  }
.LBB2_5:
0x11: {  	s9 =	rddreg [dreg:$0x8]  }
0x12: {  	s8 =	rddreg [dreg:$0x7];
	s9 =	sadd.s32 $0x1, s9  }
0x13: {  	p0 =	sne.s32 s9, s8  }
.Ltmp1:
0x14: {  	_ = 	snop;
	(pc) =	sbr.rel @!p0 .LBB2_6-.Ltmp1, $1  }
0x15: {  	_ =	sdelay $0x3  }
.LBB2_1:
0x16: {  	[dreg:$0x8] =	wrdreg s9  }
0x17: {  	s8 =	rddreg [dreg:$0x6];
	s10 =	simm.s32 $0x5  }
0x18: {  	[tilespmem:s6], [sflag:$0x5] =	stream.linear.gather [hbm4b:s8+s6], $0x200, $0x38;
	[tilespmem:$0x10A00] =	vst v63  }
0x19: {  	_ =	swait.ge [sflag:s10], $0x200  }
0x1a: {  	[sflag:s10] =	ssyncset.done $0x0  }
0x1b: {  	[sflag:s10] =	ssyncadd.s32 $0xFFFFFE00  }
0x1c: {  	v8 =	vld [tilespmem:$0x0];
	_ =	sdelay $0x4  }
0x1d: {  	v8 =	vshrl.u32 v8, $0x7  }
0x1e: {  	v8 =	vshll.u32 v8, $0x7  }
0x1f: {  	(v2sf) =	vpush v8, $0x0;
	_ =	sdelay $0x2  }
0x20: {  	(v2sf) =	vpush v8, $0x1;
	_ =	sdelay $0x3  }
0x21: {  	(v2sf) =	vpush v8, $0x2;
	_ =	sdelay $0x7  }
0x22: {  	s13 =	spop (v2sf);
	(v2sf) =	vpush v8, $0x3;
	_ =	sdelay $0x1  }
0x23: {  	s8 =	sand.u32 $0x1FFFFF80, s13  }
0x24: {  	s15 =	spop (v2sf);
	(v2sf) =	vpush v8, $0x4;
	s14 =	sadd.s32 s1, s8  }
0x25: {  	[tilespmem:s11], [sflag:$0x1] =	stream.linear.gather [hbm4b:s14+s6], $0x400, $0x38;
	[tilespmem:$0x10A00] =	vst v63  }
0x26: {  	s8 =	sadd.s32 s2, s8  }
0x27: {  	[tilespmem:s12], [sflag:$0x3] =	stream.linear.gather [hbm4b:s8+s6], $0x400, $0x38;
	[tilespmem:$0x10A00] =	vst v63  }
0x28: {  	s14 =	spop (v2sf);
	(v2sf) =	vpush v8, $0x5;
	s8 =	sand.u32 $0x1FFFFF80, s15  }
0x29: {  	s10 =	simm.s32 $0x600;
	s16 =	sadd.s32 s1, s8  }
0x2a: {  	[tilespmem:s10], [sflag:$0x1] =	stream.linear.gather [hbm4b:s16+s6], $0x400, $0x38;
	[tilespmem:$0x10A00] =	vst v63  }
0x2b: {  	s13 =	simm.s32 $0x8600;
	s8 =	sadd.s32 s2, s8  }
0x2c: {  	[tilespmem:s13], [sflag:$0x3] =	stream.linear.gather [hbm4b:s8+s6], $0x400, $0x38;
	[tilespmem:$0x10A00] =	vst v63  }
0x2d: {  	s8 =	sand.u32 $0x1FFFFF80, s14  }
0x2e: {  	s16 =	simm.s32 $0xA00;
	s15 =	sadd.s32 s1, s8  }
0x2f: {  	[tilespmem:s16], [sflag:$0x1] =	stream.linear.gather [hbm4b:s15+s6], $0x400, $0x38;
	[tilespmem:$0x10A00] =	vst v63  }
0x30: {  	s13 =	simm.s32 $0x8A00;
	s8 =	sadd.s32 s2, s8;
	s14 =	spop (v2sf);
	(v2sf) =	vpush v8, $0x6  }
0x31: {  	[tilespmem:s13], [sflag:$0x3] =	stream.linear.gather [hbm4b:s8+s6], $0x400, $0x38;
	[tilespmem:$0x10A00] =	vst v63  }
0x32: {  	s8 =	sand.u32 $0x1FFFFF80, s14  }
0x33: {  	s16 =	simm.s32 $0xE00;
	s14 =	spop (v2sf);
	(v2sf) =	vpush v8, $0x7;
	s15 =	sadd.s32 s1, s8  }
0x34: {  	[tilespmem:s16], [sflag:$0x1] =	stream.linear.gather [hbm4b:s15+s6], $0x400, $0x38;
	[tilespmem:$0x10A00] =	vst v63  }
0x35: {  	s13 =	simm.s32 $0x8E00;
	s8 =	sadd.s32 s2, s8  }
0x36: {  	[tilespmem:s13], [sflag:$0x3] =	stream.linear.gather [hbm4b:s8+s6], $0x400, $0x38;
	[tilespmem:$0x10A00] =	vst v63  }
0x37: {  	s8 =	sand.u32 $0x1FFFFF80, s14;
	s14 =	spop (v2sf);
	(v2sf) =	vpush v8, $0x8  }
0x38: {  	s16 =	simm.s32 $0x1200;
	s15 =	sadd.s32 s1, s8  }
0x39: {  	[tilespmem:s16], [sflag:$0x1] =	stream.linear.gather [hbm4b:s15+s6], $0x400, $0x38;
	[tilespmem:$0x10A00] =	vst v63  }
0x3a: {  	s13 =	simm.s32 $0x9200;
	s8 =	sadd.s32 s2, s8  }
0x3b: {  	[tilespmem:s13], [sflag:$0x3] =	stream.linear.gather [hbm4b:s8+s6], $0x400, $0x38;
	[tilespmem:$0x10A00] =	vst v63  }
0x3c: {  	s8 =	sand.u32 $0x1FFFFF80, s14  }
0x3d: {  	s16 =	simm.s32 $0x1600;
	s15 =	sadd.s32 s1, s8  }
0x3e: {  	[tilespmem:s16], [sflag:$0x1] =	stream.linear.gather [hbm4b:s15+s6], $0x400, $0x38;
	[tilespmem:$0x10A00] =	vst v63  }
0x3f: {  	s13 =	simm.s32 $0x9600;
	s8 =	sadd.s32 s2, s8;
	s14 =	spop (v2sf);
	(v2sf) =	vpush v8, $0x9  }
0x40: {  	[tilespmem:s13], [sflag:$0x3] =	stream.linear.gather [hbm4b:s8+s6], $0x400, $0x38;
	[tilespmem:$0x10A00] =	vst v63  }
0x41: {  	s8 =	sand.u32 $0x1FFFFF80, s14  }
0x42: {  	s16 =	simm.s32 $0x1A00;
	s14 =	spop (v2sf);
	(v2sf) =	vpush v8, $0xA;
	s15 =	sadd.s32 s1, s8  }
0x43: {  	[tilespmem:s16], [sflag:$0x1] =	stream.linear.gather [hbm4b:s15+s6], $0x400, $0x38;
	[tilespmem:$0x10A00] =	vst v63  }
0x44: {  	s13 =	simm.s32 $0x9A00;
	s8 =	sadd.s32 s2, s8  }
0x45: {  	[tilespmem:s13], [sflag:$0x3] =	stream.linear.gather [hbm4b:s8+s6], $0x400, $0x38;
	[tilespmem:$0x10A00] =	vst v63  }
0x46: {  	s8 =	sand.u32 $0x1FFFFF80, s14;
	s14 =	spop (v2sf);
	(v2sf) =	vpush v8, $0xB  }
0x47: {  	s16 =	simm.s32 $0x1E00;
	s15 =	sadd.s32 s1, s8  }
0x48: {  	[tilespmem:s16], [sflag:$0x1] =	stream.linear.gather [hbm4b:s15+s6], $0x400, $0x38;
	[tilespmem:$0x10A00] =	vst v63  }
0x49: {  	s13 =	simm.s32 $0x9E00;
	s8 =	sadd.s32 s2, s8  }
0x4a: {  	[tilespmem:s13], [sflag:$0x3] =	stream.linear.gather [hbm4b:s8+s6], $0x400, $0x38;
	[tilespmem:$0x10A00] =	vst v63  }
0x4b: {  	s8 =	sand.u32 $0x1FFFFF80, s14  }
0x4c: {  	s16 =	simm.s32 $0x2200;
	s15 =	sadd.s32 s1, s8  }
0x4d: {  	[tilespmem:s16], [sflag:$0x1] =	stream.linear.gather [hbm4b:s15+s6], $0x400, $0x38;
	[tilespmem:$0x10A00] =	vst v63  }
0x4e: {  	s13 =	simm.s32 $0xA200;
	s8 =	sadd.s32 s2, s8;
	s14 =	spop (v2sf);
	(v2sf) =	vpush v8, $0xC  }
0x4f: {  	[tilespmem:s13], [sflag:$0x3] =	stream.linear.gather [hbm4b:s8+s6], $0x400, $0x38;
	[tilespmem:$0x10A00] =	vst v63  }
0x50: {  	s8 =	sand.u32 $0x1FFFFF80, s14  }
0x51: {  	s16 =	simm.s32 $0x2600;
	s14 =	spop (v2sf);
	(v2sf) =	vpush v8, $0xD;
	s15 =	sadd.s32 s1, s8  }
0x52: {  	[tilespmem:s16], [sflag:$0x1] =	stream.linear.gather [hbm4b:s15+s6], $0x400, $0x38;
	[tilespmem:$0x10A00] =	vst v63  }
0x53: {  	s13 =	simm.s32 $0xA600;
	s8 =	sadd.s32 s2, s8  }
0x54: {  	[tilespmem:s13], [sflag:$0x3] =	stream.linear.gather [hbm4b:s8+s6], $0x400, $0x38;
	[tilespmem:$0x10A00] =	vst v63  }
0x55: {  	s8 =	sand.u32 $0x1FFFFF80, s14;
	s14 =	spop (v2sf);
	(v2sf) =	vpush v8, $0xE  }
0x56: {  	s16 =	simm.s32 $0x2A00;
	s15 =	sadd.s32 s1, s8  }
0x57: {  	[tilespmem:s16], [sflag:$0x1] =	stream.linear.gather [hbm4b:s15+s6], $0x400, $0x38;
	[tilespmem:$0x10A00] =	vst v63  }
0x58: {  	s13 =	simm.s32 $0xAA00;
	s8 =	sadd.s32 s2, s8  }
0x59: {  	[tilespmem:s13], [sflag:$0x3] =	stream.linear.gather [hbm4b:s8+s6], $0x400, $0x38;
	[tilespmem:$0x10A00] =	vst v63  }
0x5a: {  	s8 =	sand.u32 $0x1FFFFF80, s14  }
0x5b: {  	s16 =	simm.s32 $0x2E00;
	s15 =	sadd.s32 s1, s8  }
0x5c: {  	[tilespmem:s16], [sflag:$0x1] =	stream.linear.gather [hbm4b:s15+s6], $0x400, $0x38;
	[tilespmem:$0x10A00] =	vst v63  }
0x5d: {  	s13 =	simm.s32 $0xAE00;
	s8 =	sadd.s32 s2, s8;
	s14 =	spop (v2sf);
	(v2sf) =	vpush v8, $0xF  }
0x5e: {  	[tilespmem:s13], [sflag:$0x3] =	stream.linear.gather [hbm4b:s8+s6], $0x400, $0x38;
	[tilespmem:$0x10A00] =	vst v63  }
0x5f: {  	s8 =	sand.u32 $0x1FFFFF80, s14  }
0x60: {  	s16 =	simm.s32 $0x3200;
	s13 =	spop (v2sf);
	s15 =	sadd.s32 s1, s8  }
0x61: {  	[tilespmem:s16], [sflag:$0x1] =	stream.linear.gather [hbm4b:s15+s6], $0x400, $0x38;
	[tilespmem:$0x10A00] =	vst v63  }
0x62: {  	s14 =	simm.s32 $0xB200;
	s8 =	sadd.s32 s2, s8;
	s15 =	sand.u32 $0x1FFFFF80, s13  }
0x63: {  	[tilespmem:s14], [sflag:$0x3] =	stream.linear.gather [hbm4b:s8+s6], $0x400, $0x38;
	[tilespmem:$0x10A00] =	vst v63  }
0x64: {  	s16 =	simm.s32 $0x3600;
	s9 =	sadd.s32 s1, s15;
	s13 =	spop (v2sf)  }
0x65: {  	[tilespmem:s16], [sflag:$0x1] =	stream.linear.gather [hbm4b:s9+s6], $0x400, $0x38;
	[tilespmem:$0x10A00] =	vst v63  }
0x66: {  	s8 =	sadd.s32 s2, s15;
	s14 =	simm.s32 $0xB600;
	s15 =	sand.u32 $0x1FFFFF80, s13  }
0x67: {  	[tilespmem:s14], [sflag:$0x3] =	stream.linear.gather [hbm4b:s8+s6], $0x400, $0x38;
	[tilespmem:$0x10A00] =	vst v63  }
0x68: {  	s9 =	sadd.s32 s1, s15;
	s16 =	simm.s32 $0x3A00  }
0x69: {  	[tilespmem:s16], [sflag:$0x1] =	stream.linear.gather [hbm4b:s9+s6], $0x400, $0x38;
	[tilespmem:$0x10A00] =	vst v63  }
0x6a: {  	s10 =	simm.s32 $0xBA00;
	s8 =	sadd.s32 s2, s15  }
0x6b: {  	[tilespmem:s10], [sflag:$0x3] =	stream.linear.gather [hbm4b:s8+s6], $0x400, $0x38;
	[tilespmem:$0x10A00] =	vst v63  }
0x6c: {  	s13 =	spop (v2sf)  }
0x6d: {  	s8 =	sand.u32 $0x1FFFFF80, s13  }
.Ltmp2:
0x6e: {  	s15 =	simm.s32 $0x3E00;
	s14 =	sadd.s32 s1, s8;
	(pc) =	sbr.rel .LBB2_2-.Ltmp2, $4  }
0x6f: {  	[tilespmem:s15], [sflag:$0x1] =	stream.linear.gather [hbm4b:s14+s6], $0x400, $0x38;
	[tilespmem:$0x10A00] =	vst v63  }
0x70: {  	s16 =	simm.s32 $0xBE00;
	s8 =	sadd.s32 s2, s8  }
0x71: {  	[tilespmem:s16], [sflag:$0x3] =	stream.linear.gather [hbm4b:s8+s6], $0x400, $0x38;
	[tilespmem:$0x10A00] =	vst v63  }
0x72: {  	s9 =	simm.s32 $0x1;
	s10 =	simm.s32 $0x0;
	s8 =	simm.s32 $0x10  }
.LBB2_4:
0x73: {  	_ =	swait.ge [sflag:s0], $0x4000  }
0x74: {  	[sflag:s0] =	ssyncset.done $0x0  }
0x75: {  	[sflag:s0] =	ssyncadd.s32 $0xFFFFC000  }
0x76: {  	_ =	swait.ge [sflag:s4], $0x4000  }
0x77: {  	[sflag:s4] =	ssyncset.done $0x0  }
0x78: {  	[sflag:s4] =	ssyncadd.s32 $0xFFFFC000  }
0x79: {  	v8 =	vld [tilespmem:s8+$0x0];
	_ =	sdelay $0x4  }
0x7a: {  	v8 =	vand.u32 $0x7F, v8  }
0x7b: {  	v9 =	vor.u32 v0, v8;
	_ =	sdelay $0x4  }
0x7c: {  	v10 =	vld.idx.msk [tilespmem:v9+s20+$0x0], $0xffff;
	_ =	sdelay $0x2  }
0x7d: {  	s13 =	sand.u32 $0x7, s9  }
0x7e: {  	s14 =	sshll.u32 s13, $0x4  }
0x7f: {  	[tilespmem:s14+$0x10200] =	vst v10  }
0x80: {  	v9 =	vld.idx.msk [tilespmem:v9+s21+$0x0], $0xffff  }
0x81: {  	v58 =	vor.u32 v1, v8;
	_ =	sdelay $0x3  }
0x82: {  	[tilespmem:s14+$0x10600] =	vst v9  }
0x83: {  	v9 =	vld.idx.msk [tilespmem:v58+s20+$0x0], $0xffff;
	_ =	sdelay $0x4  }
0x84: {  	[tilespmem:s14+$0x10280] =	vst v9  }
0x85: {  	v9 =	vld.idx.msk [tilespmem:v58+s21+$0x0], $0xffff  }
0x86: {  	v59 =	vor.u32 v2, v8;
	_ =	sdelay $0x3  }
0x87: {  	[tilespmem:s14+$0x10680] =	vst v9  }
0x88: {  	v9 =	vld.idx.msk [tilespmem:v59+s20+$0x0], $0xffff;
	_ =	sdelay $0x4  }
0x89: {  	[tilespmem:s14+$0x10300] =	vst v9  }
0x8a: {  	v9 =	vld.idx.msk [tilespmem:v59+s21+$0x0], $0xffff  }
0x8b: {  	v60 =	vor.u32 v3, v8;
	_ =	sdelay $0x3  }
0x8c: {  	[tilespmem:s14+$0x10700] =	vst v9  }
0x8d: {  	v9 =	vld.idx.msk [tilespmem:v60+s20+$0x0], $0xffff;
	_ =	sdelay $0x4  }
0x8e: {  	[tilespmem:s14+$0x10380] =	vst v9  }
0x8f: {  	v9 =	vld.idx.msk [tilespmem:v60+s21+$0x0], $0xffff  }
0x90: {  	v61 =	vor.u32 v4, v8;
	_ =	sdelay $0x3  }
0x91: {  	[tilespmem:s14+$0x10780] =	vst v9  }
0x92: {  	v9 =	vld.idx.msk [tilespmem:v61+s20+$0x0], $0xffff;
	_ =	sdelay $0x4  }
0x93: {  	[tilespmem:s14+$0x10400] =	vst v9  }
0x94: {  	v9 =	vld.idx.msk [tilespmem:v61+s21+$0x0], $0xffff  }
0x95: {  	v62 =	vor.u32 v5, v8;
	_ =	sdelay $0x3  }
0x96: {  	[tilespmem:s14+$0x10800] =	vst v9  }
0x97: {  	v9 =	vld.idx.msk [tilespmem:v62+s20+$0x0], $0xffff;
	_ =	sdelay $0x4  }
0x98: {  	[tilespmem:s14+$0x10480] =	vst v9  }
0x99: {  	v9 =	vld.idx.msk [tilespmem:v62+s21+$0x0], $0xffff  }
0x9a: {  	v63 =	vor.u32 v6, v8;
	_ =	sdelay $0x3  }
0x9b: {  	[tilespmem:s14+$0x10880] =	vst v9  }
0x9c: {  	v9 =	vld.idx.msk [tilespmem:v63+s20+$0x0], $0xffff;
	_ =	sdelay $0x4  }
0x9d: {  	[tilespmem:s14+$0x10500] =	vst v9  }
0x9e: {  	v9 =	vld.idx.msk [tilespmem:v63+s21+$0x0], $0xffff  }
0x9f: {  	v8 =	vor.u32 v7, v8;
	_ =	sdelay $0x3  }
0xa0: {  	[tilespmem:s14+$0x10900] =	vst v9  }
0xa1: {  	v9 =	vld.idx.msk [tilespmem:v8+s20+$0x0], $0xffff;
	_ =	sdelay $0x4  }
0xa2: {  	[tilespmem:s14+$0x10580] =	vst v9  }
0xa3: {  	v8 =	vld.idx.msk [tilespmem:v8+s21+$0x0], $0xffff;
	_ =	sdelay $0x2  }
0xa4: {  	p0 =	sne.s32 s13, $0x7  }
0xa5: {  	s13 =	sand.u32 @!p0 $0x180, s10  }
0xa6: {  	s13 =	sor.u32 @!p0 s7, s13;
	[tilespmem:s14+$0x10980] =	vst v8;
	s14 =	rddreg [dreg:$0x3]  }
0xa7: {  	s15 =	simm.s32 @!p0 $0x0;
	s16 =	simm.s32 @!p0 $0x10200;
	s14 =	sadd.s32 @!p0 s14, s13  }
0xa8: {  	[hbm4b:s14+s15] =	stream.linear.scatter @!p0 [tilespmem:s16], [sflag:$0x6], $0x400, $0x38;
	[tilespmem:$0x10A00] =	vst v63  }
0xa9: {  	s14 =	simm.s32 @!p0 $0x6  }
0xaa: {  	_ =	swait.ge @!p0 [sflag:s14], $0x400  }
0xab: {  	[sflag:s14] =	ssyncset.done @!p0 $0x0  }
0xac: {  	[sflag:s14] =	ssyncadd.s32 @!p0 $0xFFFFFC00  }
0xad: {  	s10 =	sadd.s32 $0x20, s10;
	s14 =	rddreg [dreg:$0x4]  }
0xae: {  	p1 =	sne.s32 s10, $0x200;
	s13 =	sadd.s32 @!p0 s14, s13;
	s14 =	simm.s32 @!p0 $0x10600  }
0xaf: {  	[hbm4b:s13+s15] =	stream.linear.scatter @!p0 [tilespmem:s14], [sflag:$0x5], $0x400, $0x38;
	[tilespmem:$0x10A00] =	vst v63  }
.Ltmp3:
0xb0: {  	_ = 	snop;
	(pc) =	sbr.rel @!p1 .LBB2_5-.Ltmp3, $4  }
0xb1: {  	s13 =	simm.s32 @!p0 $0x5  }
0xb2: {  	_ =	swait.ge @!p0 [sflag:s13], $0x400  }
0xb3: {  	[sflag:s13] =	ssyncset.done @!p0 $0x0  }
0xb4: {  	s9 =	sadd.s32 $0x2, s9;
	s8 =	sadd.s32 $0x20, s8;
	[sflag:s13] =	ssyncadd.s32 @!p0 $0xFFFFFC00  }
.LBB2_2:
0xb5: {  	v8 =	vld [tilespmem:s8+$0x0];
	_ =	sdelay $0x4  }
0xb6: {  	v8 =	vshrl.u32 v8, $0x7  }
0xb7: {  	v8 =	vshll.u32 v8, $0x7  }
0xb8: {  	(v2sf) =	vpush v8, $0x0;
	_ =	sdelay $0x3  }
0xb9: {  	(v2sf) =	vpush v8, $0x1;
	_ =	sdelay $0x2  }
0xba: {  	(v2sf) =	vpush v8, $0x2;
	_ =	sdelay $0x7  }
0xbb: {  	s13 =	spop (v2sf)  }
0xbc: {  	(v2sf) =	vpush v8, $0x3;
	s13 =	sand.u32 $0x1FFFFF80, s13  }
0xbd: {  	s14 =	sadd.s32 s1, s13  }
0xbe: {  	[tilespmem:s20], [sflag:$0x2] =	stream.linear.gather [hbm4b:s14+s6], $0x400, $0x38;
	[tilespmem:$0x10A00] =	vst v63  }
0xbf: {  	s15 =	spop (v2sf);
	s13 =	sadd.s32 s2, s13  }
0xc0: {  	(v2sf) =	vpush v8, $0x4;
	[tilespmem:s21], [sflag:$0x4] =	stream.linear.gather [hbm4b:s13+s6], $0x400, $0x38;
	[tilespmem:$0x10A00] =	vst v63  }
0xc1: {  	s13 =	sand.u32 $0x1FFFFF80, s15  }
0xc2: {  	s14 =	spop (v2sf);
	s15 =	simm.s32 $0x4600;
	s16 =	sadd.s32 s1, s13  }
0xc3: {  	(v2sf) =	vpush v8, $0x5;
	[tilespmem:s15], [sflag:$0x2] =	stream.linear.gather [hbm4b:s16+s6], $0x400, $0x38;
	[tilespmem:$0x10A00] =	vst v63  }
0xc4: {  	s13 =	sadd.s32 s2, s13;
	s16 =	simm.s32 $0xC600  }
0xc5: {  	[tilespmem:s16], [sflag:$0x4] =	stream.linear.gather [hbm4b:s13+s6], $0x400, $0x38;
	[tilespmem:$0x10A00] =	vst v63  }
0xc6: {  	s13 =	sand.u32 $0x1FFFFF80, s14  }
0xc7: {  	s16 =	simm.s32 $0x4A00;
	s15 =	sadd.s32 s1, s13  }
0xc8: {  	[tilespmem:s16], [sflag:$0x2] =	stream.linear.gather [hbm4b:s15+s6], $0x400, $0x38;
	[tilespmem:$0x10A00] =	vst v63  }
0xc9: {  	s13 =	sadd.s32 s2, s13;
	s16 =	simm.s32 $0xCA00  }
0xca: {  	[tilespmem:s16], [sflag:$0x4] =	stream.linear.gather [hbm4b:s13+s6], $0x400, $0x38;
	[tilespmem:$0x10A00] =	vst v63  }
0xcb: {  	s14 =	spop (v2sf)  }
0xcc: {  	(v2sf) =	vpush v8, $0x6;
	s13 =	sand.u32 $0x1FFFFF80, s14  }
0xcd: {  	s16 =	simm.s32 $0x4E00;
	s15 =	sadd.s32 s1, s13  }
0xce: {  	[tilespmem:s16], [sflag:$0x2] =	stream.linear.gather [hbm4b:s15+s6], $0x400, $0x38;
	[tilespmem:$0x10A00] =	vst v63  }
0xcf: {  	s14 =	spop (v2sf);
	s13 =	sadd.s32 s2, s13;
	s16 =	simm.s32 $0xCE00  }
0xd0: {  	(v2sf) =	vpush v8, $0x7;
	[tilespmem:s16], [sflag:$0x4] =	stream.linear.gather [hbm4b:s13+s6], $0x400, $0x38;
	[tilespmem:$0x10A00] =	vst v63  }
0xd1: {  	s13 =	sand.u32 $0x1FFFFF80, s14  }
0xd2: {  	s16 =	simm.s32 $0x5200;
	s14 =	spop (v2sf);
	s15 =	sadd.s32 s1, s13  }
0xd3: {  	(v2sf) =	vpush v8, $0x8;
	[tilespmem:s16], [sflag:$0x2] =	stream.linear.gather [hbm4b:s15+s6], $0x400, $0x38;
	[tilespmem:$0x10A00] =	vst v63  }
0xd4: {  	s13 =	sadd.s32 s2, s13;
	s16 =	simm.s32 $0xD200  }
0xd5: {  	[tilespmem:s16], [sflag:$0x4] =	stream.linear.gather [hbm4b:s13+s6], $0x400, $0x38;
	[tilespmem:$0x10A00] =	vst v63  }
0xd6: {  	s13 =	sand.u32 $0x1FFFFF80, s14  }
0xd7: {  	s16 =	simm.s32 $0x5600;
	s15 =	sadd.s32 s1, s13  }
0xd8: {  	[tilespmem:s16], [sflag:$0x2] =	stream.linear.gather [hbm4b:s15+s6], $0x400, $0x38;
	[tilespmem:$0x10A00] =	vst v63  }
0xd9: {  	s13 =	sadd.s32 s2, s13;
	s16 =	simm.s32 $0xD600  }
0xda: {  	[tilespmem:s16], [sflag:$0x4] =	stream.linear.gather [hbm4b:s13+s6], $0x400, $0x38;
	[tilespmem:$0x10A00] =	vst v63  }
0xdb: {  	s14 =	spop (v2sf)  }
0xdc: {  	(v2sf) =	vpush v8, $0x9;
	s13 =	sand.u32 $0x1FFFFF80, s14  }
0xdd: {  	s16 =	simm.s32 $0x5A00;
	s15 =	sadd.s32 s1, s13  }
0xde: {  	[tilespmem:s16], [sflag:$0x2] =	stream.linear.gather [hbm4b:s15+s6], $0x400, $0x38;
	[tilespmem:$0x10A00] =	vst v63  }
0xdf: {  	s14 =	spop (v2sf);
	s13 =	sadd.s32 s2, s13;
	s16 =	simm.s32 $0xDA00  }
0xe0: {  	(v2sf) =	vpush v8, $0xA;
	[tilespmem:s16], [sflag:$0x4] =	stream.linear.gather [hbm4b:s13+s6], $0x400, $0x38;
	[tilespmem:$0x10A00] =	vst v63  }
0xe1: {  	s13 =	sand.u32 $0x1FFFFF80, s14  }
0xe2: {  	s16 =	simm.s32 $0x5E00;
	s14 =	spop (v2sf);
	s15 =	sadd.s32 s1, s13  }
0xe3: {  	(v2sf) =	vpush v8, $0xB;
	[tilespmem:s16], [sflag:$0x2] =	stream.linear.gather [hbm4b:s15+s6], $0x400, $0x38;
	[tilespmem:$0x10A00] =	vst v63  }
0xe4: {  	s13 =	sadd.s32 s2, s13;
	s16 =	simm.s32 $0xDE00  }
0xe5: {  	[tilespmem:s16], [sflag:$0x4] =	stream.linear.gather [hbm4b:s13+s6], $0x400, $0x38;
	[tilespmem:$0x10A00] =	vst v63  }
0xe6: {  	s13 =	sand.u32 $0x1FFFFF80, s14  }
0xe7: {  	s16 =	simm.s32 $0x6200;
	s15 =	sadd.s32 s1, s13  }
0xe8: {  	[tilespmem:s16], [sflag:$0x2] =	stream.linear.gather [hbm4b:s15+s6], $0x400, $0x38;
	[tilespmem:$0x10A00] =	vst v63  }
0xe9: {  	s13 =	sadd.s32 s2, s13;
	s16 =	simm.s32 $0xE200  }
0xea: {  	[tilespmem:s16], [sflag:$0x4] =	stream.linear.gather [hbm4b:s13+s6], $0x400, $0x38;
	[tilespmem:$0x10A00] =	vst v63  }
0xeb: {  	s14 =	spop (v2sf)  }
0xec: {  	(v2sf) =	vpush v8, $0xC;
	s13 =	sand.u32 $0x1FFFFF80, s14  }
0xed: {  	s16 =	simm.s32 $0x6600;
	s15 =	sadd.s32 s1, s13  }
0xee: {  	[tilespmem:s16], [sflag:$0x2] =	stream.linear.gather [hbm4b:s15+s6], $0x400, $0x38;
	[tilespmem:$0x10A00] =	vst v63  }
0xef: {  	s13 =	sadd.s32 s2, s13;
	s16 =	simm.s32 $0xE600;
	s15 =	spop (v2sf)  }
0xf0: {  	(v2sf) =	vpush v8, $0xD;
	[tilespmem:s16], [sflag:$0x4] =	stream.linear.gather [hbm4b:s13+s6], $0x400, $0x38;
	[tilespmem:$0x10A00] =	vst v63  }
0xf1: {  	s13 =	sand.u32 $0x1FFFFF80, s15  }
0xf2: {  	s15 =	spop (v2sf);
	s16 =	sadd.s32 s1, s13  }
0xf3: {  	(v2sf) =	vpush v8, $0xE;
	[tilespmem:s17], [sflag:$0x2] =	stream.linear.gather [hbm4b:s16+s6], $0x400, $0x38;
	[tilespmem:$0x10A00] =	vst v63  }
0xf4: {  	s13 =	sadd.s32 s2, s13  }
0xf5: {  	[tilespmem:s18], [sflag:$0x4] =	stream.linear.gather [hbm4b:s13+s6], $0x400, $0x38;
	[tilespmem:$0x10A00] =	vst v63  }
0xf6: {  	s13 =	sand.u32 $0x1FFFFF80, s15  }
0xf7: {  	s16 =	sadd.s32 s1, s13  }
0xf8: {  	[tilespmem:s19], [sflag:$0x2] =	stream.linear.gather [hbm4b:s16+s6], $0x400, $0x38;
	[tilespmem:$0x10A00] =	vst v63  }
0xf9: {  	s13 =	sadd.s32 s2, s13  }
0xfa: {  	[tilespmem:s3], [sflag:$0x4] =	stream.linear.gather [hbm4b:s13+s6], $0x400, $0x38;
	[tilespmem:$0x10A00] =	vst v63  }
0xfb: {  	s15 =	spop (v2sf);
	(v2sf) =	vpush v8, $0xF  }
0xfc: {  	s13 =	sand.u32 $0x1FFFFF80, s15  }
0xfd: {  	s16 =	sadd.s32 s1, s13  }
0xfe: {  	[tilespmem:s5], [sflag:$0x2] =	stream.linear.gather [hbm4b:s16+s6], $0x400, $0x38;
	[tilespmem:$0x10A00] =	vst v63  }
0xff: {  	s15 =	spop (v2sf)  }
0x100: {  	s13 =	sadd.s32 s2, s13;
	s16 =	sand.u32 $0x1FFFFF80, s15  }
0x101: {  	[tilespmem:s22], [sflag:$0x4] =	stream.linear.gather [hbm4b:s13+s6], $0x400, $0x38;
	[tilespmem:$0x10A00] =	vst v63  }
0x102: {  	s14 =	sadd.s32 s1, s16;
	s15 =	spop (v2sf)  }
0x103: {  	[tilespmem:s23], [sflag:$0x2] =	stream.linear.gather [hbm4b:s14+s6], $0x400, $0x38;
	[tilespmem:$0x10A00] =	vst v63  }
0x104: {  	s13 =	sadd.s32 s2, s16;
	s16 =	sand.u32 $0x1FFFFF80, s15  }
0x105: {  	[tilespmem:s24], [sflag:$0x4] =	stream.linear.gather [hbm4b:s13+s6], $0x400, $0x38;
	[tilespmem:$0x10A00] =	vst v63  }
0x106: {  	s14 =	sadd.s32 s1, s16  }
0x107: {  	[tilespmem:s25], [sflag:$0x2] =	stream.linear.gather [hbm4b:s14+s6], $0x400, $0x38;
	[tilespmem:$0x10A00] =	vst v63  }
0x108: {  	s13 =	sadd.s32 s2, s16  }
0x109: {  	[tilespmem:s26], [sflag:$0x4] =	stream.linear.gather [hbm4b:s13+s6], $0x400, $0x38;
	[tilespmem:$0x10A00] =	vst v63  }
0x10a: {  	s14 =	spop (v2sf)  }
0x10b: {  	s13 =	sand.u32 $0x1FFFFF80, s14  }
0x10c: {  	s15 =	sadd.s32 s1, s13  }
0x10d: {  	[tilespmem:s28], [sflag:$0x2] =	stream.linear.gather [hbm4b:s15+s6], $0x400, $0x38;
	[tilespmem:$0x10A00] =	vst v63  }
0x10e: {  	s13 =	sadd.s32 s2, s13  }
0x10f: {  	[tilespmem:s29], [sflag:$0x4] =	stream.linear.gather [hbm4b:s13+s6], $0x400, $0x38;
	[tilespmem:$0x10A00] =	vst v63  }
0x110: {  	_ =	swait.ge [sflag:s30], $0x4000  }
0x111: {  	[sflag:s30] =	ssyncset.done $0x0  }
0x112: {  	[sflag:s30] =	ssyncadd.s32 $0xFFFFC000  }
0x113: {  	_ =	swait.ge [sflag:s31], $0x4000  }
0x114: {  	[sflag:s31] =	ssyncset.done $0x0  }
0x115: {  	[sflag:s31] =	ssyncadd.s32 $0xFFFFC000  }
0x116: {  	v8 =	vld [tilespmem:s8+$0xFFFFFFF0];
	_ =	sdelay $0x4  }
0x117: {  	v8 =	vand.u32 $0x7F, v8  }
0x118: {  	v9 =	vor.u32 v0, v8;
	_ =	sdelay $0x4  }
0x119: {  	v10 =	vld.idx.msk [tilespmem:v9+s11+$0x0], $0xffff;
	_ =	sdelay $0x3  }
0x11a: {  	s16 =	sand.u32 $0x60, s10  }
0x11b: {  	[tilespmem:s16+$0x10200] =	vst v10  }
0x11c: {  	v9 =	vld.idx.msk [tilespmem:v9+s12+$0x0], $0xffff  }
0x11d: {  	v58 =	vor.u32 v1, v8;
	_ =	sdelay $0x3  }
0x11e: {  	[tilespmem:s16+$0x10600] =	vst v9  }
0x11f: {  	v9 =	vld.idx.msk [tilespmem:v58+s11+$0x0], $0xffff;
	_ =	sdelay $0x4  }
0x120: {  	[tilespmem:s16+$0x10280] =	vst v9  }
0x121: {  	v9 =	vld.idx.msk [tilespmem:v58+s12+$0x0], $0xffff  }
0x122: {  	v59 =	vor.u32 v2, v8;
	_ =	sdelay $0x3  }
0x123: {  	[tilespmem:s16+$0x10680] =	vst v9  }
0x124: {  	v9 =	vld.idx.msk [tilespmem:v59+s11+$0x0], $0xffff;
	_ =	sdelay $0x4  }
0x125: {  	[tilespmem:s16+$0x10300] =	vst v9  }
0x126: {  	v9 =	vld.idx.msk [tilespmem:v59+s12+$0x0], $0xffff  }
0x127: {  	v60 =	vor.u32 v3, v8;
	_ =	sdelay $0x3  }
0x128: {  	[tilespmem:s16+$0x10700] =	vst v9  }
0x129: {  	v9 =	vld.idx.msk [tilespmem:v60+s11+$0x0], $0xffff;
	_ =	sdelay $0x3  }
0x12a: {  	s15 =	sor.u32 $0x180, s10  }
0x12b: {  	[tilespmem:s15+$0x10200] =	vst v9  }
0x12c: {  	v9 =	vld.idx.msk [tilespmem:v60+s12+$0x0], $0xffff  }
0x12d: {  	v61 =	vor.u32 v4, v8;
	_ =	sdelay $0x3  }
0x12e: {  	[tilespmem:s15+$0x10600] =	vst v9  }
0x12f: {  	v9 =	vld.idx.msk [tilespmem:v61+s11+$0x0], $0xffff;
	_ =	sdelay $0x4  }
0x130: {  	[tilespmem:s16+$0x10400] =	vst v9  }
0x131: {  	v9 =	vld.idx.msk [tilespmem:v61+s12+$0x0], $0xffff  }
0x132: {  	v62 =	vor.u32 v5, v8;
	_ =	sdelay $0x3  }
0x133: {  	[tilespmem:s16+$0x10800] =	vst v9  }
0x134: {  	v9 =	vld.idx.msk [tilespmem:v62+s11+$0x0], $0xffff;
	_ =	sdelay $0x4  }
0x135: {  	[tilespmem:s16+$0x10480] =	vst v9  }
0x136: {  	v9 =	vld.idx.msk [tilespmem:v62+s12+$0x0], $0xffff  }
0x137: {  	v63 =	vor.u32 v6, v8;
	_ =	sdelay $0x3  }
0x138: {  	[tilespmem:s16+$0x10880] =	vst v9  }
0x139: {  	v9 =	vld.idx.msk [tilespmem:v63+s11+$0x0], $0xffff;
	_ =	sdelay $0x4  }
0x13a: {  	[tilespmem:s16+$0x10500] =	vst v9  }
0x13b: {  	v9 =	vld.idx.msk [tilespmem:v63+s12+$0x0], $0xffff  }
0x13c: {  	v8 =	vor.u32 v7, v8;
	_ =	sdelay $0x3  }
0x13d: {  	[tilespmem:s16+$0x10900] =	vst v9  }
0x13e: {  	v9 =	vld.idx.msk [tilespmem:v8+s11+$0x0], $0xffff;
	_ =	sdelay $0x3  }
0x13f: {  	s16 =	sor.u32 $0x380, s10  }
0x140: {  	[tilespmem:s16+$0x10200] =	vst v9  }
0x141: {  	p0 =	seq.s32 s10, $0x1E0;
	v8 =	vld.idx.msk [tilespmem:v8+s12+$0x0], $0xffff  }
.Ltmp4:
0x142: {  	_ = 	snop;
	(pc) =	sbr.rel @p0 .LBB2_4-.Ltmp4, $2  }
0x143: {  	_ =	sdelay $0x2  }
0x144: {  	[tilespmem:s16+$0x10600] =	vst v8  }
0x145: {  	v8 =	vld [tilespmem:s8+$0x10];
	_ =	sdelay $0x4  }
0x146: {  	v8 =	vshrl.u32 v8, $0x7  }
0x147: {  	v8 =	vshll.u32 v8, $0x7  }
0x148: {  	(v2sf) =	vpush v8, $0x0;
	_ =	sdelay $0x3  }
0x149: {  	(v2sf) =	vpush v8, $0x1;
	_ =	sdelay $0x4  }
0x14a: {  	(v2sf) =	vpush v8, $0x2;
	_ =	sdelay $0x5  }
0x14b: {  	s13 =	spop (v2sf)  }
0x14c: {  	(v2sf) =	vpush v8, $0x3;
	s13 =	sand.u32 $0x1FFFFF80, s13  }
0x14d: {  	s14 =	sadd.s32 s1, s13  }
0x14e: {  	[tilespmem:s11], [sflag:$0x1] =	stream.linear.gather [hbm4b:s14+s6], $0x400, $0x38;
	[tilespmem:$0x10A00] =	vst v63  }
0x14f: {  	s15 =	spop (v2sf);
	s13 =	sadd.s32 s2, s13  }
0x150: {  	(v2sf) =	vpush v8, $0x4;
	[tilespmem:s12], [sflag:$0x3] =	stream.linear.gather [hbm4b:s13+s6], $0x400, $0x38;
	[tilespmem:$0x10A00] =	vst v63  }
0x151: {  	s13 =	sand.u32 $0x1FFFFF80, s15  }
0x152: {  	s15 =	simm.s32 $0x600;
	s16 =	sadd.s32 s1, s13  }
0x153: {  	[tilespmem:s15], [sflag:$0x1] =	stream.linear.gather [hbm4b:s16+s6], $0x400, $0x38;
	[tilespmem:$0x10A00] =	vst v63  }
0x154: {  	s14 =	spop (v2sf);
	s13 =	sadd.s32 s2, s13;
	s16 =	simm.s32 $0x8600  }
0x155: {  	(v2sf) =	vpush v8, $0x5;
	[tilespmem:s16], [sflag:$0x3] =	stream.linear.gather [hbm4b:s13+s6], $0x400, $0x38;
	[tilespmem:$0x10A00] =	vst v63  }
0x156: {  	s13 =	sand.u32 $0x1FFFFF80, s14  }
0x157: {  	s16 =	simm.s32 $0xA00;
	s15 =	sadd.s32 s1, s13  }
0x158: {  	[tilespmem:s16], [sflag:$0x1] =	stream.linear.gather [hbm4b:s15+s6], $0x400, $0x38;
	[tilespmem:$0x10A00] =	vst v63  }
0x159: {  	s13 =	sadd.s32 s2, s13;
	s16 =	simm.s32 $0x8A00  }
0x15a: {  	[tilespmem:s16], [sflag:$0x3] =	stream.linear.gather [hbm4b:s13+s6], $0x400, $0x38;
	[tilespmem:$0x10A00] =	vst v63  }
0x15b: {  	s14 =	spop (v2sf)  }
0x15c: {  	(v2sf) =	vpush v8, $0x6;
	s13 =	sand.u32 $0x1FFFFF80, s14  }
0x15d: {  	s16 =	simm.s32 $0xE00;
	s15 =	sadd.s32 s1, s13  }
0x15e: {  	[tilespmem:s16], [sflag:$0x1] =	stream.linear.gather [hbm4b:s15+s6], $0x400, $0x38;
	[tilespmem:$0x10A00] =	vst v63  }
0x15f: {  	s14 =	spop (v2sf);
	s13 =	sadd.s32 s2, s13;
	s16 =	simm.s32 $0x8E00  }
0x160: {  	(v2sf) =	vpush v8, $0x7;
	[tilespmem:s16], [sflag:$0x3] =	stream.linear.gather [hbm4b:s13+s6], $0x400, $0x38;
	[tilespmem:$0x10A00] =	vst v63  }
0x161: {  	s13 =	sand.u32 $0x1FFFFF80, s14  }
0x162: {  	s16 =	simm.s32 $0x1200;
	s15 =	sadd.s32 s1, s13  }
0x163: {  	[tilespmem:s16], [sflag:$0x1] =	stream.linear.gather [hbm4b:s15+s6], $0x400, $0x38;
	[tilespmem:$0x10A00] =	vst v63  }
0x164: {  	s14 =	spop (v2sf);
	s13 =	sadd.s32 s2, s13;
	s16 =	simm.s32 $0x9200  }
0x165: {  	(v2sf) =	vpush v8, $0x8;
	[tilespmem:s16], [sflag:$0x3] =	stream.linear.gather [hbm4b:s13+s6], $0x400, $0x38;
	[tilespmem:$0x10A00] =	vst v63  }
0x166: {  	s13 =	sand.u32 $0x1FFFFF80, s14  }
0x167: {  	s16 =	simm.s32 $0x1600;
	s15 =	sadd.s32 s1, s13  }
0x168: {  	[tilespmem:s16], [sflag:$0x1] =	stream.linear.gather [hbm4b:s15+s6], $0x400, $0x38;
	[tilespmem:$0x10A00] =	vst v63  }
0x169: {  	s13 =	sadd.s32 s2, s13;
	s16 =	simm.s32 $0x9600  }
0x16a: {  	[tilespmem:s16], [sflag:$0x3] =	stream.linear.gather [hbm4b:s13+s6], $0x400, $0x38;
	[tilespmem:$0x10A00] =	vst v63  }
0x16b: {  	s14 =	spop (v2sf)  }
0x16c: {  	(v2sf) =	vpush v8, $0x9;
	s13 =	sand.u32 $0x1FFFFF80, s14  }
0x16d: {  	s16 =	simm.s32 $0x1A00;
	s15 =	sadd.s32 s1, s13  }
0x16e: {  	[tilespmem:s16], [sflag:$0x1] =	stream.linear.gather [hbm4b:s15+s6], $0x400, $0x38;
	[tilespmem:$0x10A00] =	vst v63  }
0x16f: {  	s14 =	spop (v2sf);
	s13 =	sadd.s32 s2, s13;
	s16 =	simm.s32 $0x9A00  }
0x170: {  	(v2sf) =	vpush v8, $0xA;
	[tilespmem:s16], [sflag:$0x3] =	stream.linear.gather [hbm4b:s13+s6], $0x400, $0x38;
	[tilespmem:$0x10A00] =	vst v63  }
0x171: {  	s13 =	sand.u32 $0x1FFFFF80, s14  }
0x172: {  	s16 =	simm.s32 $0x1E00;
	s15 =	sadd.s32 s1, s13  }
0x173: {  	[tilespmem:s16], [sflag:$0x1] =	stream.linear.gather [hbm4b:s15+s6], $0x400, $0x38;
	[tilespmem:$0x10A00] =	vst v63  }
0x174: {  	s14 =	spop (v2sf);
	s13 =	sadd.s32 s2, s13;
	s16 =	simm.s32 $0x9E00  }
0x175: {  	(v2sf) =	vpush v8, $0xB;
	[tilespmem:s16], [sflag:$0x3] =	stream.linear.gather [hbm4b:s13+s6], $0x400, $0x38;
	[tilespmem:$0x10A00] =	vst v63  }
0x176: {  	s13 =	sand.u32 $0x1FFFFF80, s14  }
0x177: {  	s16 =	simm.s32 $0x2200;
	s15 =	sadd.s32 s1, s13  }
0x178: {  	[tilespmem:s16], [sflag:$0x1] =	stream.linear.gather [hbm4b:s15+s6], $0x400, $0x38;
	[tilespmem:$0x10A00] =	vst v63  }
0x179: {  	s13 =	sadd.s32 s2, s13;
	s16 =	simm.s32 $0xA200  }
0x17a: {  	[tilespmem:s16], [sflag:$0x3] =	stream.linear.gather [hbm4b:s13+s6], $0x400, $0x38;
	[tilespmem:$0x10A00] =	vst v63  }
0x17b: {  	s14 =	spop (v2sf)  }
0x17c: {  	(v2sf) =	vpush v8, $0xC;
	s13 =	sand.u32 $0x1FFFFF80, s14  }
0x17d: {  	s16 =	simm.s32 $0x2600;
	s15 =	sadd.s32 s1, s13  }
0x17e: {  	[tilespmem:s16], [sflag:$0x1] =	stream.linear.gather [hbm4b:s15+s6], $0x400, $0x38;
	[tilespmem:$0x10A00] =	vst v63  }
0x17f: {  	s14 =	spop (v2sf);
	s13 =	sadd.s32 s2, s13;
	s16 =	simm.s32 $0xA600  }
0x180: {  	(v2sf) =	vpush v8, $0xD;
	[tilespmem:s16], [sflag:$0x3] =	stream.linear.gather [hbm4b:s13+s6], $0x400, $0x38;
	[tilespmem:$0x10A00] =	vst v63  }
0x181: {  	s13 =	sand.u32 $0x1FFFFF80, s14  }
0x182: {  	s16 =	simm.s32 $0x2A00;
	s15 =	sadd.s32 s1, s13  }
0x183: {  	[tilespmem:s16], [sflag:$0x1] =	stream.linear.gather [hbm4b:s15+s6], $0x400, $0x38;
	[tilespmem:$0x10A00] =	vst v63  }
0x184: {  	s14 =	spop (v2sf);
	s13 =	sadd.s32 s2, s13;
	s16 =	simm.s32 $0xAA00  }
0x185: {  	(v2sf) =	vpush v8, $0xE;
	[tilespmem:s16], [sflag:$0x3] =	stream.linear.gather [hbm4b:s13+s6], $0x400, $0x38;
	[tilespmem:$0x10A00] =	vst v63  }
0x186: {  	s13 =	sand.u32 $0x1FFFFF80, s14  }
0x187: {  	s16 =	simm.s32 $0x2E00;
	s15 =	sadd.s32 s1, s13  }
0x188: {  	[tilespmem:s16], [sflag:$0x1] =	stream.linear.gather [hbm4b:s15+s6], $0x400, $0x38;
	[tilespmem:$0x10A00] =	vst v63  }
0x189: {  	s13 =	sadd.s32 s2, s13;
	s16 =	simm.s32 $0xAE00  }
0x18a: {  	[tilespmem:s16], [sflag:$0x3] =	stream.linear.gather [hbm4b:s13+s6], $0x400, $0x38;
	[tilespmem:$0x10A00] =	vst v63  }
0x18b: {  	s14 =	spop (v2sf)  }
0x18c: {  	(v2sf) =	vpush v8, $0xF;
	s13 =	sand.u32 $0x1FFFFF80, s14  }
0x18d: {  	s16 =	simm.s32 $0x3200;
	s15 =	sadd.s32 s1, s13  }
0x18e: {  	[tilespmem:s16], [sflag:$0x1] =	stream.linear.gather [hbm4b:s15+s6], $0x400, $0x38;
	[tilespmem:$0x10A00] =	vst v63  }
0x18f: {  	s14 =	spop (v2sf);
	s13 =	sadd.s32 s2, s13;
	s16 =	simm.s32 $0xB200  }
0x190: {  	[tilespmem:s16], [sflag:$0x3] =	stream.linear.gather [hbm4b:s13+s6], $0x400, $0x38;
	[tilespmem:$0x10A00] =	vst v63  }
0x191: {  	s13 =	sand.u32 $0x1FFFFF80, s14  }
0x192: {  	s16 =	simm.s32 $0x3600;
	s14 =	sadd.s32 s1, s13  }
0x193: {  	[tilespmem:s16], [sflag:$0x1] =	stream.linear.gather [hbm4b:s14+s6], $0x400, $0x38;
	[tilespmem:$0x10A00] =	vst v63  }
0x194: {  	s13 =	sadd.s32 s2, s13;
	s14 =	spop (v2sf);
	s16 =	simm.s32 $0xB600  }
0x195: {  	[tilespmem:s16], [sflag:$0x3] =	stream.linear.gather [hbm4b:s13+s6], $0x400, $0x38;
	[tilespmem:$0x10A00] =	vst v63  }
0x196: {  	s13 =	sand.u32 $0x1FFFFF80, s14  }
0x197: {  	s16 =	simm.s32 $0x3A00;
	s14 =	sadd.s32 s1, s13  }
0x198: {  	[tilespmem:s16], [sflag:$0x1] =	stream.linear.gather [hbm4b:s14+s6], $0x400, $0x38;
	[tilespmem:$0x10A00] =	vst v63  }
0x199: {  	s13 =	sadd.s32 s2, s13;
	s16 =	simm.s32 $0xBA00  }
0x19a: {  	[tilespmem:s16], [sflag:$0x3] =	stream.linear.gather [hbm4b:s13+s6], $0x400, $0x38;
	[tilespmem:$0x10A00] =	vst v63  }
0x19b: {  	s14 =	spop (v2sf)  }
.Ltmp5:
0x19c: {  	s13 =	sand.u32 $0x1FFFFF80, s14;
	(pc) =	sbr.rel .LBB2_4-.Ltmp5, $4  }
0x19d: {  	s16 =	simm.s32 $0x3E00;
	s15 =	sadd.s32 s1, s13  }
0x19e: {  	[tilespmem:s16], [sflag:$0x1] =	stream.linear.gather [hbm4b:s15+s6], $0x400, $0x38;
	[tilespmem:$0x10A00] =	vst v63  }
0x19f: {  	s13 =	sadd.s32 s2, s13;
	s16 =	simm.s32 $0xBE00  }
0x1a0: {  	[tilespmem:s16], [sflag:$0x3] =	stream.linear.gather [hbm4b:s13+s6], $0x400, $0x38;
	[tilespmem:$0x10A00] =	vst v63  }
.LBB2_6:
0x1a1: {  	_ =	sfence.sel $0x180000  }
0x1a2: {  	[bflag:$0x0] =	sbarrier.arrive $0xFFFF  }
0x1a3: {  	_ =	strace $0x90000047  }
0x1a4: {  	s0 =	stileid.u32;
	[bflag:$0x2] =	sbarrier.arrive $0xFFFF  }
0x1a5: {  	p0 =	sne.s32 s0, $0x0;
	s0 =	rddreg [dreg:$0x5]  }
0x1a6: {  	s0 =	sadd.s32 @!p0 $0x100000, s0  }
0x1a7: {  	[sflag:s0] =	ssyncadd.tile.s32 @!p0 $0x1;
	_ =	shalt  }
.Lfunc_end2:
_tile_overlayer_lowered:
.L_overlay_start_2:
0x1a8: {  	(tag) =	ssettag $0x2  }
0x1a9: {  	s0 =	rddreg [dreg:$0x0];
	s2 =	stileid.u32  }
0x1aa: {  	s1 =	rddreg [dreg:$0x1];
	p0 =	sne.s32 s2, $0x0  }
0x1ab: {  	s3 =	rddreg [dreg:$0x2];
	[bflag:$0x3] =	sbarrier.arrive $0xFFFF;
	s2 =	simm.s32 @!p0 $0x1C05  }
0x1ac: {  	[timem:s3], [sflag:s2] =	dma.local @!p0 [hbm:s0], s1  }
0x1ad: {  	s0 =	simm.s32 @!p0 $0x5  }
0x1ae: {  	_ =	swait.ge @!p0 [sflag:s0], s1  }
0x1af: {  	s1 =	ssub.s32 @!p0 $0x0, s1;
	[sflag:s0] =	ssyncset.done @!p0 $0x0  }
0x1b0: {  	[sflag:s0] =	ssyncadd.s32 @!p0 s1  }
0x1b1: {  	[bflag:$0x3] =	sbarrier.arrive $0xFFFF  }
0x1b2: {  	_ =	shalt  }

</sc_bundles>
